<compile_context>
chip_gen: v7x
topology: tpu7x:2x2x1
jax: 0.10.2.dev20260603
libtpu: 0.0.44.dev20260713+nightly
codegen_flags: <defaults>
</compile_context>

<pallas_src>
import functools

import jax
import jax.numpy as jnp
from jax import lax
from jax.experimental import pallas as pl
from jax.experimental.pallas import tpu as pltpu
from jax.experimental.pallas import tpu_sc as plsc

N = 10000
E = 320000
EP = E + N
C = 4096
NCH = -2 * (-(EP // C + 1) // 2)
EPAD = NCH * C
NP = 10016
NT = 32
FS = 4
NH4 = N * 4
ND4 = NP * 4
SLOPE = 0.2

_mesh = plsc.VectorSubcoreMesh(
    core_axis_name="c", subcore_axis_name="s", num_cores=2, num_subcores=16)


def _make_sc_gat(H):
    own_stride = NT // H

    @functools.partial(
        pl.kernel,
        mesh=_mesh,
        compiler_params=pltpu.CompilerParams(needs_layout_passes=False),
        out_type=(
            jax.ShapeDtypeStruct((NT * FS, NP), jnp.float32),
            jax.ShapeDtypeStruct((H, NP), jnp.float32),
        ),
        scratch_types=[
            pltpu.VMEM((NP,), jnp.float32),
            pltpu.VMEM((NP,), jnp.float32),
            pltpu.VMEM((N,), jnp.float32),
            pltpu.VMEM((N,), jnp.float32),
            pltpu.VMEM((N,), jnp.float32),
            pltpu.VMEM((N,), jnp.float32),
            pltpu.VMEM((NP,), jnp.float32),
            pltpu.VMEM((NP,), jnp.float32),
            pltpu.VMEM((NP,), jnp.float32),
            pltpu.VMEM((NP,), jnp.float32),
            pltpu.VMEM((NP,), jnp.float32),
            pltpu.VMEM((2 * C,), jnp.int32),
            pltpu.VMEM((2 * C,), jnp.int32),
            pltpu.SemaphoreType.DMA,
            pltpu.SemaphoreType.DMA,
            pltpu.VMEM((16,), jnp.float32),
        ],
    )
    def sc_gat(edge_hbm, sdst_hbm, ssrc_hbm, hsl_hbm, carr_hbm,
               out_hbm, den_hbm,
               sd_tab, ss_tab, h0, h1, h2, h3, o0, o1, o2, o3,
               den_tab, e_buf0, e_buf1, sem0, sem1, c_buf):
        t = lax.axis_index("s") * 2 + lax.axis_index("c")
        head = t // own_stride
        own = (t % own_stride) == 0
        h_tabs = [h0, h1, h2, h3]
        o_tabs = [o0, o1, o2, o3]

        pltpu.sync_copy(sdst_hbm.at[head], sd_tab)
        pltpu.sync_copy(ssrc_hbm.at[head], ss_tab)
        for f in range(FS):
            pltpu.sync_copy(hsl_hbm.at[t * FS + f], h_tabs[f])
        pltpu.sync_copy(carr_hbm.at[head], c_buf)
        cv = c_buf[...]
        ownm = jnp.broadcast_to((t % own_stride).astype(jnp.int32), (16,)) == 0
        zf = jnp.zeros((16,), jnp.float32)

        for fz in range(FS):
            @plsc.parallel_loop(0, NP // 16, unroll=4)
            def zero_out(i, fz=fz):
                o_tabs[fz][pl.ds(i * 16, 16)] = zf

        @plsc.parallel_loop(0, NP // 16, unroll=4)
        def zero_den(i):
            den_tab[pl.ds(i * 16, 16)] = zf

        bufs = ((e_buf0, sem0), (e_buf1, sem1))
        pltpu.async_copy(edge_hbm.at[pl.ds(0, 2 * C)], e_buf0, sem0)
        pltpu.async_copy(edge_hbm.at[pl.ds(2 * C, 2 * C)], e_buf1, sem1)

        def chunk2(g, carry):
            b = g * 2
            for k in range(2):
                e_buf, sem = bufs[k]
                pltpu.make_async_copy(
                    edge_hbm.at[pl.ds(0, 2 * C)], e_buf, sem).wait()

                @plsc.parallel_loop(0, C // 16, unroll=16)
                def edge_block(j):
                    dv = e_buf[pl.ds(j * 16, 16)]
                    sv = e_buf[pl.ds(C + j * 16, 16)]
                    sd = plsc.load_gather(sd_tab, [dv])
                    ss = plsc.load_gather(ss_tab, [sv])
                    z = sd + ss
                    e = jnp.where(z >= 0, z, z * SLOPE) - cv
                    p = jnp.exp(e)
                    for f in range(FS):
                        hf = plsc.load_gather(h_tabs[f], [sv])
                        plsc.addupdate_scatter(o_tabs[f], [dv], p * hf)
                    plsc.addupdate_scatter(den_tab, [dv], p, mask=ownm)

                pltpu.async_copy(
                    edge_hbm.at[pl.ds((b + k + 2) * 2 * C, 2 * C)], e_buf, sem)
            return carry
        lax.fori_loop(0, NCH // 2, chunk2, 0)
        pltpu.make_async_copy(edge_hbm.at[pl.ds(0, 2 * C)], e_buf0, sem0).wait()
        pltpu.make_async_copy(edge_hbm.at[pl.ds(0, 2 * C)], e_buf1, sem1).wait()

        for f in range(FS):
            pltpu.sync_copy(o_tabs[f], out_hbm.at[t * FS + f])

        @pl.when(own)
        def _():
            pltpu.sync_copy(den_tab, den_hbm.at[head])

    return sc_gat


_sc_gat4 = _make_sc_gat(4)
_sc_gat1 = _make_sc_gat(1)


def _tc_in_body(x_ref, w_ref, m_ref, b_ref, h_ref, s_ref, mx_ref):
    h = lax.dot_general(x_ref[...], w_ref[...], (((1,), (1,)), ((), ())),
                        preferred_element_type=jnp.float32)
    h_ref[...] = h
    s = lax.dot_general(h, m_ref[...], (((1,), (0,)), ((), ())),
                        preferred_element_type=jnp.float32) + b_ref[...]
    s_ref[...] = s
    mx_ref[...] = jnp.max(s, axis=0, keepdims=True)


def _tc_in(x, W, M, b):
    k = M.shape[1]
    return pl.pallas_call(
        _tc_in_body,
        out_shape=(jax.ShapeDtypeStruct((N, 128), jnp.float32),
                   jax.ShapeDtypeStruct((N, k), jnp.float32),
                   jax.ShapeDtypeStruct((1, k), jnp.float32)),
    )(x, W, M, b)


def _tc_mid_body(o_ref, dex_ref, w_ref, m_ref, b_ref, h_ref, s_ref, mx_ref):
    xin = o_ref[...] / (dex_ref[...] + 1e-16)
    act = jnp.where(xin > 0, xin, jnp.exp(xin) - 1.0)
    h = lax.dot_general(act, w_ref[...], (((1,), (1,)), ((), ())),
                        preferred_element_type=jnp.float32)
    h_ref[...] = h
    s = lax.dot_general(h, m_ref[...], (((1,), (0,)), ((), ())),
                        preferred_element_type=jnp.float32) + b_ref[...]
    s_ref[...] = s
    mx_ref[...] = jnp.max(s, axis=0, keepdims=True)


def _tc_mid(o, dex, W, M, b):
    k = M.shape[1]
    return pl.pallas_call(
        _tc_mid_body,
        out_shape=(jax.ShapeDtypeStruct((N, 128), jnp.float32),
                   jax.ShapeDtypeStruct((N, k), jnp.float32),
                   jax.ShapeDtypeStruct((1, k), jnp.float32)),
    )(o, dex, W, M, b)


def _tc_out_body(o_ref, dex_ref, y_ref):
    v = o_ref[...] / (dex_ref[...] + 1e-16)
    m = jnp.max(v, axis=1, keepdims=True)
    lse = jnp.log(jnp.sum(jnp.exp(v - m), axis=1, keepdims=True)) + m
    y_ref[...] = v - lse


def _tc_out(o, dex):
    return pl.pallas_call(
        _tc_out_body,
        out_shape=jax.ShapeDtypeStruct((N, 128), jnp.float32),
    )(o, dex)


def _pad_table(sT):
    return jnp.pad(sT, ((0, 0), (0, NP - N)))


def _leaky(v):
    return jnp.where(v >= 0, v, v * SLOPE)


def kernel(x, edge_index, W1, a1_w, a1_b, W2, a2_w, a2_b):
    row = edge_index[0].astype(jnp.int32)
    col = edge_index[1].astype(jnp.int32)
    col = jnp.where(row != col, col, jnp.int32(N))
    loop = jnp.arange(N, dtype=jnp.int32)
    pad_n = EPAD - EP
    src = jnp.concatenate([row, loop, jnp.zeros((pad_n,), jnp.int32)])
    dst = jnp.concatenate([col, loop, jnp.full((pad_n,), N, jnp.int32)])
    edges = jnp.stack([dst.reshape(-1, C), src.reshape(-1, C)],
                      axis=1).reshape(-1)
    edges = jnp.concatenate([edges, jnp.zeros((4 * C,), jnp.int32)])

    H1, F1 = 4, 32
    eye1 = jnp.eye(H1, dtype=jnp.float32)
    M1 = jnp.concatenate([jnp.kron(eye1, a1_w[0, :F1][:, None]),
                          jnp.kron(eye1, a1_w[0, F1:][:, None])], axis=1)
    b1 = jnp.concatenate([jnp.broadcast_to(a1_b, (H1,)),
                          jnp.zeros((H1,), jnp.float32)])[None, :]
    h1, s1, mx1 = _tc_in(x, W1, M1, b1)

    sdst1 = _pad_table(s1[:, :H1].T)
    ssrc1 = _pad_table(s1[:, H1:].T)
    ce1 = _leaky(mx1[0, :H1] + mx1[0, H1:])
    carr1 = jnp.broadcast_to(ce1[:, None], (H1, 16))
    hsl1 = h1.T
    acc1, den1 = _sc_gat4(edges, sdst1, ssrc1, hsl1, carr1)
    o1 = acc1[:, :N].T
    dex1 = jnp.broadcast_to(den1[:, :N].T[:, :, None],
                            (N, H1, 128 // H1)).reshape(N, 128)

    H2, F2 = 1, 128
    M2 = jnp.stack([a2_w[0, :F2], a2_w[0, F2:]], axis=1)
    b2 = jnp.stack([a2_b[0], jnp.float32(0)])[None, :]
    h2, s2, mx2 = _tc_mid(o1, dex1, W2, M2, b2)

    sdst2 = _pad_table(s2[:, :1].T)
    ssrc2 = _pad_table(s2[:, 1:].T)
    ce2 = _leaky(mx2[0, :1] + mx2[0, 1:])
    carr2 = jnp.broadcast_to(ce2[:, None], (H2, 16))
    hsl2 = h2.T
    acc2, den2 = _sc_gat1(edges, sdst2, ssrc2, hsl2, carr2)
    o2 = acc2[:, :N].T
    dex2 = jnp.broadcast_to(den2[0, :N][:, None], (N, 128))

    return _tc_out(o2, dex2)

# --- scband reference (transcript-rebuilt; emitter-appended) ---
"""Pipeline reference for scband-gat-37091337568627 (READ-ONLY COPY).

The authoritative reference and input builder live on the scoring server;
editing this copy changes nothing except your own understanding.
"""

import jax, jax.numpy as jnp
import numpy as np

N_NODES = 10000
N_EDGES = 320000
IN_FEATS = 128
HIDDEN_FEATS = 128
Y_NUM = 128
ALPHA_SLOPE = 0.2
HEADS1 = 4
HEADS2 = 1


def add_remaining_self_loops(edge_index, num_nodes):
    row, col = edge_index[0], edge_index[1]
    mask = row != col
    col = jnp.where(mask, col, jnp.asarray(num_nodes, dtype=edge_index.dtype))
    loop = jnp.arange(num_nodes, dtype=edge_index.dtype)
    row = jnp.concatenate([row, loop])
    col = jnp.concatenate([col, loop])
    return jnp.stack([row, col], axis=0)


def leaky_relu(x, negative_slope):
    return jnp.where(x >= 0, x, negative_slope * x)


def segment_softmax(e, index, num_segments):
    e_max = jax.ops.segment_max(e, index, num_segments=num_segments)
    e_max = jnp.where(jnp.isfinite(e_max), e_max, 0.0)
    e_max = jax.lax.stop_gradient(e_max)
    e_exp = jnp.exp(e - e_max[index])
    denom = jax.ops.segment_sum(e_exp, index, num_segments=num_segments)
    return e_exp / (denom[index] + 1e-16)


def gat_layer(x, edge_index, W, a_w, a_b, num_heads, alpha_slope):
    N = x.shape[0]
    h = x @ W.T  # lin, no bias
    F_out = h.shape[1] // num_heads
    src, dst = edge_index[0], edge_index[1]
    x_j = h[src].reshape(-1, num_heads, F_out)
    x_i = h[dst].reshape(-1, num_heads, F_out)
    e = jnp.concatenate([x_i, x_j], axis=-1) @ a_w.T + a_b  # [E, H, 1]
    e = leaky_relu(e, alpha_slope)
    alpha = segment_softmax(e, dst, N)
    msg = (x_j * alpha).reshape(x_j.shape[0], -1)
    out = jax.ops.segment_sum(msg, dst, num_segments=N)
    return out


def setup_inputs(seed: int = 0) -> dict:
    key = jax.random.key(seed)
    ks = jax.random.split(key, 8)
    x = jax.random.normal(ks[0], (N_NODES, IN_FEATS), dtype=jnp.float32)
    edge_index = jax.random.randint(ks[1], (2, N_EDGES), 0, N_NODES, dtype=jnp.int64 if jax.config.read('jax_enable_x64') else jnp.int32).astype(jnp.int32)
    f1 = HIDDEN_FEATS // HEADS1
    f2 = Y_NUM // HEADS2
    W1 = jax.random.normal(ks[2], (f1 * HEADS1, IN_FEATS), dtype=jnp.float32) * (1.0 / np.sqrt(IN_FEATS))
    a1_w = jax.random.normal(ks[3], (1, 2 * f1), dtype=jnp.float32) * (1.0 / np.sqrt(2 * f1))
    a1_b = jnp.zeros((1,), dtype=jnp.float32)
    W2 = jax.random.normal(ks[4], (f2 * HEADS2, HIDDEN_FEATS), dtype=jnp.float32) * (1.0 / np.sqrt(HIDDEN_FEATS))
    a2_w = jax.random.normal(ks[5], (1, 2 * f2), dtype=jnp.float32) * (1.0 / np.sqrt(2 * f2))
    a2_b = jnp.zeros((1,), dtype=jnp.float32)
    return {"x": x, "edge_index": edge_index, "W1": W1, "a1_w": a1_w, "a1_b": a1_b, "W2": W2, "a2_w": a2_w, "a2_b": a2_b}


def reference(x, edge_index, W1, a1_w, a1_b, W2, a2_w, a2_b):
    ei = add_remaining_self_loops(edge_index, x.shape[0])
    h = gat_layer(x, ei, W1, a1_w, a1_b, HEADS1, ALPHA_SLOPE)
    h = jnp.where(h > 0, h, jnp.expm1(h))  # elu
    # dropout with p=0.0 is identity
    out = gat_layer(h, ei, W2, a2_w, a2_b, HEADS2, ALPHA_SLOPE)
    return jax.nn.log_softmax(out, axis=1)

if __name__ == "__main__":
    import jax
    _d = setup_inputs()
    print(jax.jit(kernel)(*tuple(_d.values())))

</pallas_src>

<mosaic_0001>
#map = affine_map<(d0, d1) -> (0)>
#map1 = affine_map<(d0, d1) -> (0, 0)>
module attributes {stable_mosaic.version = 14 : i64} {
  func.func @sc_gat(%arg0: i32, %arg1: i32, %arg2: memref<688128xi32, #tpu.memory_space<hbm>>, %arg3: memref<4x10016xf32, #tpu.memory_space<hbm>>, %arg4: memref<4x10016xf32, #tpu.memory_space<hbm>>, %arg5: memref<128x10000xf32, #tpu.memory_space<hbm>>, %arg6: memref<4x16xf32, #tpu.memory_space<hbm>>, %arg7: memref<128x10016xf32, #tpu.memory_space<hbm>>, %arg8: memref<4x10016xf32, #tpu.memory_space<hbm>>, %arg9: memref<10016xf32, #tpu.memory_space<vmem>>, %arg10: memref<10016xf32, #tpu.memory_space<vmem>>, %arg11: memref<10000xf32, #tpu.memory_space<vmem>>, %arg12: memref<10000xf32, #tpu.memory_space<vmem>>, %arg13: memref<10000xf32, #tpu.memory_space<vmem>>, %arg14: memref<10000xf32, #tpu.memory_space<vmem>>, %arg15: memref<10016xf32, #tpu.memory_space<vmem>>, %arg16: memref<10016xf32, #tpu.memory_space<vmem>>, %arg17: memref<10016xf32, #tpu.memory_space<vmem>>, %arg18: memref<10016xf32, #tpu.memory_space<vmem>>, %arg19: memref<10016xf32, #tpu.memory_space<vmem>>, %arg20: memref<8192xi32, #tpu.memory_space<vmem>>, %arg21: memref<8192xi32, #tpu.memory_space<vmem>>, %arg22: memref<!tpu.dma_semaphore, #tpu.memory_space<semaphore_mem>>, %arg23: memref<!tpu.dma_semaphore, #tpu.memory_space<semaphore_mem>>, %arg24: memref<16xf32, #tpu.memory_space<vmem>>) attributes {dimension_semantics = [#tpu.dimension_semantics<core_parallel>, #tpu.dimension_semantics<subcore_parallel>], iteration_bounds = array<i64: 2, 16>, scalar_prefetch = 0 : i64, scratch_operands = 16 : i64, tpu.core_type = #tpu.core_type<sc_vector_subcore>, window_params = [{transform_indices = #map}, {transform_indices = #map1}, {transform_indices = #map1}, {transform_indices = #map1}, {transform_indices = #map1}, {transform_indices = #map1}, {transform_indices = #map1}]} {
    %mul3A = arith.constant 2 : i32
    %mul3A_0 = arith.muli %arg1, %mul3A : i32
    %add3A = arith.addi %mul3A_0, %arg0 : i32
    %jit3A = arith.constant 8 : i32
    %div3A = arith.divsi %add3A, %jit3A : i32
    %sign3A = arith.constant 0 : i32
    %sign3A_1 = arith.cmpi sgt, %add3A, %sign3A : i32
    %sign3A_2 = arith.extui %sign3A_1 : i1 to i32
    %sign3A_3 = arith.constant 0 : i32
    %sign3A_4 = arith.cmpi slt, %add3A, %sign3A_3 : i32
    %sign3A_5 = arith.extui %sign3A_4 : i1 to i32
    %sign3A_6 = arith.subi %sign3A_2, %sign3A_5 : i32
    %sign3A_7 = arith.constant 0 : i32
    %sign3A_8 = arith.cmpi sgt, %jit3A, %sign3A_7 : i32
    %sign3A_9 = arith.extui %sign3A_8 : i1 to i32
    %sign3A_10 = arith.constant 0 : i32
    %sign3A_11 = arith.cmpi slt, %jit3A, %sign3A_10 : i32
    %sign3A_12 = arith.extui %sign3A_11 : i1 to i32
    %sign3A_13 = arith.subi %sign3A_9, %sign3A_12 : i32
    %ne3A = arith.cmpi ne, %sign3A_6, %sign3A_13 : i32
    %rem3A = arith.remsi %add3A, %jit3A : i32
    %ne3A_14 = arith.constant 0 : i32
    %ne3A_15 = arith.cmpi ne, %rem3A, %ne3A_14 : i32
    %and3A = arith.andi %ne3A, %ne3A_15 : i1
    %sub3A = arith.constant 1 : i32
    %sub3A_16 = arith.subi %div3A, %sub3A : i32
    %select_n3A = arith.select %and3A, %sub3A_16, %div3A : i32
    %jit3A_17 = arith.constant 8 : i32
    %eq3A = arith.constant 0 : i32
    %eq3A_18 = arith.cmpi eq, %jit3A_17, %eq3A : i32
    %jit3A_19 = arith.constant 1 : i32
    %select_n3A_20 = arith.select %eq3A_18, %jit3A_19, %jit3A_17 : i32
    %rem3A_21 = arith.remsi %add3A, %select_n3A_20 : i32
    %ne3A_22 = arith.constant 0 : i32
    %ne3A_23 = arith.cmpi ne, %rem3A_21, %ne3A_22 : i32
    %lt3A = arith.constant 0 : i32
    %lt3A_24 = arith.cmpi slt, %rem3A_21, %lt3A : i32
    %lt3A_25 = arith.constant 0 : i32
    %lt3A_26 = arith.cmpi slt, %select_n3A_20, %lt3A_25 : i32
    %ne3A_27 = arith.xori %lt3A_24, %lt3A_26 : i1
    %and3A_28 = arith.andi %ne3A_27, %ne3A_23 : i1
    %add3A_29 = arith.addi %rem3A_21, %select_n3A_20 : i32
    %select_n3A_30 = arith.select %and3A_28, %add3A_29, %rem3A_21 : i32
    %eq3A_31 = arith.constant 0 : i32
    %eq3A_32 = arith.cmpi eq, %select_n3A_30, %eq3A_31 : i32
    "tpu.region"() ({
      %run_scoped3A = tpu.sem_alloc : memref<!tpu.dma_semaphore, #tpu.memory_space<semaphore_mem>>
      %dma_start3A_121 = arith.constant 0 : i32
      %dma_start3A_122 = tpu.memref_slice %arg3[%select_n3A, %dma_start3A_121] : memref<4x10016xf32, #tpu.memory_space<hbm>> -> memref<1x10016xf32, #tpu.memory_space<hbm>>
      %dma_start3A_123 = tpu.memref_squeeze %dma_start3A_122 : memref<1x10016xf32, #tpu.memory_space<hbm>> -> memref<10016xf32, #tpu.memory_space<hbm>>
      %dma_start3A_124 = arith.constant 0 : i32
      %dma_start3A_125 = tpu.memref_slice %arg3[%select_n3A, %dma_start3A_124] : memref<4x10016xf32, #tpu.memory_space<hbm>> -> memref<1x10016xf32, #tpu.memory_space<hbm>>
      %dma_start3A_126 = tpu.memref_squeeze %dma_start3A_125 : memref<1x10016xf32, #tpu.memory_space<hbm>> -> memref<10016xf32, #tpu.memory_space<hbm>>
      tpu.enqueue_dma source(%dma_start3A_126 : memref<10016xf32, #tpu.memory_space<hbm>>) target(%arg9 : memref<10016xf32, #tpu.memory_space<vmem>>) target_semaphore(%run_scoped3A : memref<!tpu.dma_semaphore, #tpu.memory_space<semaphore_mem>>)
      %dma_wait3A_127 = arith.constant 0 : i32
      %dma_wait3A_128 = tpu.memref_slice %arg3[%select_n3A, %dma_wait3A_127] : memref<4x10016xf32, #tpu.memory_space<hbm>> -> memref<1x10016xf32, #tpu.memory_space<hbm>>
      %dma_wait3A_129 = tpu.memref_squeeze %dma_wait3A_128 : memref<1x10016xf32, #tpu.memory_space<hbm>> -> memref<10016xf32, #tpu.memory_space<hbm>>
      %dma_wait3A_130 = arith.constant 0 : i32
      %dma_wait3A_131 = tpu.memref_slice %arg3[%select_n3A, %dma_wait3A_130] : memref<4x10016xf32, #tpu.memory_space<hbm>> -> memref<1x10016xf32, #tpu.memory_space<hbm>>
      %dma_wait3A_132 = tpu.memref_squeeze %dma_wait3A_131 : memref<1x10016xf32, #tpu.memory_space<hbm>> -> memref<10016xf32, #tpu.memory_space<hbm>>
      tpu.wait_dma2 semaphore(%run_scoped3A : memref<!tpu.dma_semaphore, #tpu.memory_space<semaphore_mem>>) src(%dma_wait3A_132 : memref<10016xf32, #tpu.memory_space<hbm>>) dst(%arg9 : memref<10016xf32, #tpu.memory_space<vmem>>)
      tpu.yield
    }) : () -> ()
    "tpu.region"() ({
      %run_scoped3A = tpu.sem_alloc : memref<!tpu.dma_semaphore, #tpu.memory_space<semaphore_mem>>
      %dma_start3A_121 = arith.constant 0 : i32
      %dma_start3A_122 = tpu.memref_slice %arg4[%select_n3A, %dma_start3A_121] : memref<4x10016xf32, #tpu.memory_space<hbm>> -> memref<1x10016xf32, #tpu.memory_space<hbm>>
      %dma_start3A_123 = tpu.memref_squeeze %dma_start3A_122 : memref<1x10016xf32, #tpu.memory_space<hbm>> -> memref<10016xf32, #tpu.memory_space<hbm>>
      %dma_start3A_124 = arith.constant 0 : i32
      %dma_start3A_125 = tpu.memref_slice %arg4[%select_n3A, %dma_start3A_124] : memref<4x10016xf32, #tpu.memory_space<hbm>> -> memref<1x10016xf32, #tpu.memory_space<hbm>>
      %dma_start3A_126 = tpu.memref_squeeze %dma_start3A_125 : memref<1x10016xf32, #tpu.memory_space<hbm>> -> memref<10016xf32, #tpu.memory_space<hbm>>
      tpu.enqueue_dma source(%dma_start3A_126 : memref<10016xf32, #tpu.memory_space<hbm>>) target(%arg10 : memref<10016xf32, #tpu.memory_space<vmem>>) target_semaphore(%run_scoped3A : memref<!tpu.dma_semaphore, #tpu.memory_space<semaphore_mem>>)
      %dma_wait3A_127 = arith.constant 0 : i32
      %dma_wait3A_128 = tpu.memref_slice %arg4[%select_n3A, %dma_wait3A_127] : memref<4x10016xf32, #tpu.memory_space<hbm>> -> memref<1x10016xf32, #tpu.memory_space<hbm>>
      %dma_wait3A_129 = tpu.memref_squeeze %dma_wait3A_128 : memref<1x10016xf32, #tpu.memory_space<hbm>> -> memref<10016xf32, #tpu.memory_space<hbm>>
      %dma_wait3A_130 = arith.constant 0 : i32
      %dma_wait3A_131 = tpu.memref_slice %arg4[%select_n3A, %dma_wait3A_130] : memref<4x10016xf32, #tpu.memory_space<hbm>> -> memref<1x10016xf32, #tpu.memory_space<hbm>>
      %dma_wait3A_132 = tpu.memref_squeeze %dma_wait3A_131 : memref<1x10016xf32, #tpu.memory_space<hbm>> -> memref<10016xf32, #tpu.memory_space<hbm>>
      tpu.wait_dma2 semaphore(%run_scoped3A : memref<!tpu.dma_semaphore, #tpu.memory_space<semaphore_mem>>) src(%dma_wait3A_132 : memref<10016xf32, #tpu.memory_space<hbm>>) dst(%arg10 : memref<10016xf32, #tpu.memory_space<vmem>>)
      tpu.yield
    }) : () -> ()
    %mul3A_33 = arith.constant 4 : i32
    %mul3A_34 = arith.muli %add3A, %mul3A_33 : i32
    %add3A_35 = arith.constant 0 : i32
    %add3A_36 = arith.addi %mul3A_34, %add3A_35 : i32
    "tpu.region"() ({
      %run_scoped3A = tpu.sem_alloc : memref<!tpu.dma_semaphore, #tpu.memory_space<semaphore_mem>>
      %dma_start3A_121 = arith.constant 0 : i32
      %dma_start3A_122 = tpu.memref_slice %arg5[%add3A_36, %dma_start3A_121] : memref<128x10000xf32, #tpu.memory_space<hbm>> -> memref<1x10000xf32, #tpu.memory_space<hbm>>
      %dma_start3A_123 = tpu.memref_squeeze %dma_start3A_122 : memref<1x10000xf32, #tpu.memory_space<hbm>> -> memref<10000xf32, #tpu.memory_space<hbm>>
      %dma_start3A_124 = arith.constant 0 : i32
      %dma_start3A_125 = tpu.memref_slice %arg5[%add3A_36, %dma_start3A_124] : memref<128x10000xf32, #tpu.memory_space<hbm>> -> memref<1x10000xf32, #tpu.memory_space<hbm>>
      %dma_start3A_126 = tpu.memref_squeeze %dma_start3A_125 : memref<1x10000xf32, #tpu.memory_space<hbm>> -> memref<10000xf32, #tpu.memory_space<hbm>>
      tpu.enqueue_dma source(%dma_start3A_126 : memref<10000xf32, #tpu.memory_space<hbm>>) target(%arg11 : memref<10000xf32, #tpu.memory_space<vmem>>) target_semaphore(%run_scoped3A : memref<!tpu.dma_semaphore, #tpu.memory_space<semaphore_mem>>)
      %dma_wait3A_127 = arith.constant 0 : i32
      %dma_wait3A_128 = tpu.memref_slice %arg5[%add3A_36, %dma_wait3A_127] : memref<128x10000xf32, #tpu.memory_space<hbm>> -> memref<1x10000xf32, #tpu.memory_space<hbm>>
      %dma_wait3A_129 = tpu.memref_squeeze %dma_wait3A_128 : memref<1x10000xf32, #tpu.memory_space<hbm>> -> memref<10000xf32, #tpu.memory_space<hbm>>
      %dma_wait3A_130 = arith.constant 0 : i32
      %dma_wait3A_131 = tpu.memref_slice %arg5[%add3A_36, %dma_wait3A_130] : memref<128x10000xf32, #tpu.memory_space<hbm>> -> memref<1x10000xf32, #tpu.memory_space<hbm>>
      %dma_wait3A_132 = tpu.memref_squeeze %dma_wait3A_131 : memref<1x10000xf32, #tpu.memory_space<hbm>> -> memref<10000xf32, #tpu.memory_space<hbm>>
      tpu.wait_dma2 semaphore(%run_scoped3A : memref<!tpu.dma_semaphore, #tpu.memory_space<semaphore_mem>>) src(%dma_wait3A_132 : memref<10000xf32, #tpu.memory_space<hbm>>) dst(%arg11 : memref<10000xf32, #tpu.memory_space<vmem>>)
      tpu.yield
    }) : () -> ()
    %mul3A_37 = arith.constant 4 : i32
    %mul3A_38 = arith.muli %add3A, %mul3A_37 : i32
    %add3A_39 = arith.constant 1 : i32
    %add3A_40 = arith.addi %mul3A_38, %add3A_39 : i32
    "tpu.region"() ({
      %run_scoped3A = tpu.sem_alloc : memref<!tpu.dma_semaphore, #tpu.memory_space<semaphore_mem>>
      %dma_start3A_121 = arith.constant 0 : i32
      %dma_start3A_122 = tpu.memref_slice %arg5[%add3A_40, %dma_start3A_121] : memref<128x10000xf32, #tpu.memory_space<hbm>> -> memref<1x10000xf32, #tpu.memory_space<hbm>>
      %dma_start3A_123 = tpu.memref_squeeze %dma_start3A_122 : memref<1x10000xf32, #tpu.memory_space<hbm>> -> memref<10000xf32, #tpu.memory_space<hbm>>
      %dma_start3A_124 = arith.constant 0 : i32
      %dma_start3A_125 = tpu.memref_slice %arg5[%add3A_40, %dma_start3A_124] : memref<128x10000xf32, #tpu.memory_space<hbm>> -> memref<1x10000xf32, #tpu.memory_space<hbm>>
      %dma_start3A_126 = tpu.memref_squeeze %dma_start3A_125 : memref<1x10000xf32, #tpu.memory_space<hbm>> -> memref<10000xf32, #tpu.memory_space<hbm>>
      tpu.enqueue_dma source(%dma_start3A_126 : memref<10000xf32, #tpu.memory_space<hbm>>) target(%arg12 : memref<10000xf32, #tpu.memory_space<vmem>>) target_semaphore(%run_scoped3A : memref<!tpu.dma_semaphore, #tpu.memory_space<semaphore_mem>>)
      %dma_wait3A_127 = arith.constant 0 : i32
      %dma_wait3A_128 = tpu.memref_slice %arg5[%add3A_40, %dma_wait3A_127] : memref<128x10000xf32, #tpu.memory_space<hbm>> -> memref<1x10000xf32, #tpu.memory_space<hbm>>
      %dma_wait3A_129 = tpu.memref_squeeze %dma_wait3A_128 : memref<1x10000xf32, #tpu.memory_space<hbm>> -> memref<10000xf32, #tpu.memory_space<hbm>>
      %dma_wait3A_130 = arith.constant 0 : i32
      %dma_wait3A_131 = tpu.memref_slice %arg5[%add3A_40, %dma_wait3A_130] : memref<128x10000xf32, #tpu.memory_space<hbm>> -> memref<1x10000xf32, #tpu.memory_space<hbm>>
      %dma_wait3A_132 = tpu.memref_squeeze %dma_wait3A_131 : memref<1x10000xf32, #tpu.memory_space<hbm>> -> memref<10000xf32, #tpu.memory_space<hbm>>
      tpu.wait_dma2 semaphore(%run_scoped3A : memref<!tpu.dma_semaphore, #tpu.memory_space<semaphore_mem>>) src(%dma_wait3A_132 : memref<10000xf32, #tpu.memory_space<hbm>>) dst(%arg12 : memref<10000xf32, #tpu.memory_space<vmem>>)
      tpu.yield
    }) : () -> ()
    %mul3A_41 = arith.constant 4 : i32
    %mul3A_42 = arith.muli %add3A, %mul3A_41 : i32
    %add3A_43 = arith.constant 2 : i32
    %add3A_44 = arith.addi %mul3A_42, %add3A_43 : i32
    "tpu.region"() ({
      %run_scoped3A = tpu.sem_alloc : memref<!tpu.dma_semaphore, #tpu.memory_space<semaphore_mem>>
      %dma_start3A_121 = arith.constant 0 : i32
      %dma_start3A_122 = tpu.memref_slice %arg5[%add3A_44, %dma_start3A_121] : memref<128x10000xf32, #tpu.memory_space<hbm>> -> memref<1x10000xf32, #tpu.memory_space<hbm>>
      %dma_start3A_123 = tpu.memref_squeeze %dma_start3A_122 : memref<1x10000xf32, #tpu.memory_space<hbm>> -> memref<10000xf32, #tpu.memory_space<hbm>>
      %dma_start3A_124 = arith.constant 0 : i32
      %dma_start3A_125 = tpu.memref_slice %arg5[%add3A_44, %dma_start3A_124] : memref<128x10000xf32, #tpu.memory_space<hbm>> -> memref<1x10000xf32, #tpu.memory_space<hbm>>
      %dma_start3A_126 = tpu.memref_squeeze %dma_start3A_125 : memref<1x10000xf32, #tpu.memory_space<hbm>> -> memref<10000xf32, #tpu.memory_space<hbm>>
      tpu.enqueue_dma source(%dma_start3A_126 : memref<10000xf32, #tpu.memory_space<hbm>>) target(%arg13 : memref<10000xf32, #tpu.memory_space<vmem>>) target_semaphore(%run_scoped3A : memref<!tpu.dma_semaphore, #tpu.memory_space<semaphore_mem>>)
      %dma_wait3A_127 = arith.constant 0 : i32
      %dma_wait3A_128 = tpu.memref_slice %arg5[%add3A_44, %dma_wait3A_127] : memref<128x10000xf32, #tpu.memory_space<hbm>> -> memref<1x10000xf32, #tpu.memory_space<hbm>>
      %dma_wait3A_129 = tpu.memref_squeeze %dma_wait3A_128 : memref<1x10000xf32, #tpu.memory_space<hbm>> -> memref<10000xf32, #tpu.memory_space<hbm>>
      %dma_wait3A_130 = arith.constant 0 : i32
      %dma_wait3A_131 = tpu.memref_slice %arg5[%add3A_44, %dma_wait3A_130] : memref<128x10000xf32, #tpu.memory_space<hbm>> -> memref<1x10000xf32, #tpu.memory_space<hbm>>
      %dma_wait3A_132 = tpu.memref_squeeze %dma_wait3A_131 : memref<1x10000xf32, #tpu.memory_space<hbm>> -> memref<10000xf32, #tpu.memory_space<hbm>>
      tpu.wait_dma2 semaphore(%run_scoped3A : memref<!tpu.dma_semaphore, #tpu.memory_space<semaphore_mem>>) src(%dma_wait3A_132 : memref<10000xf32, #tpu.memory_space<hbm>>) dst(%arg13 : memref<10000xf32, #tpu.memory_space<vmem>>)
      tpu.yield
    }) : () -> ()
    %mul3A_45 = arith.constant 4 : i32
    %mul3A_46 = arith.muli %add3A, %mul3A_45 : i32
    %add3A_47 = arith.constant 3 : i32
    %add3A_48 = arith.addi %mul3A_46, %add3A_47 : i32
    "tpu.region"() ({
      %run_scoped3A = tpu.sem_alloc : memref<!tpu.dma_semaphore, #tpu.memory_space<semaphore_mem>>
      %dma_start3A_121 = arith.constant 0 : i32
      %dma_start3A_122 = tpu.memref_slice %arg5[%add3A_48, %dma_start3A_121] : memref<128x10000xf32, #tpu.memory_space<hbm>> -> memref<1x10000xf32, #tpu.memory_space<hbm>>
      %dma_start3A_123 = tpu.memref_squeeze %dma_start3A_122 : memref<1x10000xf32, #tpu.memory_space<hbm>> -> memref<10000xf32, #tpu.memory_space<hbm>>
      %dma_start3A_124 = arith.constant 0 : i32
      %dma_start3A_125 = tpu.memref_slice %arg5[%add3A_48, %dma_start3A_124] : memref<128x10000xf32, #tpu.memory_space<hbm>> -> memref<1x10000xf32, #tpu.memory_space<hbm>>
      %dma_start3A_126 = tpu.memref_squeeze %dma_start3A_125 : memref<1x10000xf32, #tpu.memory_space<hbm>> -> memref<10000xf32, #tpu.memory_space<hbm>>
      tpu.enqueue_dma source(%dma_start3A_126 : memref<10000xf32, #tpu.memory_space<hbm>>) target(%arg14 : memref<10000xf32, #tpu.memory_space<vmem>>) target_semaphore(%run_scoped3A : memref<!tpu.dma_semaphore, #tpu.memory_space<semaphore_mem>>)
      %dma_wait3A_127 = arith.constant 0 : i32
      %dma_wait3A_128 = tpu.memref_slice %arg5[%add3A_48, %dma_wait3A_127] : memref<128x10000xf32, #tpu.memory_space<hbm>> -> memref<1x10000xf32, #tpu.memory_space<hbm>>
      %dma_wait3A_129 = tpu.memref_squeeze %dma_wait3A_128 : memref<1x10000xf32, #tpu.memory_space<hbm>> -> memref<10000xf32, #tpu.memory_space<hbm>>
      %dma_wait3A_130 = arith.constant 0 : i32
      %dma_wait3A_131 = tpu.memref_slice %arg5[%add3A_48, %dma_wait3A_130] : memref<128x10000xf32, #tpu.memory_space<hbm>> -> memref<1x10000xf32, #tpu.memory_space<hbm>>
      %dma_wait3A_132 = tpu.memref_squeeze %dma_wait3A_131 : memref<1x10000xf32, #tpu.memory_space<hbm>> -> memref<10000xf32, #tpu.memory_space<hbm>>
      tpu.wait_dma2 semaphore(%run_scoped3A : memref<!tpu.dma_semaphore, #tpu.memory_space<semaphore_mem>>) src(%dma_wait3A_132 : memref<10000xf32, #tpu.memory_space<hbm>>) dst(%arg14 : memref<10000xf32, #tpu.memory_space<vmem>>)
      tpu.yield
    }) : () -> ()
    "tpu.region"() ({
      %run_scoped3A = tpu.sem_alloc : memref<!tpu.dma_semaphore, #tpu.memory_space<semaphore_mem>>
      %dma_start3A_121 = arith.constant 0 : i32
      %dma_start3A_122 = tpu.memref_slice %arg6[%select_n3A, %dma_start3A_121] : memref<4x16xf32, #tpu.memory_space<hbm>> -> memref<1x16xf32, #tpu.memory_space<hbm>>
      %dma_start3A_123 = tpu.memref_squeeze %dma_start3A_122 : memref<1x16xf32, #tpu.memory_space<hbm>> -> memref<16xf32, #tpu.memory_space<hbm>>
      %dma_start3A_124 = arith.constant 0 : i32
      %dma_start3A_125 = tpu.memref_slice %arg6[%select_n3A, %dma_start3A_124] : memref<4x16xf32, #tpu.memory_space<hbm>> -> memref<1x16xf32, #tpu.memory_space<hbm>>
      %dma_start3A_126 = tpu.memref_squeeze %dma_start3A_125 : memref<1x16xf32, #tpu.memory_space<hbm>> -> memref<16xf32, #tpu.memory_space<hbm>>
      tpu.enqueue_dma source(%dma_start3A_126 : memref<16xf32, #tpu.memory_space<hbm>>) target(%arg24 : memref<16xf32, #tpu.memory_space<vmem>>) target_semaphore(%run_scoped3A : memref<!tpu.dma_semaphore, #tpu.memory_space<semaphore_mem>>)
      %dma_wait3A_127 = arith.constant 0 : i32
      %dma_wait3A_128 = tpu.memref_slice %arg6[%select_n3A, %dma_wait3A_127] : memref<4x16xf32, #tpu.memory_space<hbm>> -> memref<1x16xf32, #tpu.memory_space<hbm>>
      %dma_wait3A_129 = tpu.memref_squeeze %dma_wait3A_128 : memref<1x16xf32, #tpu.memory_space<hbm>> -> memref<16xf32, #tpu.memory_space<hbm>>
      %dma_wait3A_130 = arith.constant 0 : i32
      %dma_wait3A_131 = tpu.memref_slice %arg6[%select_n3A, %dma_wait3A_130] : memref<4x16xf32, #tpu.memory_space<hbm>> -> memref<1x16xf32, #tpu.memory_space<hbm>>
      %dma_wait3A_132 = tpu.memref_squeeze %dma_wait3A_131 : memref<1x16xf32, #tpu.memory_space<hbm>> -> memref<16xf32, #tpu.memory_space<hbm>>
      tpu.wait_dma2 semaphore(%run_scoped3A : memref<!tpu.dma_semaphore, #tpu.memory_space<semaphore_mem>>) src(%dma_wait3A_132 : memref<16xf32, #tpu.memory_space<hbm>>) dst(%arg24 : memref<16xf32, #tpu.memory_space<vmem>>)
      tpu.yield
    }) : () -> ()
    %get3A = arith.constant 0 : index
    %get3A_49 = tpu.vector_load %arg24[%get3A] {strides = array<i32>} : memref<16xf32, #tpu.memory_space<vmem>>, vector<16xf32>,
    %jit3A_50 = arith.constant 8 : i32
    %eq3A_51 = arith.constant 0 : i32
    %eq3A_52 = arith.cmpi eq, %jit3A_50, %eq3A_51 : i32
    %jit3A_53 = arith.constant 1 : i32
    %select_n3A_54 = arith.select %eq3A_52, %jit3A_53, %jit3A_50 : i32
    %rem3A_55 = arith.remsi %add3A, %select_n3A_54 : i32
    %ne3A_56 = arith.constant 0 : i32
    %ne3A_57 = arith.cmpi ne, %rem3A_55, %ne3A_56 : i32
    %lt3A_58 = arith.constant 0 : i32
    %lt3A_59 = arith.cmpi slt, %rem3A_55, %lt3A_58 : i32
    %lt3A_60 = arith.constant 0 : i32
    %lt3A_61 = arith.cmpi slt, %select_n3A_54, %lt3A_60 : i32
    %ne3A_62 = arith.xori %lt3A_59, %lt3A_61 : i1
    %and3A_63 = arith.andi %ne3A_62, %ne3A_57 : i1
    %add3A_64 = arith.addi %rem3A_55, %select_n3A_54 : i32
    %select_n3A_65 = arith.select %and3A_63, %add3A_64, %rem3A_55 : i32
    %broadcast_in_dim3A = vector.broadcast %select_n3A_65 : i32 to vector<16xi32>
    %eq3A_66 = arith.constant 0 : i32
    %eq3A_67 = vector.broadcast %eq3A_66 : i32 to vector<16xi32>
    %eq3A_68 = arith.cmpi eq, %broadcast_in_dim3A, %eq3A_67 : vector<16xi32>
    %broadcast_in_dim3A_69 = arith.constant 0.000000e+00 : f32
    %broadcast_in_dim3A_70 = vector.broadcast %broadcast_in_dim3A_69 : f32 to vector<16xf32>
    %parallel_loop3A = arith.constant 0 : i32
    %parallel_loop3A_71 = arith.constant 626 : i32
    %parallel_loop3A_72 = arith.constant 1 : i32
    scf.for %parallel_loop3A_121 = %parallel_loop3A to %parallel_loop3A_71 step %parallel_loop3A_72  : i32 {
      %parallel_loop3A_122 = arith.constant 16 : i32
      %parallel_loop3A_123 = arith.muli %parallel_loop3A_121, %parallel_loop3A_122 : i32
      %parallel_loop3A_124 = arith.index_cast %parallel_loop3A_123 : i32 to index
      %parallel_loop3A_125 = tpu.vector_load %arg15[%parallel_loop3A_124] {strides = array<i32>} : memref<10016xf32, #tpu.memory_space<vmem>>, vector<16xf32>,
      tpu.vector_store %arg15[%parallel_loop3A_124], %broadcast_in_dim3A_70 {strides = array<i32>} : memref<10016xf32, #tpu.memory_space<vmem>>, vector<16xf32>,
    } {sc.loop_unroll_factor = 4 : i64, sc.parallel_access}
    %parallel_loop3A_73 = arith.constant 0 : i32
    %parallel_loop3A_74 = arith.constant 626 : i32
    %parallel_loop3A_75 = arith.constant 1 : i32
    scf.for %parallel_loop3A_121 = %parallel_loop3A_73 to %parallel_loop3A_74 step %parallel_loop3A_75  : i32 {
      %parallel_loop3A_122 = arith.constant 16 : i32
      %parallel_loop3A_123 = arith.muli %parallel_loop3A_121, %parallel_loop3A_122 : i32
      %parallel_loop3A_124 = arith.index_cast %parallel_loop3A_123 : i32 to index
      %parallel_loop3A_125 = tpu.vector_load %arg16[%parallel_loop3A_124] {strides = array<i32>} : memref<10016xf32, #tpu.memory_space<vmem>>, vector<16xf32>,
      tpu.vector_store %arg16[%parallel_loop3A_124], %broadcast_in_dim3A_70 {strides = array<i32>} : memref<10016xf32, #tpu.memory_space<vmem>>, vector<16xf32>,
    } {sc.loop_unroll_factor = 4 : i64, sc.parallel_access}
    %parallel_loop3A_76 = arith.constant 0 : i32
    %parallel_loop3A_77 = arith.constant 626 : i32
    %parallel_loop3A_78 = arith.constant 1 : i32
    scf.for %parallel_loop3A_121 = %parallel_loop3A_76 to %parallel_loop3A_77 step %parallel_loop3A_78  : i32 {
      %parallel_loop3A_122 = arith.constant 16 : i32
      %parallel_loop3A_123 = arith.muli %parallel_loop3A_121, %parallel_loop3A_122 : i32
      %parallel_loop3A_124 = arith.index_cast %parallel_loop3A_123 : i32 to index
      %parallel_loop3A_125 = tpu.vector_load %arg17[%parallel_loop3A_124] {strides = array<i32>} : memref<10016xf32, #tpu.memory_space<vmem>>, vector<16xf32>,
      tpu.vector_store %arg17[%parallel_loop3A_124], %broadcast_in_dim3A_70 {strides = array<i32>} : memref<10016xf32, #tpu.memory_space<vmem>>, vector<16xf32>,
    } {sc.loop_unroll_factor = 4 : i64, sc.parallel_access}
    %parallel_loop3A_79 = arith.constant 0 : i32
    %parallel_loop3A_80 = arith.constant 626 : i32
    %parallel_loop3A_81 = arith.constant 1 : i32
    scf.for %parallel_loop3A_121 = %parallel_loop3A_79 to %parallel_loop3A_80 step %parallel_loop3A_81  : i32 {
      %parallel_loop3A_122 = arith.constant 16 : i32
      %parallel_loop3A_123 = arith.muli %parallel_loop3A_121, %parallel_loop3A_122 : i32
      %parallel_loop3A_124 = arith.index_cast %parallel_loop3A_123 : i32 to index
      %parallel_loop3A_125 = tpu.vector_load %arg18[%parallel_loop3A_124] {strides = array<i32>} : memref<10016xf32, #tpu.memory_space<vmem>>, vector<16xf32>,
      tpu.vector_store %arg18[%parallel_loop3A_124], %broadcast_in_dim3A_70 {strides = array<i32>} : memref<10016xf32, #tpu.memory_space<vmem>>, vector<16xf32>,
    } {sc.loop_unroll_factor = 4 : i64, sc.parallel_access}
    %parallel_loop3A_82 = arith.constant 0 : i32
    %parallel_loop3A_83 = arith.constant 626 : i32
    %parallel_loop3A_84 = arith.constant 1 : i32
    scf.for %parallel_loop3A_121 = %parallel_loop3A_82 to %parallel_loop3A_83 step %parallel_loop3A_84  : i32 {
      %parallel_loop3A_122 = arith.constant 16 : i32
      %parallel_loop3A_123 = arith.muli %parallel_loop3A_121, %parallel_loop3A_122 : i32
      %parallel_loop3A_124 = arith.index_cast %parallel_loop3A_123 : i32 to index
      %parallel_loop3A_125 = tpu.vector_load %arg19[%parallel_loop3A_124] {strides = array<i32>} : memref<10016xf32, #tpu.memory_space<vmem>>, vector<16xf32>,
      tpu.vector_store %arg19[%parallel_loop3A_124], %broadcast_in_dim3A_70 {strides = array<i32>} : memref<10016xf32, #tpu.memory_space<vmem>>, vector<16xf32>,
    } {sc.loop_unroll_factor = 4 : i64, sc.parallel_access}
    %dma_start3A = arith.constant 0 : i32
    %dma_start3A_85 = tpu.memref_slice %arg2[%dma_start3A] : memref<688128xi32, #tpu.memory_space<hbm>> -> memref<8192xi32, #tpu.memory_space<hbm>>
    %dma_start3A_86 = arith.constant 0 : i32
    %dma_start3A_87 = tpu.memref_slice %arg2[%dma_start3A_86] : memref<688128xi32, #tpu.memory_space<hbm>> -> memref<8192xi32, #tpu.memory_space<hbm>>
    tpu.enqueue_dma source(%dma_start3A_87 : memref<8192xi32, #tpu.memory_space<hbm>>) target(%arg20 : memref<8192xi32, #tpu.memory_space<vmem>>) target_semaphore(%arg22 : memref<!tpu.dma_semaphore, #tpu.memory_space<semaphore_mem>>)
    %dma_start3A_88 = arith.constant 8192 : i32
    %dma_start3A_89 = tpu.memref_slice %arg2[%dma_start3A_88] : memref<688128xi32, #tpu.memory_space<hbm>> -> memref<8192xi32, #tpu.memory_space<hbm>>
    %dma_start3A_90 = arith.constant 8192 : i32
    %dma_start3A_91 = tpu.memref_slice %arg2[%dma_start3A_90] : memref<688128xi32, #tpu.memory_space<hbm>> -> memref<8192xi32, #tpu.memory_space<hbm>>
    tpu.enqueue_dma source(%dma_start3A_91 : memref<8192xi32, #tpu.memory_space<hbm>>) target(%arg21 : memref<8192xi32, #tpu.memory_space<vmem>>) target_semaphore(%arg23 : memref<!tpu.dma_semaphore, #tpu.memory_space<semaphore_mem>>)
    %scan3A = arith.constant 0 : i32
    %scan3A_92 = arith.constant 0 : i32
    %scan3A_93 = arith.constant 41 : i32
    %scan3A_94 = arith.addi %scan3A_92, %scan3A_93 : i32
    %scan3A_95 = arith.constant 1 : i32
    scf.for %scan3A_121 = %scan3A_92 to %scan3A_94 step %scan3A_95  : i32 {
      %mul3A_122 = arith.constant 2 : i32
      %mul3A_123 = arith.muli %scan3A_121, %mul3A_122 : i32
      %dma_wait3A_124 = arith.constant 0 : i32
      %dma_wait3A_125 = tpu.memref_slice %arg2[%dma_wait3A_124] : memref<688128xi32, #tpu.memory_space<hbm>> -> memref<8192xi32, #tpu.memory_space<hbm>>
      %dma_wait3A_126 = arith.constant 0 : i32
      %dma_wait3A_127 = tpu.memref_slice %arg2[%dma_wait3A_126] : memref<688128xi32, #tpu.memory_space<hbm>> -> memref<8192xi32, #tpu.memory_space<hbm>>
      tpu.wait_dma2 semaphore(%arg22 : memref<!tpu.dma_semaphore, #tpu.memory_space<semaphore_mem>>) src(%dma_wait3A_127 : memref<8192xi32, #tpu.memory_space<hbm>>) dst(%arg20 : memref<8192xi32, #tpu.memory_space<vmem>>)
      %parallel_loop3A_128 = arith.constant 0 : i32
      %parallel_loop3A_129 = arith.constant 256 : i32
      %parallel_loop3A_130 = arith.constant 1 : i32
      scf.for %parallel_loop3A_158 = %parallel_loop3A_128 to %parallel_loop3A_129 step %parallel_loop3A_130  : i32 {
        %parallel_loop3A_159 = arith.constant 16 : i32
        %parallel_loop3A_160 = arith.muli %parallel_loop3A_158, %parallel_loop3A_159 : i32
        %parallel_loop3A_161 = arith.index_cast %parallel_loop3A_160 : i32 to index
        %parallel_loop3A_162 = tpu.vector_load %arg20[%parallel_loop3A_161] {strides = array<i32>} : memref<8192xi32, #tpu.memory_space<vmem>>, vector<16xi32>,
        %parallel_loop3A_163 = arith.constant 16 : i32
        %parallel_loop3A_164 = arith.muli %parallel_loop3A_158, %parallel_loop3A_163 : i32
        %parallel_loop3A_165 = arith.constant 4096 : i32
        %parallel_loop3A_166 = arith.addi %parallel_loop3A_165, %parallel_loop3A_164 : i32
        %parallel_loop3A_167 = arith.index_cast %parallel_loop3A_166 : i32 to index
        %parallel_loop3A_168 = tpu.vector_load %arg20[%parallel_loop3A_167] {strides = array<i32>} : memref<8192xi32, #tpu.memory_space<vmem>>, vector<16xi32>,
        %parallel_loop3A_169 = tpu.vector_load_idx %arg9[%parallel_loop3A_162] : memref<10016xf32, #tpu.memory_space<vmem>>[vector<16xi32>], vector<16xf32>,
        %parallel_loop3A_170 = tpu.vector_load_idx %arg10[%parallel_loop3A_168] : memref<10016xf32, #tpu.memory_space<vmem>>[vector<16xi32>], vector<16xf32>,
        %parallel_loop3A_171 = arith.addf %parallel_loop3A_169, %parallel_loop3A_170 : vector<16xf32>
        %parallel_loop3A_172 = arith.constant 0.000000e+00 : f32
        %parallel_loop3A_173 = vector.broadcast %parallel_loop3A_172 : f32 to vector<16xf32>
        %parallel_loop3A_174 = arith.cmpf oge, %parallel_loop3A_171, %parallel_loop3A_173 : vector<16xf32>
        %parallel_loop3A_175 = arith.constant 2.000000e-01 : f32
        %parallel_loop3A_176 = vector.broadcast %parallel_loop3A_175 : f32 to vector<16xf32>
        %parallel_loop3A_177 = arith.mulf %parallel_loop3A_171, %parallel_loop3A_176 : vector<16xf32>
        %parallel_loop3A_178 = arith.select %parallel_loop3A_174, %parallel_loop3A_171, %parallel_loop3A_177 : vector<16xi1>, vector<16xf32>
        %parallel_loop3A_179 = arith.subf %parallel_loop3A_178, %get3A_49 : vector<16xf32>
        %parallel_loop3A_180 = math.exp %parallel_loop3A_179 : vector<16xf32>
        %parallel_loop3A_181 = tpu.vector_load_idx %arg11[%parallel_loop3A_168] : memref<10000xf32, #tpu.memory_space<vmem>>[vector<16xi32>], vector<16xf32>,
        %parallel_loop3A_182 = arith.mulf %parallel_loop3A_180, %parallel_loop3A_181 : vector<16xf32>
        tpu.vector_store_idx %arg15[%parallel_loop3A_162], %parallel_loop3A_182 {add = true} : memref<10016xf32, #tpu.memory_space<vmem>>[vector<16xi32>], vector<16xf32>,
        %parallel_loop3A_183 = tpu.vector_load_idx %arg12[%parallel_loop3A_168] : memref<10000xf32, #tpu.memory_space<vmem>>[vector<16xi32>], vector<16xf32>,
        %parallel_loop3A_184 = arith.mulf %parallel_loop3A_180, %parallel_loop3A_183 : vector<16xf32>
        tpu.vector_store_idx %arg16[%parallel_loop3A_162], %parallel_loop3A_184 {add = true} : memref<10016xf32, #tpu.memory_space<vmem>>[vector<16xi32>], vector<16xf32>,
        %parallel_loop3A_185 = tpu.vector_load_idx %arg13[%parallel_loop3A_168] : memref<10000xf32, #tpu.memory_space<vmem>>[vector<16xi32>], vector<16xf32>,
        %parallel_loop3A_186 = arith.mulf %parallel_loop3A_180, %parallel_loop3A_185 : vector<16xf32>
        tpu.vector_store_idx %arg17[%parallel_loop3A_162], %parallel_loop3A_186 {add = true} : memref<10016xf32, #tpu.memory_space<vmem>>[vector<16xi32>], vector<16xf32>,
        %parallel_loop3A_187 = tpu.vector_load_idx %arg14[%parallel_loop3A_168] : memref<10000xf32, #tpu.memory_space<vmem>>[vector<16xi32>], vector<16xf32>,
        %parallel_loop3A_188 = arith.mulf %parallel_loop3A_180, %parallel_loop3A_187 : vector<16xf32>
        tpu.vector_store_idx %arg18[%parallel_loop3A_162], %parallel_loop3A_188 {add = true} : memref<10016xf32, #tpu.memory_space<vmem>>[vector<16xi32>], vector<16xf32>,
        tpu.vector_store_idx %arg19[%parallel_loop3A_162], %parallel_loop3A_180 masked %eq3A_68 {add = true} : memref<10016xf32, #tpu.memory_space<vmem>>[vector<16xi32>], vector<16xf32>, vector<16xi1>
      } {sc.loop_unroll_factor = 16 : i64, sc.parallel_access}
      %add3A_131 = arith.constant 0 : i32
      %add3A_132 = arith.addi %mul3A_123, %add3A_131 : i32
      %add3A_133 = arith.constant 2 : i32
      %add3A_134 = arith.addi %add3A_132, %add3A_133 : i32
      %mul3A_135 = arith.constant 2 : i32
      %mul3A_136 = arith.muli %add3A_134, %mul3A_135 : i32
      %mul3A_137 = arith.constant 4096 : i32
      %mul3A_138 = arith.muli %mul3A_136, %mul3A_137 : i32
      %dma_start3A_139 = tpu.memref_slice %arg2[%mul3A_138] : memref<688128xi32, #tpu.memory_space<hbm>> -> memref<8192xi32, #tpu.memory_space<hbm>>
      %dma_start3A_140 = tpu.memref_slice %arg2[%mul3A_138] : memref<688128xi32, #tpu.memory_space<hbm>> -> memref<8192xi32, #tpu.memory_space<hbm>>
      tpu.enqueue_dma source(%dma_start3A_140 : memref<8192xi32, #tpu.memory_space<hbm>>) target(%arg20 : memref<8192xi32, #tpu.memory_space<vmem>>) target_semaphore(%arg22 : memref<!tpu.dma_semaphore, #tpu.memory_space<semaphore_mem>>)
      %dma_wait3A_141 = arith.constant 0 : i32
      %dma_wait3A_142 = tpu.memref_slice %arg2[%dma_wait3A_141] : memref<688128xi32, #tpu.memory_space<hbm>> -> memref<8192xi32, #tpu.memory_space<hbm>>
      %dma_wait3A_143 = arith.constant 0 : i32
      %dma_wait3A_144 = tpu.memref_slice %arg2[%dma_wait3A_143] : memref<688128xi32, #tpu.memory_space<hbm>> -> memref<8192xi32, #tpu.memory_space<hbm>>
      tpu.wait_dma2 semaphore(%arg23 : memref<!tpu.dma_semaphore, #tpu.memory_space<semaphore_mem>>) src(%dma_wait3A_144 : memref<8192xi32, #tpu.memory_space<hbm>>) dst(%arg21 : memref<8192xi32, #tpu.memory_space<vmem>>)
      %parallel_loop3A_145 = arith.constant 0 : i32
      %parallel_loop3A_146 = arith.constant 256 : i32
      %parallel_loop3A_147 = arith.constant 1 : i32
      scf.for %parallel_loop3A_158 = %parallel_loop3A_145 to %parallel_loop3A_146 step %parallel_loop3A_147  : i32 {
        %parallel_loop3A_159 = arith.constant 16 : i32
        %parallel_loop3A_160 = arith.muli %parallel_loop3A_158, %parallel_loop3A_159 : i32
        %parallel_loop3A_161 = arith.index_cast %parallel_loop3A_160 : i32 to index
        %parallel_loop3A_162 = tpu.vector_load %arg21[%parallel_loop3A_161] {strides = array<i32>} : memref<8192xi32, #tpu.memory_space<vmem>>, vector<16xi32>,
        %parallel_loop3A_163 = arith.constant 16 : i32
        %parallel_loop3A_164 = arith.muli %parallel_loop3A_158, %parallel_loop3A_163 : i32
        %parallel_loop3A_165 = arith.constant 4096 : i32
        %parallel_loop3A_166 = arith.addi %parallel_loop3A_165, %parallel_loop3A_164 : i32
        %parallel_loop3A_167 = arith.index_cast %parallel_loop3A_166 : i32 to index
        %parallel_loop3A_168 = tpu.vector_load %arg21[%parallel_loop3A_167] {strides = array<i32>} : memref<8192xi32, #tpu.memory_space<vmem>>, vector<16xi32>,
        %parallel_loop3A_169 = tpu.vector_load_idx %arg9[%parallel_loop3A_162] : memref<10016xf32, #tpu.memory_space<vmem>>[vector<16xi32>], vector<16xf32>,
        %parallel_loop3A_170 = tpu.vector_load_idx %arg10[%parallel_loop3A_168] : memref<10016xf32, #tpu.memory_space<vmem>>[vector<16xi32>], vector<16xf32>,
        %parallel_loop3A_171 = arith.addf %parallel_loop3A_169, %parallel_loop3A_170 : vector<16xf32>
        %parallel_loop3A_172 = arith.constant 0.000000e+00 : f32
        %parallel_loop3A_173 = vector.broadcast %parallel_loop3A_172 : f32 to vector<16xf32>
        %parallel_loop3A_174 = arith.cmpf oge, %parallel_loop3A_171, %parallel_loop3A_173 : vector<16xf32>
        %parallel_loop3A_175 = arith.constant 2.000000e-01 : f32
        %parallel_loop3A_176 = vector.broadcast %parallel_loop3A_175 : f32 to vector<16xf32>
        %parallel_loop3A_177 = arith.mulf %parallel_loop3A_171, %parallel_loop3A_176 : vector<16xf32>
        %parallel_loop3A_178 = arith.select %parallel_loop3A_174, %parallel_loop3A_171, %parallel_loop3A_177 : vector<16xi1>, vector<16xf32>
        %parallel_loop3A_179 = arith.subf %parallel_loop3A_178, %get3A_49 : vector<16xf32>
        %parallel_loop3A_180 = math.exp %parallel_loop3A_179 : vector<16xf32>
        %parallel_loop3A_181 = tpu.vector_load_idx %arg11[%parallel_loop3A_168] : memref<10000xf32, #tpu.memory_space<vmem>>[vector<16xi32>], vector<16xf32>,
        %parallel_loop3A_182 = arith.mulf %parallel_loop3A_180, %parallel_loop3A_181 : vector<16xf32>
        tpu.vector_store_idx %arg15[%parallel_loop3A_162], %parallel_loop3A_182 {add = true} : memref<10016xf32, #tpu.memory_space<vmem>>[vector<16xi32>], vector<16xf32>,
        %parallel_loop3A_183 = tpu.vector_load_idx %arg12[%parallel_loop3A_168] : memref<10000xf32, #tpu.memory_space<vmem>>[vector<16xi32>], vector<16xf32>,
        %parallel_loop3A_184 = arith.mulf %parallel_loop3A_180, %parallel_loop3A_183 : vector<16xf32>
        tpu.vector_store_idx %arg16[%parallel_loop3A_162], %parallel_loop3A_184 {add = true} : memref<10016xf32, #tpu.memory_space<vmem>>[vector<16xi32>], vector<16xf32>,
        %parallel_loop3A_185 = tpu.vector_load_idx %arg13[%parallel_loop3A_168] : memref<10000xf32, #tpu.memory_space<vmem>>[vector<16xi32>], vector<16xf32>,
        %parallel_loop3A_186 = arith.mulf %parallel_loop3A_180, %parallel_loop3A_185 : vector<16xf32>
        tpu.vector_store_idx %arg17[%parallel_loop3A_162], %parallel_loop3A_186 {add = true} : memref<10016xf32, #tpu.memory_space<vmem>>[vector<16xi32>], vector<16xf32>,
        %parallel_loop3A_187 = tpu.vector_load_idx %arg14[%parallel_loop3A_168] : memref<10000xf32, #tpu.memory_space<vmem>>[vector<16xi32>], vector<16xf32>,
        %parallel_loop3A_188 = arith.mulf %parallel_loop3A_180, %parallel_loop3A_187 : vector<16xf32>
        tpu.vector_store_idx %arg18[%parallel_loop3A_162], %parallel_loop3A_188 {add = true} : memref<10016xf32, #tpu.memory_space<vmem>>[vector<16xi32>], vector<16xf32>,
        tpu.vector_store_idx %arg19[%parallel_loop3A_162], %parallel_loop3A_180 masked %eq3A_68 {add = true} : memref<10016xf32, #tpu.memory_space<vmem>>[vector<16xi32>], vector<16xf32>, vector<16xi1>
      } {sc.loop_unroll_factor = 16 : i64, sc.parallel_access}
      %add3A_148 = arith.constant 1 : i32
      %add3A_149 = arith.addi %mul3A_123, %add3A_148 : i32
      %add3A_150 = arith.constant 2 : i32
      %add3A_151 = arith.addi %add3A_149, %add3A_150 : i32
      %mul3A_152 = arith.constant 2 : i32
      %mul3A_153 = arith.muli %add3A_151, %mul3A_152 : i32
      %mul3A_154 = arith.constant 4096 : i32
      %mul3A_155 = arith.muli %mul3A_153, %mul3A_154 : i32
      %dma_start3A_156 = tpu.memref_slice %arg2[%mul3A_155] : memref<688128xi32, #tpu.memory_space<hbm>> -> memref<8192xi32, #tpu.memory_space<hbm>>
      %dma_start3A_157 = tpu.memref_slice %arg2[%mul3A_155] : memref<688128xi32, #tpu.memory_space<hbm>> -> memref<8192xi32, #tpu.memory_space<hbm>>
      tpu.enqueue_dma source(%dma_start3A_157 : memref<8192xi32, #tpu.memory_space<hbm>>) target(%arg21 : memref<8192xi32, #tpu.memory_space<vmem>>) target_semaphore(%arg23 : memref<!tpu.dma_semaphore, #tpu.memory_space<semaphore_mem>>)
    }
    %scan3A_96 = arith.constant 41 : i32
    %dma_wait3A = arith.constant 0 : i32
    %dma_wait3A_97 = tpu.memref_slice %arg2[%dma_wait3A] : memref<688128xi32, #tpu.memory_space<hbm>> -> memref<8192xi32, #tpu.memory_space<hbm>>
    %dma_wait3A_98 = arith.constant 0 : i32
    %dma_wait3A_99 = tpu.memref_slice %arg2[%dma_wait3A_98] : memref<688128xi32, #tpu.memory_space<hbm>> -> memref<8192xi32, #tpu.memory_space<hbm>>
    tpu.wait_dma2 semaphore(%arg22 : memref<!tpu.dma_semaphore, #tpu.memory_space<semaphore_mem>>) src(%dma_wait3A_99 : memref<8192xi32, #tpu.memory_space<hbm>>) dst(%arg20 : memref<8192xi32, #tpu.memory_space<vmem>>)
    %dma_wait3A_100 = arith.constant 0 : i32
    %dma_wait3A_101 = tpu.memref_slice %arg2[%dma_wait3A_100] : memref<688128xi32, #tpu.memory_space<hbm>> -> memref<8192xi32, #tpu.memory_space<hbm>>
    %dma_wait3A_102 = arith.constant 0 : i32
    %dma_wait3A_103 = tpu.memref_slice %arg2[%dma_wait3A_102] : memref<688128xi32, #tpu.memory_space<hbm>> -> memref<8192xi32, #tpu.memory_space<hbm>>
    tpu.wait_dma2 semaphore(%arg23 : memref<!tpu.dma_semaphore, #tpu.memory_space<semaphore_mem>>) src(%dma_wait3A_103 : memref<8192xi32, #tpu.memory_space<hbm>>) dst(%arg21 : memref<8192xi32, #tpu.memory_space<vmem>>)
    %mul3A_104 = arith.constant 4 : i32
    %mul3A_105 = arith.muli %add3A, %mul3A_104 : i32
    %add3A_106 = arith.constant 0 : i32
    %add3A_107 = arith.addi %mul3A_105, %add3A_106 : i32
    "tpu.region"() ({
      %run_scoped3A = tpu.sem_alloc : memref<!tpu.dma_semaphore, #tpu.memory_space<semaphore_mem>>
      %dma_start3A_121 = arith.constant 0 : i32
      %dma_start3A_122 = tpu.memref_slice %arg7[%add3A_107, %dma_start3A_121] : memref<128x10016xf32, #tpu.memory_space<hbm>> -> memref<1x10016xf32, #tpu.memory_space<hbm>>
      %dma_start3A_123 = tpu.memref_squeeze %dma_start3A_122 : memref<1x10016xf32, #tpu.memory_space<hbm>> -> memref<10016xf32, #tpu.memory_space<hbm>>
      %dma_start3A_124 = arith.constant 0 : i32
      %dma_start3A_125 = tpu.memref_slice %arg7[%add3A_107, %dma_start3A_124] : memref<128x10016xf32, #tpu.memory_space<hbm>> -> memref<1x10016xf32, #tpu.memory_space<hbm>>
      %dma_start3A_126 = tpu.memref_squeeze %dma_start3A_125 : memref<1x10016xf32, #tpu.memory_space<hbm>> -> memref<10016xf32, #tpu.memory_space<hbm>>
      tpu.enqueue_dma source(%arg15 : memref<10016xf32, #tpu.memory_space<vmem>>) target(%dma_start3A_126 : memref<10016xf32, #tpu.memory_space<hbm>>) target_semaphore(%run_scoped3A : memref<!tpu.dma_semaphore, #tpu.memory_space<semaphore_mem>>)
      %dma_wait3A_127 = arith.constant 0 : i32
      %dma_wait3A_128 = tpu.memref_slice %arg7[%add3A_107, %dma_wait3A_127] : memref<128x10016xf32, #tpu.memory_space<hbm>> -> memref<1x10016xf32, #tpu.memory_space<hbm>>
      %dma_wait3A_129 = tpu.memref_squeeze %dma_wait3A_128 : memref<1x10016xf32, #tpu.memory_space<hbm>> -> memref<10016xf32, #tpu.memory_space<hbm>>
      %dma_wait3A_130 = arith.constant 0 : i32
      %dma_wait3A_131 = tpu.memref_slice %arg7[%add3A_107, %dma_wait3A_130] : memref<128x10016xf32, #tpu.memory_space<hbm>> -> memref<1x10016xf32, #tpu.memory_space<hbm>>
      %dma_wait3A_132 = tpu.memref_squeeze %dma_wait3A_131 : memref<1x10016xf32, #tpu.memory_space<hbm>> -> memref<10016xf32, #tpu.memory_space<hbm>>
      tpu.wait_dma2 semaphore(%run_scoped3A : memref<!tpu.dma_semaphore, #tpu.memory_space<semaphore_mem>>) src(%arg15 : memref<10016xf32, #tpu.memory_space<vmem>>) dst(%dma_wait3A_132 : memref<10016xf32, #tpu.memory_space<hbm>>)
      tpu.yield
    }) : () -> ()
    %mul3A_108 = arith.constant 4 : i32
    %mul3A_109 = arith.muli %add3A, %mul3A_108 : i32
    %add3A_110 = arith.constant 1 : i32
    %add3A_111 = arith.addi %mul3A_109, %add3A_110 : i32
    "tpu.region"() ({
      %run_scoped3A = tpu.sem_alloc : memref<!tpu.dma_semaphore, #tpu.memory_space<semaphore_mem>>
      %dma_start3A_121 = arith.constant 0 : i32
      %dma_start3A_122 = tpu.memref_slice %arg7[%add3A_111, %dma_start3A_121] : memref<128x10016xf32, #tpu.memory_space<hbm>> -> memref<1x10016xf32, #tpu.memory_space<hbm>>
      %dma_start3A_123 = tpu.memref_squeeze %dma_start3A_122 : memref<1x10016xf32, #tpu.memory_space<hbm>> -> memref<10016xf32, #tpu.memory_space<hbm>>
      %dma_start3A_124 = arith.constant 0 : i32
      %dma_start3A_125 = tpu.memref_slice %arg7[%add3A_111, %dma_start3A_124] : memref<128x10016xf32, #tpu.memory_space<hbm>> -> memref<1x10016xf32, #tpu.memory_space<hbm>>
      %dma_start3A_126 = tpu.memref_squeeze %dma_start3A_125 : memref<1x10016xf32, #tpu.memory_space<hbm>> -> memref<10016xf32, #tpu.memory_space<hbm>>
      tpu.enqueue_dma source(%arg16 : memref<10016xf32, #tpu.memory_space<vmem>>) target(%dma_start3A_126 : memref<10016xf32, #tpu.memory_space<hbm>>) target_semaphore(%run_scoped3A : memref<!tpu.dma_semaphore, #tpu.memory_space<semaphore_mem>>)
      %dma_wait3A_127 = arith.constant 0 : i32
      %dma_wait3A_128 = tpu.memref_slice %arg7[%add3A_111, %dma_wait3A_127] : memref<128x10016xf32, #tpu.memory_space<hbm>> -> memref<1x10016xf32, #tpu.memory_space<hbm>>
      %dma_wait3A_129 = tpu.memref_squeeze %dma_wait3A_128 : memref<1x10016xf32, #tpu.memory_space<hbm>> -> memref<10016xf32, #tpu.memory_space<hbm>>
      %dma_wait3A_130 = arith.constant 0 : i32
      %dma_wait3A_131 = tpu.memref_slice %arg7[%add3A_111, %dma_wait3A_130] : memref<128x10016xf32, #tpu.memory_space<hbm>> -> memref<1x10016xf32, #tpu.memory_space<hbm>>
      %dma_wait3A_132 = tpu.memref_squeeze %dma_wait3A_131 : memref<1x10016xf32, #tpu.memory_space<hbm>> -> memref<10016xf32, #tpu.memory_space<hbm>>
      tpu.wait_dma2 semaphore(%run_scoped3A : memref<!tpu.dma_semaphore, #tpu.memory_space<semaphore_mem>>) src(%arg16 : memref<10016xf32, #tpu.memory_space<vmem>>) dst(%dma_wait3A_132 : memref<10016xf32, #tpu.memory_space<hbm>>)
      tpu.yield
    }) : () -> ()
    %mul3A_112 = arith.constant 4 : i32
    %mul3A_113 = arith.muli %add3A, %mul3A_112 : i32
    %add3A_114 = arith.constant 2 : i32
    %add3A_115 = arith.addi %mul3A_113, %add3A_114 : i32
    "tpu.region"() ({
      %run_scoped3A = tpu.sem_alloc : memref<!tpu.dma_semaphore, #tpu.memory_space<semaphore_mem>>
      %dma_start3A_121 = arith.constant 0 : i32
      %dma_start3A_122 = tpu.memref_slice %arg7[%add3A_115, %dma_start3A_121] : memref<128x10016xf32, #tpu.memory_space<hbm>> -> memref<1x10016xf32, #tpu.memory_space<hbm>>
      %dma_start3A_123 = tpu.memref_squeeze %dma_start3A_122 : memref<1x10016xf32, #tpu.memory_space<hbm>> -> memref<10016xf32, #tpu.memory_space<hbm>>
      %dma_start3A_124 = arith.constant 0 : i32
      %dma_start3A_125 = tpu.memref_slice %arg7[%add3A_115, %dma_start3A_124] : memref<128x10016xf32, #tpu.memory_space<hbm>> -> memref<1x10016xf32, #tpu.memory_space<hbm>>
      %dma_start3A_126 = tpu.memref_squeeze %dma_start3A_125 : memref<1x10016xf32, #tpu.memory_space<hbm>> -> memref<10016xf32, #tpu.memory_space<hbm>>
      tpu.enqueue_dma source(%arg17 : memref<10016xf32, #tpu.memory_space<vmem>>) target(%dma_start3A_126 : memref<10016xf32, #tpu.memory_space<hbm>>) target_semaphore(%run_scoped3A : memref<!tpu.dma_semaphore, #tpu.memory_space<semaphore_mem>>)
      %dma_wait3A_127 = arith.constant 0 : i32
      %dma_wait3A_128 = tpu.memref_slice %arg7[%add3A_115, %dma_wait3A_127] : memref<128x10016xf32, #tpu.memory_space<hbm>> -> memref<1x10016xf32, #tpu.memory_space<hbm>>
      %dma_wait3A_129 = tpu.memref_squeeze %dma_wait3A_128 : memref<1x10016xf32, #tpu.memory_space<hbm>> -> memref<10016xf32, #tpu.memory_space<hbm>>
      %dma_wait3A_130 = arith.constant 0 : i32
      %dma_wait3A_131 = tpu.memref_slice %arg7[%add3A_115, %dma_wait3A_130] : memref<128x10016xf32, #tpu.memory_space<hbm>> -> memref<1x10016xf32, #tpu.memory_space<hbm>>
      %dma_wait3A_132 = tpu.memref_squeeze %dma_wait3A_131 : memref<1x10016xf32, #tpu.memory_space<hbm>> -> memref<10016xf32, #tpu.memory_space<hbm>>
      tpu.wait_dma2 semaphore(%run_scoped3A : memref<!tpu.dma_semaphore, #tpu.memory_space<semaphore_mem>>) src(%arg17 : memref<10016xf32, #tpu.memory_space<vmem>>) dst(%dma_wait3A_132 : memref<10016xf32, #tpu.memory_space<hbm>>)
      tpu.yield
    }) : () -> ()
    %mul3A_116 = arith.constant 4 : i32
    %mul3A_117 = arith.muli %add3A, %mul3A_116 : i32
    %add3A_118 = arith.constant 3 : i32
    %add3A_119 = arith.addi %mul3A_117, %add3A_118 : i32
    "tpu.region"() ({
      %run_scoped3A = tpu.sem_alloc : memref<!tpu.dma_semaphore, #tpu.memory_space<semaphore_mem>>
      %dma_start3A_121 = arith.constant 0 : i32
      %dma_start3A_122 = tpu.memref_slice %arg7[%add3A_119, %dma_start3A_121] : memref<128x10016xf32, #tpu.memory_space<hbm>> -> memref<1x10016xf32, #tpu.memory_space<hbm>>
      %dma_start3A_123 = tpu.memref_squeeze %dma_start3A_122 : memref<1x10016xf32, #tpu.memory_space<hbm>> -> memref<10016xf32, #tpu.memory_space<hbm>>
      %dma_start3A_124 = arith.constant 0 : i32
      %dma_start3A_125 = tpu.memref_slice %arg7[%add3A_119, %dma_start3A_124] : memref<128x10016xf32, #tpu.memory_space<hbm>> -> memref<1x10016xf32, #tpu.memory_space<hbm>>
      %dma_start3A_126 = tpu.memref_squeeze %dma_start3A_125 : memref<1x10016xf32, #tpu.memory_space<hbm>> -> memref<10016xf32, #tpu.memory_space<hbm>>
      tpu.enqueue_dma source(%arg18 : memref<10016xf32, #tpu.memory_space<vmem>>) target(%dma_start3A_126 : memref<10016xf32, #tpu.memory_space<hbm>>) target_semaphore(%run_scoped3A : memref<!tpu.dma_semaphore, #tpu.memory_space<semaphore_mem>>)
      %dma_wait3A_127 = arith.constant 0 : i32
      %dma_wait3A_128 = tpu.memref_slice %arg7[%add3A_119, %dma_wait3A_127] : memref<128x10016xf32, #tpu.memory_space<hbm>> -> memref<1x10016xf32, #tpu.memory_space<hbm>>
      %dma_wait3A_129 = tpu.memref_squeeze %dma_wait3A_128 : memref<1x10016xf32, #tpu.memory_space<hbm>> -> memref<10016xf32, #tpu.memory_space<hbm>>
      %dma_wait3A_130 = arith.constant 0 : i32
      %dma_wait3A_131 = tpu.memref_slice %arg7[%add3A_119, %dma_wait3A_130] : memref<128x10016xf32, #tpu.memory_space<hbm>> -> memref<1x10016xf32, #tpu.memory_space<hbm>>
      %dma_wait3A_132 = tpu.memref_squeeze %dma_wait3A_131 : memref<1x10016xf32, #tpu.memory_space<hbm>> -> memref<10016xf32, #tpu.memory_space<hbm>>
      tpu.wait_dma2 semaphore(%run_scoped3A : memref<!tpu.dma_semaphore, #tpu.memory_space<semaphore_mem>>) src(%arg18 : memref<10016xf32, #tpu.memory_space<vmem>>) dst(%dma_wait3A_132 : memref<10016xf32, #tpu.memory_space<hbm>>)
      tpu.yield
    }) : () -> ()
    %convert_element_type3A = arith.extui %eq3A_32 : i1 to i32
    %cond3A = arith.constant 0 : i32
    %cond3A_120 = arith.cmpi ne, %convert_element_type3A, %cond3A : i32
    scf.if %cond3A_120 {
      "tpu.region"() ({
        %run_scoped3A = tpu.sem_alloc : memref<!tpu.dma_semaphore, #tpu.memory_space<semaphore_mem>>
        %dma_start3A_121 = arith.constant 0 : i32
        %dma_start3A_122 = tpu.memref_slice %arg8[%select_n3A, %dma_start3A_121] : memref<4x10016xf32, #tpu.memory_space<hbm>> -> memref<1x10016xf32, #tpu.memory_space<hbm>>
        %dma_start3A_123 = tpu.memref_squeeze %dma_start3A_122 : memref<1x10016xf32, #tpu.memory_space<hbm>> -> memref<10016xf32, #tpu.memory_space<hbm>>
        %dma_start3A_124 = arith.constant 0 : i32
        %dma_start3A_125 = tpu.memref_slice %arg8[%select_n3A, %dma_start3A_124] : memref<4x10016xf32, #tpu.memory_space<hbm>> -> memref<1x10016xf32, #tpu.memory_space<hbm>>
        %dma_start3A_126 = tpu.memref_squeeze %dma_start3A_125 : memref<1x10016xf32, #tpu.memory_space<hbm>> -> memref<10016xf32, #tpu.memory_space<hbm>>
        tpu.enqueue_dma source(%arg19 : memref<10016xf32, #tpu.memory_space<vmem>>) target(%dma_start3A_126 : memref<10016xf32, #tpu.memory_space<hbm>>) target_semaphore(%run_scoped3A : memref<!tpu.dma_semaphore, #tpu.memory_space<semaphore_mem>>)
        %dma_wait3A_127 = arith.constant 0 : i32
        %dma_wait3A_128 = tpu.memref_slice %arg8[%select_n3A, %dma_wait3A_127] : memref<4x10016xf32, #tpu.memory_space<hbm>> -> memref<1x10016xf32, #tpu.memory_space<hbm>>
        %dma_wait3A_129 = tpu.memref_squeeze %dma_wait3A_128 : memref<1x10016xf32, #tpu.memory_space<hbm>> -> memref<10016xf32, #tpu.memory_space<hbm>>
        %dma_wait3A_130 = arith.constant 0 : i32
        %dma_wait3A_131 = tpu.memref_slice %arg8[%select_n3A, %dma_wait3A_130] : memref<4x10016xf32, #tpu.memory_space<hbm>> -> memref<1x10016xf32, #tpu.memory_space<hbm>>
        %dma_wait3A_132 = tpu.memref_squeeze %dma_wait3A_131 : memref<1x10016xf32, #tpu.memory_space<hbm>> -> memref<10016xf32, #tpu.memory_space<hbm>>
        tpu.wait_dma2 semaphore(%run_scoped3A : memref<!tpu.dma_semaphore, #tpu.memory_space<semaphore_mem>>) src(%arg19 : memref<10016xf32, #tpu.memory_space<vmem>>) dst(%dma_wait3A_132 : memref<10016xf32, #tpu.memory_space<hbm>>)
        tpu.yield
      }) : () -> ()
    } else {
    }
    return
  }
}

#map = affine_map<(d0, d1) -> (0)>
#map1 = affine_map<(d0, d1) -> (0, 0)>
module attributes {stable_mosaic.version = 14 : i64} {
  func.func @sc_gat(%arg0: i32, %arg1: i32, %arg2: memref<688128xi32, #tpu.memory_space<hbm>>, %arg3: memref<1x10016xf32, #tpu.memory_space<hbm>>, %arg4: memref<1x10016xf32, #tpu.memory_space<hbm>>, %arg5: memref<128x10000xf32, #tpu.memory_space<hbm>>, %arg6: memref<1x16xf32, #tpu.memory_space<hbm>>, %arg7: memref<128x10016xf32, #tpu.memory_space<hbm>>, %arg8: memref<1x10016xf32, #tpu.memory_space<hbm>>, %arg9: memref<10016xf32, #tpu.memory_space<vmem>>, %arg10: memref<10016xf32, #tpu.memory_space<vmem>>, %arg11: memref<10000xf32, #tpu.memory_space<vmem>>, %arg12: memref<10000xf32, #tpu.memory_space<vmem>>, %arg13: memref<10000xf32, #tpu.memory_space<vmem>>, %arg14: memref<10000xf32, #tpu.memory_space<vmem>>, %arg15: memref<10016xf32, #tpu.memory_space<vmem>>, %arg16: memref<10016xf32, #tpu.memory_space<vmem>>, %arg17: memref<10016xf32, #tpu.memory_space<vmem>>, %arg18: memref<10016xf32, #tpu.memory_space<vmem>>, %arg19: memref<10016xf32, #tpu.memory_space<vmem>>, %arg20: memref<8192xi32, #tpu.memory_space<vmem>>, %arg21: memref<8192xi32, #tpu.memory_space<vmem>>, %arg22: memref<!tpu.dma_semaphore, #tpu.memory_space<semaphore_mem>>, %arg23: memref<!tpu.dma_semaphore, #tpu.memory_space<semaphore_mem>>, %arg24: memref<16xf32, #tpu.memory_space<vmem>>) attributes {dimension_semantics = [#tpu.dimension_semantics<core_parallel>, #tpu.dimension_semantics<subcore_parallel>], iteration_bounds = array<i64: 2, 16>, scalar_prefetch = 0 : i64, scratch_operands = 16 : i64, tpu.core_type = #tpu.core_type<sc_vector_subcore>, window_params = [{transform_indices = #map}, {transform_indices = #map1}, {transform_indices = #map1}, {transform_indices = #map1}, {transform_indices = #map1}, {transform_indices = #map1}, {transform_indices = #map1}]} {
    %mul3A = arith.constant 2 : i32
    %mul3A_0 = arith.muli %arg1, %mul3A : i32
    %add3A = arith.addi %mul3A_0, %arg0 : i32
    %jit3A = arith.constant 32 : i32
    %div3A = arith.divsi %add3A, %jit3A : i32
    %sign3A = arith.constant 0 : i32
    %sign3A_1 = arith.cmpi sgt, %add3A, %sign3A : i32
    %sign3A_2 = arith.extui %sign3A_1 : i1 to i32
    %sign3A_3 = arith.constant 0 : i32
    %sign3A_4 = arith.cmpi slt, %add3A, %sign3A_3 : i32
    %sign3A_5 = arith.extui %sign3A_4 : i1 to i32
    %sign3A_6 = arith.subi %sign3A_2, %sign3A_5 : i32
    %sign3A_7 = arith.constant 0 : i32
    %sign3A_8 = arith.cmpi sgt, %jit3A, %sign3A_7 : i32
    %sign3A_9 = arith.extui %sign3A_8 : i1 to i32
    %sign3A_10 = arith.constant 0 : i32
    %sign3A_11 = arith.cmpi slt, %jit3A, %sign3A_10 : i32
    %sign3A_12 = arith.extui %sign3A_11 : i1 to i32
    %sign3A_13 = arith.subi %sign3A_9, %sign3A_12 : i32
    %ne3A = arith.cmpi ne, %sign3A_6, %sign3A_13 : i32
    %rem3A = arith.remsi %add3A, %jit3A : i32
    %ne3A_14 = arith.constant 0 : i32
    %ne3A_15 = arith.cmpi ne, %rem3A, %ne3A_14 : i32
    %and3A = arith.andi %ne3A, %ne3A_15 : i1
    %sub3A = arith.constant 1 : i32
    %sub3A_16 = arith.subi %div3A, %sub3A : i32
    %select_n3A = arith.select %and3A, %sub3A_16, %div3A : i32
    %jit3A_17 = arith.constant 32 : i32
    %eq3A = arith.constant 0 : i32
    %eq3A_18 = arith.cmpi eq, %jit3A_17, %eq3A : i32
    %jit3A_19 = arith.constant 1 : i32
    %select_n3A_20 = arith.select %eq3A_18, %jit3A_19, %jit3A_17 : i32
    %rem3A_21 = arith.remsi %add3A, %select_n3A_20 : i32
    %ne3A_22 = arith.constant 0 : i32
    %ne3A_23 = arith.cmpi ne, %rem3A_21, %ne3A_22 : i32
    %lt3A = arith.constant 0 : i32
    %lt3A_24 = arith.cmpi slt, %rem3A_21, %lt3A : i32
    %lt3A_25 = arith.constant 0 : i32
    %lt3A_26 = arith.cmpi slt, %select_n3A_20, %lt3A_25 : i32
    %ne3A_27 = arith.xori %lt3A_24, %lt3A_26 : i1
    %and3A_28 = arith.andi %ne3A_27, %ne3A_23 : i1
    %add3A_29 = arith.addi %rem3A_21, %select_n3A_20 : i32
    %select_n3A_30 = arith.select %and3A_28, %add3A_29, %rem3A_21 : i32
    %eq3A_31 = arith.constant 0 : i32
    %eq3A_32 = arith.cmpi eq, %select_n3A_30, %eq3A_31 : i32
    "tpu.region"() ({
      %run_scoped3A = tpu.sem_alloc : memref<!tpu.dma_semaphore, #tpu.memory_space<semaphore_mem>>
      %dma_start3A_121 = arith.constant 0 : i32
      %dma_start3A_122 = tpu.memref_slice %arg3[%select_n3A, %dma_start3A_121] : memref<1x10016xf32, #tpu.memory_space<hbm>> -> memref<1x10016xf32, #tpu.memory_space<hbm>>
      %dma_start3A_123 = tpu.memref_squeeze %dma_start3A_122 : memref<1x10016xf32, #tpu.memory_space<hbm>> -> memref<10016xf32, #tpu.memory_space<hbm>>
      %dma_start3A_124 = arith.constant 0 : i32
      %dma_start3A_125 = tpu.memref_slice %arg3[%select_n3A, %dma_start3A_124] : memref<1x10016xf32, #tpu.memory_space<hbm>> -> memref<1x10016xf32, #tpu.memory_space<hbm>>
      %dma_start3A_126 = tpu.memref_squeeze %dma_start3A_125 : memref<1x10016xf32, #tpu.memory_space<hbm>> -> memref<10016xf32, #tpu.memory_space<hbm>>
      tpu.enqueue_dma source(%dma_start3A_126 : memref<10016xf32, #tpu.memory_space<hbm>>) target(%arg9 : memref<10016xf32, #tpu.memory_space<vmem>>) target_semaphore(%run_scoped3A : memref<!tpu.dma_semaphore, #tpu.memory_space<semaphore_mem>>)
      %dma_wait3A_127 = arith.constant 0 : i32
      %dma_wait3A_128 = tpu.memref_slice %arg3[%select_n3A, %dma_wait3A_127] : memref<1x10016xf32, #tpu.memory_space<hbm>> -> memref<1x10016xf32, #tpu.memory_space<hbm>>
      %dma_wait3A_129 = tpu.memref_squeeze %dma_wait3A_128 : memref<1x10016xf32, #tpu.memory_space<hbm>> -> memref<10016xf32, #tpu.memory_space<hbm>>
      %dma_wait3A_130 = arith.constant 0 : i32
      %dma_wait3A_131 = tpu.memref_slice %arg3[%select_n3A, %dma_wait3A_130] : memref<1x10016xf32, #tpu.memory_space<hbm>> -> memref<1x10016xf32, #tpu.memory_space<hbm>>
      %dma_wait3A_132 = tpu.memref_squeeze %dma_wait3A_131 : memref<1x10016xf32, #tpu.memory_space<hbm>> -> memref<10016xf32, #tpu.memory_space<hbm>>
      tpu.wait_dma2 semaphore(%run_scoped3A : memref<!tpu.dma_semaphore, #tpu.memory_space<semaphore_mem>>) src(%dma_wait3A_132 : memref<10016xf32, #tpu.memory_space<hbm>>) dst(%arg9 : memref<10016xf32, #tpu.memory_space<vmem>>)
      tpu.yield
    }) : () -> ()
    "tpu.region"() ({
      %run_scoped3A = tpu.sem_alloc : memref<!tpu.dma_semaphore, #tpu.memory_space<semaphore_mem>>
      %dma_start3A_121 = arith.constant 0 : i32
      %dma_start3A_122 = tpu.memref_slice %arg4[%select_n3A, %dma_start3A_121] : memref<1x10016xf32, #tpu.memory_space<hbm>> -> memref<1x10016xf32, #tpu.memory_space<hbm>>
      %dma_start3A_123 = tpu.memref_squeeze %dma_start3A_122 : memref<1x10016xf32, #tpu.memory_space<hbm>> -> memref<10016xf32, #tpu.memory_space<hbm>>
      %dma_start3A_124 = arith.constant 0 : i32
      %dma_start3A_125 = tpu.memref_slice %arg4[%select_n3A, %dma_start3A_124] : memref<1x10016xf32, #tpu.memory_space<hbm>> -> memref<1x10016xf32, #tpu.memory_space<hbm>>
      %dma_start3A_126 = tpu.memref_squeeze %dma_start3A_125 : memref<1x10016xf32, #tpu.memory_space<hbm>> -> memref<10016xf32, #tpu.memory_space<hbm>>
      tpu.enqueue_dma source(%dma_start3A_126 : memref<10016xf32, #tpu.memory_space<hbm>>) target(%arg10 : memref<10016xf32, #tpu.memory_space<vmem>>) target_semaphore(%run_scoped3A : memref<!tpu.dma_semaphore, #tpu.memory_space<semaphore_mem>>)
      %dma_wait3A_127 = arith.constant 0 : i32
      %dma_wait3A_128 = tpu.memref_slice %arg4[%select_n3A, %dma_wait3A_127] : memref<1x10016xf32, #tpu.memory_space<hbm>> -> memref<1x10016xf32, #tpu.memory_space<hbm>>
      %dma_wait3A_129 = tpu.memref_squeeze %dma_wait3A_128 : memref<1x10016xf32, #tpu.memory_space<hbm>> -> memref<10016xf32, #tpu.memory_space<hbm>>
      %dma_wait3A_130 = arith.constant 0 : i32
      %dma_wait3A_131 = tpu.memref_slice %arg4[%select_n3A, %dma_wait3A_130] : memref<1x10016xf32, #tpu.memory_space<hbm>> -> memref<1x10016xf32, #tpu.memory_space<hbm>>
      %dma_wait3A_132 = tpu.memref_squeeze %dma_wait3A_131 : memref<1x10016xf32, #tpu.memory_space<hbm>> -> memref<10016xf32, #tpu.memory_space<hbm>>
      tpu.wait_dma2 semaphore(%run_scoped3A : memref<!tpu.dma_semaphore, #tpu.memory_space<semaphore_mem>>) src(%dma_wait3A_132 : memref<10016xf32, #tpu.memory_space<hbm>>) dst(%arg10 : memref<10016xf32, #tpu.memory_space<vmem>>)
      tpu.yield
    }) : () -> ()
    %mul3A_33 = arith.constant 4 : i32
    %mul3A_34 = arith.muli %add3A, %mul3A_33 : i32
    %add3A_35 = arith.constant 0 : i32
    %add3A_36 = arith.addi %mul3A_34, %add3A_35 : i32
    "tpu.region"() ({
      %run_scoped3A = tpu.sem_alloc : memref<!tpu.dma_semaphore, #tpu.memory_space<semaphore_mem>>
      %dma_start3A_121 = arith.constant 0 : i32
      %dma_start3A_122 = tpu.memref_slice %arg5[%add3A_36, %dma_start3A_121] : memref<128x10000xf32, #tpu.memory_space<hbm>> -> memref<1x10000xf32, #tpu.memory_space<hbm>>
      %dma_start3A_123 = tpu.memref_squeeze %dma_start3A_122 : memref<1x10000xf32, #tpu.memory_space<hbm>> -> memref<10000xf32, #tpu.memory_space<hbm>>
      %dma_start3A_124 = arith.constant 0 : i32
      %dma_start3A_125 = tpu.memref_slice %arg5[%add3A_36, %dma_start3A_124] : memref<128x10000xf32, #tpu.memory_space<hbm>> -> memref<1x10000xf32, #tpu.memory_space<hbm>>
      %dma_start3A_126 = tpu.memref_squeeze %dma_start3A_125 : memref<1x10000xf32, #tpu.memory_space<hbm>> -> memref<10000xf32, #tpu.memory_space<hbm>>
      tpu.enqueue_dma source(%dma_start3A_126 : memref<10000xf32, #tpu.memory_space<hbm>>) target(%arg11 : memref<10000xf32, #tpu.memory_space<vmem>>) target_semaphore(%run_scoped3A : memref<!tpu.dma_semaphore, #tpu.memory_space<semaphore_mem>>)
      %dma_wait3A_127 = arith.constant 0 : i32
      %dma_wait3A_128 = tpu.memref_slice %arg5[%add3A_36, %dma_wait3A_127] : memref<128x10000xf32, #tpu.memory_space<hbm>> -> memref<1x10000xf32, #tpu.memory_space<hbm>>
      %dma_wait3A_129 = tpu.memref_squeeze %dma_wait3A_128 : memref<1x10000xf32, #tpu.memory_space<hbm>> -> memref<10000xf32, #tpu.memory_space<hbm>>
      %dma_wait3A_130 = arith.constant 0 : i32
      %dma_wait3A_131 = tpu.memref_slice %arg5[%add3A_36, %dma_wait3A_130] : memref<128x10000xf32, #tpu.memory_space<hbm>> -> memref<1x10000xf32, #tpu.memory_space<hbm>>
      %dma_wait3A_132 = tpu.memref_squeeze %dma_wait3A_131 : memref<1x10000xf32, #tpu.memory_space<hbm>> -> memref<10000xf32, #tpu.memory_space<hbm>>
      tpu.wait_dma2 semaphore(%run_scoped3A : memref<!tpu.dma_semaphore, #tpu.memory_space<semaphore_mem>>) src(%dma_wait3A_132 : memref<10000xf32, #tpu.memory_space<hbm>>) dst(%arg11 : memref<10000xf32, #tpu.memory_space<vmem>>)
      tpu.yield
    }) : () -> ()
    %mul3A_37 = arith.constant 4 : i32
    %mul3A_38 = arith.muli %add3A, %mul3A_37 : i32
    %add3A_39 = arith.constant 1 : i32
    %add3A_40 = arith.addi %mul3A_38, %add3A_39 : i32
    "tpu.region"() ({
      %run_scoped3A = tpu.sem_alloc : memref<!tpu.dma_semaphore, #tpu.memory_space<semaphore_mem>>
      %dma_start3A_121 = arith.constant 0 : i32
      %dma_start3A_122 = tpu.memref_slice %arg5[%add3A_40, %dma_start3A_121] : memref<128x10000xf32, #tpu.memory_space<hbm>> -> memref<1x10000xf32, #tpu.memory_space<hbm>>
      %dma_start3A_123 = tpu.memref_squeeze %dma_start3A_122 : memref<1x10000xf32, #tpu.memory_space<hbm>> -> memref<10000xf32, #tpu.memory_space<hbm>>
      %dma_start3A_124 = arith.constant 0 : i32
      %dma_start3A_125 = tpu.memref_slice %arg5[%add3A_40, %dma_start3A_124] : memref<128x10000xf32, #tpu.memory_space<hbm>> -> memref<1x10000xf32, #tpu.memory_space<hbm>>
      %dma_start3A_126 = tpu.memref_squeeze %dma_start3A_125 : memref<1x10000xf32, #tpu.memory_space<hbm>> -> memref<10000xf32, #tpu.memory_space<hbm>>
      tpu.enqueue_dma source(%dma_start3A_126 : memref<10000xf32, #tpu.memory_space<hbm>>) target(%arg12 : memref<10000xf32, #tpu.memory_space<vmem>>) target_semaphore(%run_scoped3A : memref<!tpu.dma_semaphore, #tpu.memory_space<semaphore_mem>>)
      %dma_wait3A_127 = arith.constant 0 : i32
      %dma_wait3A_128 = tpu.memref_slice %arg5[%add3A_40, %dma_wait3A_127] : memref<128x10000xf32, #tpu.memory_space<hbm>> -> memref<1x10000xf32, #tpu.memory_space<hbm>>
      %dma_wait3A_129 = tpu.memref_squeeze %dma_wait3A_128 : memref<1x10000xf32, #tpu.memory_space<hbm>> -> memref<10000xf32, #tpu.memory_space<hbm>>
      %dma_wait3A_130 = arith.constant 0 : i32
      %dma_wait3A_131 = tpu.memref_slice %arg5[%add3A_40, %dma_wait3A_130] : memref<128x10000xf32, #tpu.memory_space<hbm>> -> memref<1x10000xf32, #tpu.memory_space<hbm>>
      %dma_wait3A_132 = tpu.memref_squeeze %dma_wait3A_131 : memref<1x10000xf32, #tpu.memory_space<hbm>> -> memref<10000xf32, #tpu.memory_space<hbm>>
      tpu.wait_dma2 semaphore(%run_scoped3A : memref<!tpu.dma_semaphore, #tpu.memory_space<semaphore_mem>>) src(%dma_wait3A_132 : memref<10000xf32, #tpu.memory_space<hbm>>) dst(%arg12 : memref<10000xf32, #tpu.memory_space<vmem>>)
      tpu.yield
    }) : () -> ()
    %mul3A_41 = arith.constant 4 : i32
    %mul3A_42 = arith.muli %add3A, %mul3A_41 : i32
    %add3A_43 = arith.constant 2 : i32
    %add3A_44 = arith.addi %mul3A_42, %add3A_43 : i32
    "tpu.region"() ({
      %run_scoped3A = tpu.sem_alloc : memref<!tpu.dma_semaphore, #tpu.memory_space<semaphore_mem>>
      %dma_start3A_121 = arith.constant 0 : i32
      %dma_start3A_122 = tpu.memref_slice %arg5[%add3A_44, %dma_start3A_121] : memref<128x10000xf32, #tpu.memory_space<hbm>> -> memref<1x10000xf32, #tpu.memory_space<hbm>>
      %dma_start3A_123 = tpu.memref_squeeze %dma_start3A_122 : memref<1x10000xf32, #tpu.memory_space<hbm>> -> memref<10000xf32, #tpu.memory_space<hbm>>
      %dma_start3A_124 = arith.constant 0 : i32
      %dma_start3A_125 = tpu.memref_slice %arg5[%add3A_44, %dma_start3A_124] : memref<128x10000xf32, #tpu.memory_space<hbm>> -> memref<1x10000xf32, #tpu.memory_space<hbm>>
      %dma_start3A_126 = tpu.memref_squeeze %dma_start3A_125 : memref<1x10000xf32, #tpu.memory_space<hbm>> -> memref<10000xf32, #tpu.memory_space<hbm>>
      tpu.enqueue_dma source(%dma_start3A_126 : memref<10000xf32, #tpu.memory_space<hbm>>) target(%arg13 : memref<10000xf32, #tpu.memory_space<vmem>>) target_semaphore(%run_scoped3A : memref<!tpu.dma_semaphore, #tpu.memory_space<semaphore_mem>>)
      %dma_wait3A_127 = arith.constant 0 : i32
      %dma_wait3A_128 = tpu.memref_slice %arg5[%add3A_44, %dma_wait3A_127] : memref<128x10000xf32, #tpu.memory_space<hbm>> -> memref<1x10000xf32, #tpu.memory_space<hbm>>
      %dma_wait3A_129 = tpu.memref_squeeze %dma_wait3A_128 : memref<1x10000xf32, #tpu.memory_space<hbm>> -> memref<10000xf32, #tpu.memory_space<hbm>>
      %dma_wait3A_130 = arith.constant 0 : i32
      %dma_wait3A_131 = tpu.memref_slice %arg5[%add3A_44, %dma_wait3A_130] : memref<128x10000xf32, #tpu.memory_space<hbm>> -> memref<1x10000xf32, #tpu.memory_space<hbm>>
      %dma_wait3A_132 = tpu.memref_squeeze %dma_wait3A_131 : memref<1x10000xf32, #tpu.memory_space<hbm>> -> memref<10000xf32, #tpu.memory_space<hbm>>
      tpu.wait_dma2 semaphore(%run_scoped3A : memref<!tpu.dma_semaphore, #tpu.memory_space<semaphore_mem>>) src(%dma_wait3A_132 : memref<10000xf32, #tpu.memory_space<hbm>>) dst(%arg13 : memref<10000xf32, #tpu.memory_space<vmem>>)
      tpu.yield
    }) : () -> ()
    %mul3A_45 = arith.constant 4 : i32
    %mul3A_46 = arith.muli %add3A, %mul3A_45 : i32
    %add3A_47 = arith.constant 3 : i32
    %add3A_48 = arith.addi %mul3A_46, %add3A_47 : i32
    "tpu.region"() ({
      %run_scoped3A = tpu.sem_alloc : memref<!tpu.dma_semaphore, #tpu.memory_space<semaphore_mem>>
      %dma_start3A_121 = arith.constant 0 : i32
      %dma_start3A_122 = tpu.memref_slice %arg5[%add3A_48, %dma_start3A_121] : memref<128x10000xf32, #tpu.memory_space<hbm>> -> memref<1x10000xf32, #tpu.memory_space<hbm>>
      %dma_start3A_123 = tpu.memref_squeeze %dma_start3A_122 : memref<1x10000xf32, #tpu.memory_space<hbm>> -> memref<10000xf32, #tpu.memory_space<hbm>>
      %dma_start3A_124 = arith.constant 0 : i32
      %dma_start3A_125 = tpu.memref_slice %arg5[%add3A_48, %dma_start3A_124] : memref<128x10000xf32, #tpu.memory_space<hbm>> -> memref<1x10000xf32, #tpu.memory_space<hbm>>
      %dma_start3A_126 = tpu.memref_squeeze %dma_start3A_125 : memref<1x10000xf32, #tpu.memory_space<hbm>> -> memref<10000xf32, #tpu.memory_space<hbm>>
      tpu.enqueue_dma source(%dma_start3A_126 : memref<10000xf32, #tpu.memory_space<hbm>>) target(%arg14 : memref<10000xf32, #tpu.memory_space<vmem>>) target_semaphore(%run_scoped3A : memref<!tpu.dma_semaphore, #tpu.memory_space<semaphore_mem>>)
      %dma_wait3A_127 = arith.constant 0 : i32
      %dma_wait3A_128 = tpu.memref_slice %arg5[%add3A_48, %dma_wait3A_127] : memref<128x10000xf32, #tpu.memory_space<hbm>> -> memref<1x10000xf32, #tpu.memory_space<hbm>>
      %dma_wait3A_129 = tpu.memref_squeeze %dma_wait3A_128 : memref<1x10000xf32, #tpu.memory_space<hbm>> -> memref<10000xf32, #tpu.memory_space<hbm>>
      %dma_wait3A_130 = arith.constant 0 : i32
      %dma_wait3A_131 = tpu.memref_slice %arg5[%add3A_48, %dma_wait3A_130] : memref<128x10000xf32, #tpu.memory_space<hbm>> -> memref<1x10000xf32, #tpu.memory_space<hbm>>
      %dma_wait3A_132 = tpu.memref_squeeze %dma_wait3A_131 : memref<1x10000xf32, #tpu.memory_space<hbm>> -> memref<10000xf32, #tpu.memory_space<hbm>>
      tpu.wait_dma2 semaphore(%run_scoped3A : memref<!tpu.dma_semaphore, #tpu.memory_space<semaphore_mem>>) src(%dma_wait3A_132 : memref<10000xf32, #tpu.memory_space<hbm>>) dst(%arg14 : memref<10000xf32, #tpu.memory_space<vmem>>)
      tpu.yield
    }) : () -> ()
    "tpu.region"() ({
      %run_scoped3A = tpu.sem_alloc : memref<!tpu.dma_semaphore, #tpu.memory_space<semaphore_mem>>
      %dma_start3A_121 = arith.constant 0 : i32
      %dma_start3A_122 = tpu.memref_slice %arg6[%select_n3A, %dma_start3A_121] : memref<1x16xf32, #tpu.memory_space<hbm>> -> memref<1x16xf32, #tpu.memory_space<hbm>>
      %dma_start3A_123 = tpu.memref_squeeze %dma_start3A_122 : memref<1x16xf32, #tpu.memory_space<hbm>> -> memref<16xf32, #tpu.memory_space<hbm>>
      %dma_start3A_124 = arith.constant 0 : i32
      %dma_start3A_125 = tpu.memref_slice %arg6[%select_n3A, %dma_start3A_124] : memref<1x16xf32, #tpu.memory_space<hbm>> -> memref<1x16xf32, #tpu.memory_space<hbm>>
      %dma_start3A_126 = tpu.memref_squeeze %dma_start3A_125 : memref<1x16xf32, #tpu.memory_space<hbm>> -> memref<16xf32, #tpu.memory_space<hbm>>
      tpu.enqueue_dma source(%dma_start3A_126 : memref<16xf32, #tpu.memory_space<hbm>>) target(%arg24 : memref<16xf32, #tpu.memory_space<vmem>>) target_semaphore(%run_scoped3A : memref<!tpu.dma_semaphore, #tpu.memory_space<semaphore_mem>>)
      %dma_wait3A_127 = arith.constant 0 : i32
      %dma_wait3A_128 = tpu.memref_slice %arg6[%select_n3A, %dma_wait3A_127] : memref<1x16xf32, #tpu.memory_space<hbm>> -> memref<1x16xf32, #tpu.memory_space<hbm>>
      %dma_wait3A_129 = tpu.memref_squeeze %dma_wait3A_128 : memref<1x16xf32, #tpu.memory_space<hbm>> -> memref<16xf32, #tpu.memory_space<hbm>>
      %dma_wait3A_130 = arith.constant 0 : i32
      %dma_wait3A_131 = tpu.memref_slice %arg6[%select_n3A, %dma_wait3A_130] : memref<1x16xf32, #tpu.memory_space<hbm>> -> memref<1x16xf32, #tpu.memory_space<hbm>>
      %dma_wait3A_132 = tpu.memref_squeeze %dma_wait3A_131 : memref<1x16xf32, #tpu.memory_space<hbm>> -> memref<16xf32, #tpu.memory_space<hbm>>
      tpu.wait_dma2 semaphore(%run_scoped3A : memref<!tpu.dma_semaphore, #tpu.memory_space<semaphore_mem>>) src(%dma_wait3A_132 : memref<16xf32, #tpu.memory_space<hbm>>) dst(%arg24 : memref<16xf32, #tpu.memory_space<vmem>>)
      tpu.yield
    }) : () -> ()
    %get3A = arith.constant 0 : index
    %get3A_49 = tpu.vector_load %arg24[%get3A] {strides = array<i32>} : memref<16xf32, #tpu.memory_space<vmem>>, vector<16xf32>,
    %jit3A_50 = arith.constant 32 : i32
    %eq3A_51 = arith.constant 0 : i32
    %eq3A_52 = arith.cmpi eq, %jit3A_50, %eq3A_51 : i32
    %jit3A_53 = arith.constant 1 : i32
    %select_n3A_54 = arith.select %eq3A_52, %jit3A_53, %jit3A_50 : i32
    %rem3A_55 = arith.remsi %add3A, %select_n3A_54 : i32
    %ne3A_56 = arith.constant 0 : i32
    %ne3A_57 = arith.cmpi ne, %rem3A_55, %ne3A_56 : i32
    %lt3A_58 = arith.constant 0 : i32
    %lt3A_59 = arith.cmpi slt, %rem3A_55, %lt3A_58 : i32
    %lt3A_60 = arith.constant 0 : i32
    %lt3A_61 = arith.cmpi slt, %select_n3A_54, %lt3A_60 : i32
    %ne3A_62 = arith.xori %lt3A_59, %lt3A_61 : i1
    %and3A_63 = arith.andi %ne3A_62, %ne3A_57 : i1
    %add3A_64 = arith.addi %rem3A_55, %select_n3A_54 : i32
    %select_n3A_65 = arith.select %and3A_63, %add3A_64, %rem3A_55 : i32
    %broadcast_in_dim3A = vector.broadcast %select_n3A_65 : i32 to vector<16xi32>
    %eq3A_66 = arith.constant 0 : i32
    %eq3A_67 = vector.broadcast %eq3A_66 : i32 to vector<16xi32>
    %eq3A_68 = arith.cmpi eq, %broadcast_in_dim3A, %eq3A_67 : vector<16xi32>
    %broadcast_in_dim3A_69 = arith.constant 0.000000e+00 : f32
    %broadcast_in_dim3A_70 = vector.broadcast %broadcast_in_dim3A_69 : f32 to vector<16xf32>
    %parallel_loop3A = arith.constant 0 : i32
    %parallel_loop3A_71 = arith.constant 626 : i32
    %parallel_loop3A_72 = arith.constant 1 : i32
    scf.for %parallel_loop3A_121 = %parallel_loop3A to %parallel_loop3A_71 step %parallel_loop3A_72  : i32 {
      %parallel_loop3A_122 = arith.constant 16 : i32
      %parallel_loop3A_123 = arith.muli %parallel_loop3A_121, %parallel_loop3A_122 : i32
      %parallel_loop3A_124 = arith.index_cast %parallel_loop3A_123 : i32 to index
      %parallel_loop3A_125 = tpu.vector_load %arg15[%parallel_loop3A_124] {strides = array<i32>} : memref<10016xf32, #tpu.memory_space<vmem>>, vector<16xf32>,
      tpu.vector_store %arg15[%parallel_loop3A_124], %broadcast_in_dim3A_70 {strides = array<i32>} : memref<10016xf32, #tpu.memory_space<vmem>>, vector<16xf32>,
    } {sc.loop_unroll_factor = 4 : i64, sc.parallel_access}
    %parallel_loop3A_73 = arith.constant 0 : i32
    %parallel_loop3A_74 = arith.constant 626 : i32
    %parallel_loop3A_75 = arith.constant 1 : i32
    scf.for %parallel_loop3A_121 = %parallel_loop3A_73 to %parallel_loop3A_74 step %parallel_loop3A_75  : i32 {
      %parallel_loop3A_122 = arith.constant 16 : i32
      %parallel_loop3A_123 = arith.muli %parallel_loop3A_121, %parallel_loop3A_122 : i32
      %parallel_loop3A_124 = arith.index_cast %parallel_loop3A_123 : i32 to index
      %parallel_loop3A_125 = tpu.vector_load %arg16[%parallel_loop3A_124] {strides = array<i32>} : memref<10016xf32, #tpu.memory_space<vmem>>, vector<16xf32>,
      tpu.vector_store %arg16[%parallel_loop3A_124], %broadcast_in_dim3A_70 {strides = array<i32>} : memref<10016xf32, #tpu.memory_space<vmem>>, vector<16xf32>,
    } {sc.loop_unroll_factor = 4 : i64, sc.parallel_access}
    %parallel_loop3A_76 = arith.constant 0 : i32
    %parallel_loop3A_77 = arith.constant 626 : i32
    %parallel_loop3A_78 = arith.constant 1 : i32
    scf.for %parallel_loop3A_121 = %parallel_loop3A_76 to %parallel_loop3A_77 step %parallel_loop3A_78  : i32 {
      %parallel_loop3A_122 = arith.constant 16 : i32
      %parallel_loop3A_123 = arith.muli %parallel_loop3A_121, %parallel_loop3A_122 : i32
      %parallel_loop3A_124 = arith.index_cast %parallel_loop3A_123 : i32 to index
      %parallel_loop3A_125 = tpu.vector_load %arg17[%parallel_loop3A_124] {strides = array<i32>} : memref<10016xf32, #tpu.memory_space<vmem>>, vector<16xf32>,
      tpu.vector_store %arg17[%parallel_loop3A_124], %broadcast_in_dim3A_70 {strides = array<i32>} : memref<10016xf32, #tpu.memory_space<vmem>>, vector<16xf32>,
    } {sc.loop_unroll_factor = 4 : i64, sc.parallel_access}
    %parallel_loop3A_79 = arith.constant 0 : i32
    %parallel_loop3A_80 = arith.constant 626 : i32
    %parallel_loop3A_81 = arith.constant 1 : i32
    scf.for %parallel_loop3A_121 = %parallel_loop3A_79 to %parallel_loop3A_80 step %parallel_loop3A_81  : i32 {
      %parallel_loop3A_122 = arith.constant 16 : i32
      %parallel_loop3A_123 = arith.muli %parallel_loop3A_121, %parallel_loop3A_122 : i32
      %parallel_loop3A_124 = arith.index_cast %parallel_loop3A_123 : i32 to index
      %parallel_loop3A_125 = tpu.vector_load %arg18[%parallel_loop3A_124] {strides = array<i32>} : memref<10016xf32, #tpu.memory_space<vmem>>, vector<16xf32>,
      tpu.vector_store %arg18[%parallel_loop3A_124], %broadcast_in_dim3A_70 {strides = array<i32>} : memref<10016xf32, #tpu.memory_space<vmem>>, vector<16xf32>,
    } {sc.loop_unroll_factor = 4 : i64, sc.parallel_access}
    %parallel_loop3A_82 = arith.constant 0 : i32
    %parallel_loop3A_83 = arith.constant 626 : i32
    %parallel_loop3A_84 = arith.constant 1 : i32
    scf.for %parallel_loop3A_121 = %parallel_loop3A_82 to %parallel_loop3A_83 step %parallel_loop3A_84  : i32 {
      %parallel_loop3A_122 = arith.constant 16 : i32
      %parallel_loop3A_123 = arith.muli %parallel_loop3A_121, %parallel_loop3A_122 : i32
      %parallel_loop3A_124 = arith.index_cast %parallel_loop3A_123 : i32 to index
      %parallel_loop3A_125 = tpu.vector_load %arg19[%parallel_loop3A_124] {strides = array<i32>} : memref<10016xf32, #tpu.memory_space<vmem>>, vector<16xf32>,
      tpu.vector_store %arg19[%parallel_loop3A_124], %broadcast_in_dim3A_70 {strides = array<i32>} : memref<10016xf32, #tpu.memory_space<vmem>>, vector<16xf32>,
    } {sc.loop_unroll_factor = 4 : i64, sc.parallel_access}
    %dma_start3A = arith.constant 0 : i32
    %dma_start3A_85 = tpu.memref_slice %arg2[%dma_start3A] : memref<688128xi32, #tpu.memory_space<hbm>> -> memref<8192xi32, #tpu.memory_space<hbm>>
    %dma_start3A_86 = arith.constant 0 : i32
    %dma_start3A_87 = tpu.memref_slice %arg2[%dma_start3A_86] : memref<688128xi32, #tpu.memory_space<hbm>> -> memref<8192xi32, #tpu.memory_space<hbm>>
    tpu.enqueue_dma source(%dma_start3A_87 : memref<8192xi32, #tpu.memory_space<hbm>>) target(%arg20 : memref<8192xi32, #tpu.memory_space<vmem>>) target_semaphore(%arg22 : memref<!tpu.dma_semaphore, #tpu.memory_space<semaphore_mem>>)
    %dma_start3A_88 = arith.constant 8192 : i32
    %dma_start3A_89 = tpu.memref_slice %arg2[%dma_start3A_88] : memref<688128xi32, #tpu.memory_space<hbm>> -> memref<8192xi32, #tpu.memory_space<hbm>>
    %dma_start3A_90 = arith.constant 8192 : i32
    %dma_start3A_91 = tpu.memref_slice %arg2[%dma_start3A_90] : memref<688128xi32, #tpu.memory_space<hbm>> -> memref<8192xi32, #tpu.memory_space<hbm>>
    tpu.enqueue_dma source(%dma_start3A_91 : memref<8192xi32, #tpu.memory_space<hbm>>) target(%arg21 : memref<8192xi32, #tpu.memory_space<vmem>>) target_semaphore(%arg23 : memref<!tpu.dma_semaphore, #tpu.memory_space<semaphore_mem>>)
    %scan3A = arith.constant 0 : i32
    %scan3A_92 = arith.constant 0 : i32
    %scan3A_93 = arith.constant 41 : i32
    %scan3A_94 = arith.addi %scan3A_92, %scan3A_93 : i32
    %scan3A_95 = arith.constant 1 : i32
    scf.for %scan3A_121 = %scan3A_92 to %scan3A_94 step %scan3A_95  : i32 {
      %mul3A_122 = arith.constant 2 : i32
      %mul3A_123 = arith.muli %scan3A_121, %mul3A_122 : i32
      %dma_wait3A_124 = arith.constant 0 : i32
      %dma_wait3A_125 = tpu.memref_slice %arg2[%dma_wait3A_124] : memref<688128xi32, #tpu.memory_space<hbm>> -> memref<8192xi32, #tpu.memory_space<hbm>>
      %dma_wait3A_126 = arith.constant 0 : i32
      %dma_wait3A_127 = tpu.memref_slice %arg2[%dma_wait3A_126] : memref<688128xi32, #tpu.memory_space<hbm>> -> memref<8192xi32, #tpu.memory_space<hbm>>
      tpu.wait_dma2 semaphore(%arg22 : memref<!tpu.dma_semaphore, #tpu.memory_space<semaphore_mem>>) src(%dma_wait3A_127 : memref<8192xi32, #tpu.memory_space<hbm>>) dst(%arg20 : memref<8192xi32, #tpu.memory_space<vmem>>)
      %parallel_loop3A_128 = arith.constant 0 : i32
      %parallel_loop3A_129 = arith.constant 256 : i32
      %parallel_loop3A_130 = arith.constant 1 : i32
      scf.for %parallel_loop3A_158 = %parallel_loop3A_128 to %parallel_loop3A_129 step %parallel_loop3A_130  : i32 {
        %parallel_loop3A_159 = arith.constant 16 : i32
        %parallel_loop3A_160 = arith.muli %parallel_loop3A_158, %parallel_loop3A_159 : i32
        %parallel_loop3A_161 = arith.index_cast %parallel_loop3A_160 : i32 to index
        %parallel_loop3A_162 = tpu.vector_load %arg20[%parallel_loop3A_161] {strides = array<i32>} : memref<8192xi32, #tpu.memory_space<vmem>>, vector<16xi32>,
        %parallel_loop3A_163 = arith.constant 16 : i32
        %parallel_loop3A_164 = arith.muli %parallel_loop3A_158, %parallel_loop3A_163 : i32
        %parallel_loop3A_165 = arith.constant 4096 : i32
        %parallel_loop3A_166 = arith.addi %parallel_loop3A_165, %parallel_loop3A_164 : i32
        %parallel_loop3A_167 = arith.index_cast %parallel_loop3A_166 : i32 to index
        %parallel_loop3A_168 = tpu.vector_load %arg20[%parallel_loop3A_167] {strides = array<i32>} : memref<8192xi32, #tpu.memory_space<vmem>>, vector<16xi32>,
        %parallel_loop3A_169 = tpu.vector_load_idx %arg9[%parallel_loop3A_162] : memref<10016xf32, #tpu.memory_space<vmem>>[vector<16xi32>], vector<16xf32>,
        %parallel_loop3A_170 = tpu.vector_load_idx %arg10[%parallel_loop3A_168] : memref<10016xf32, #tpu.memory_space<vmem>>[vector<16xi32>], vector<16xf32>,
        %parallel_loop3A_171 = arith.addf %parallel_loop3A_169, %parallel_loop3A_170 : vector<16xf32>
        %parallel_loop3A_172 = arith.constant 0.000000e+00 : f32
        %parallel_loop3A_173 = vector.broadcast %parallel_loop3A_172 : f32 to vector<16xf32>
        %parallel_loop3A_174 = arith.cmpf oge, %parallel_loop3A_171, %parallel_loop3A_173 : vector<16xf32>
        %parallel_loop3A_175 = arith.constant 2.000000e-01 : f32
        %parallel_loop3A_176 = vector.broadcast %parallel_loop3A_175 : f32 to vector<16xf32>
        %parallel_loop3A_177 = arith.mulf %parallel_loop3A_171, %parallel_loop3A_176 : vector<16xf32>
        %parallel_loop3A_178 = arith.select %parallel_loop3A_174, %parallel_loop3A_171, %parallel_loop3A_177 : vector<16xi1>, vector<16xf32>
        %parallel_loop3A_179 = arith.subf %parallel_loop3A_178, %get3A_49 : vector<16xf32>
        %parallel_loop3A_180 = math.exp %parallel_loop3A_179 : vector<16xf32>
        %parallel_loop3A_181 = tpu.vector_load_idx %arg11[%parallel_loop3A_168] : memref<10000xf32, #tpu.memory_space<vmem>>[vector<16xi32>], vector<16xf32>,
        %parallel_loop3A_182 = arith.mulf %parallel_loop3A_180, %parallel_loop3A_181 : vector<16xf32>
        tpu.vector_store_idx %arg15[%parallel_loop3A_162], %parallel_loop3A_182 {add = true} : memref<10016xf32, #tpu.memory_space<vmem>>[vector<16xi32>], vector<16xf32>,
        %parallel_loop3A_183 = tpu.vector_load_idx %arg12[%parallel_loop3A_168] : memref<10000xf32, #tpu.memory_space<vmem>>[vector<16xi32>], vector<16xf32>,
        %parallel_loop3A_184 = arith.mulf %parallel_loop3A_180, %parallel_loop3A_183 : vector<16xf32>
        tpu.vector_store_idx %arg16[%parallel_loop3A_162], %parallel_loop3A_184 {add = true} : memref<10016xf32, #tpu.memory_space<vmem>>[vector<16xi32>], vector<16xf32>,
        %parallel_loop3A_185 = tpu.vector_load_idx %arg13[%parallel_loop3A_168] : memref<10000xf32, #tpu.memory_space<vmem>>[vector<16xi32>], vector<16xf32>,
        %parallel_loop3A_186 = arith.mulf %parallel_loop3A_180, %parallel_loop3A_185 : vector<16xf32>
        tpu.vector_store_idx %arg17[%parallel_loop3A_162], %parallel_loop3A_186 {add = true} : memref<10016xf32, #tpu.memory_space<vmem>>[vector<16xi32>], vector<16xf32>,
        %parallel_loop3A_187 = tpu.vector_load_idx %arg14[%parallel_loop3A_168] : memref<10000xf32, #tpu.memory_space<vmem>>[vector<16xi32>], vector<16xf32>,
        %parallel_loop3A_188 = arith.mulf %parallel_loop3A_180, %parallel_loop3A_187 : vector<16xf32>
        tpu.vector_store_idx %arg18[%parallel_loop3A_162], %parallel_loop3A_188 {add = true} : memref<10016xf32, #tpu.memory_space<vmem>>[vector<16xi32>], vector<16xf32>,
        tpu.vector_store_idx %arg19[%parallel_loop3A_162], %parallel_loop3A_180 masked %eq3A_68 {add = true} : memref<10016xf32, #tpu.memory_space<vmem>>[vector<16xi32>], vector<16xf32>, vector<16xi1>
      } {sc.loop_unroll_factor = 16 : i64, sc.parallel_access}
      %add3A_131 = arith.constant 0 : i32
      %add3A_132 = arith.addi %mul3A_123, %add3A_131 : i32
      %add3A_133 = arith.constant 2 : i32
      %add3A_134 = arith.addi %add3A_132, %add3A_133 : i32
      %mul3A_135 = arith.constant 2 : i32
      %mul3A_136 = arith.muli %add3A_134, %mul3A_135 : i32
      %mul3A_137 = arith.constant 4096 : i32
      %mul3A_138 = arith.muli %mul3A_136, %mul3A_137 : i32
      %dma_start3A_139 = tpu.memref_slice %arg2[%mul3A_138] : memref<688128xi32, #tpu.memory_space<hbm>> -> memref<8192xi32, #tpu.memory_space<hbm>>
      %dma_start3A_140 = tpu.memref_slice %arg2[%mul3A_138] : memref<688128xi32, #tpu.memory_space<hbm>> -> memref<8192xi32, #tpu.memory_space<hbm>>
      tpu.enqueue_dma source(%dma_start3A_140 : memref<8192xi32, #tpu.memory_space<hbm>>) target(%arg20 : memref<8192xi32, #tpu.memory_space<vmem>>) target_semaphore(%arg22 : memref<!tpu.dma_semaphore, #tpu.memory_space<semaphore_mem>>)
      %dma_wait3A_141 = arith.constant 0 : i32
      %dma_wait3A_142 = tpu.memref_slice %arg2[%dma_wait3A_141] : memref<688128xi32, #tpu.memory_space<hbm>> -> memref<8192xi32, #tpu.memory_space<hbm>>
      %dma_wait3A_143 = arith.constant 0 : i32
      %dma_wait3A_144 = tpu.memref_slice %arg2[%dma_wait3A_143] : memref<688128xi32, #tpu.memory_space<hbm>> -> memref<8192xi32, #tpu.memory_space<hbm>>
      tpu.wait_dma2 semaphore(%arg23 : memref<!tpu.dma_semaphore, #tpu.memory_space<semaphore_mem>>) src(%dma_wait3A_144 : memref<8192xi32, #tpu.memory_space<hbm>>) dst(%arg21 : memref<8192xi32, #tpu.memory_space<vmem>>)
      %parallel_loop3A_145 = arith.constant 0 : i32
      %parallel_loop3A_146 = arith.constant 256 : i32
      %parallel_loop3A_147 = arith.constant 1 : i32
      scf.for %parallel_loop3A_158 = %parallel_loop3A_145 to %parallel_loop3A_146 step %parallel_loop3A_147  : i32 {
        %parallel_loop3A_159 = arith.constant 16 : i32
        %parallel_loop3A_160 = arith.muli %parallel_loop3A_158, %parallel_loop3A_159 : i32
        %parallel_loop3A_161 = arith.index_cast %parallel_loop3A_160 : i32 to index
        %parallel_loop3A_162 = tpu.vector_load %arg21[%parallel_loop3A_161] {strides = array<i32>} : memref<8192xi32, #tpu.memory_space<vmem>>, vector<16xi32>,
        %parallel_loop3A_163 = arith.constant 16 : i32
        %parallel_loop3A_164 = arith.muli %parallel_loop3A_158, %parallel_loop3A_163 : i32
        %parallel_loop3A_165 = arith.constant 4096 : i32
        %parallel_loop3A_166 = arith.addi %parallel_loop3A_165, %parallel_loop3A_164 : i32
        %parallel_loop3A_167 = arith.index_cast %parallel_loop3A_166 : i32 to index
        %parallel_loop3A_168 = tpu.vector_load %arg21[%parallel_loop3A_167] {strides = array<i32>} : memref<8192xi32, #tpu.memory_space<vmem>>, vector<16xi32>,
        %parallel_loop3A_169 = tpu.vector_load_idx %arg9[%parallel_loop3A_162] : memref<10016xf32, #tpu.memory_space<vmem>>[vector<16xi32>], vector<16xf32>,
        %parallel_loop3A_170 = tpu.vector_load_idx %arg10[%parallel_loop3A_168] : memref<10016xf32, #tpu.memory_space<vmem>>[vector<16xi32>], vector<16xf32>,
        %parallel_loop3A_171 = arith.addf %parallel_loop3A_169, %parallel_loop3A_170 : vector<16xf32>
        %parallel_loop3A_172 = arith.constant 0.000000e+00 : f32
        %parallel_loop3A_173 = vector.broadcast %parallel_loop3A_172 : f32 to vector<16xf32>
        %parallel_loop3A_174 = arith.cmpf oge, %parallel_loop3A_171, %parallel_loop3A_173 : vector<16xf32>
        %parallel_loop3A_175 = arith.constant 2.000000e-01 : f32
        %parallel_loop3A_176 = vector.broadcast %parallel_loop3A_175 : f32 to vector<16xf32>
        %parallel_loop3A_177 = arith.mulf %parallel_loop3A_171, %parallel_loop3A_176 : vector<16xf32>
        %parallel_loop3A_178 = arith.select %parallel_loop3A_174, %parallel_loop3A_171, %parallel_loop3A_177 : vector<16xi1>, vector<16xf32>
        %parallel_loop3A_179 = arith.subf %parallel_loop3A_178, %get3A_49 : vector<16xf32>
        %parallel_loop3A_180 = math.exp %parallel_loop3A_179 : vector<16xf32>
        %parallel_loop3A_181 = tpu.vector_load_idx %arg11[%parallel_loop3A_168] : memref<10000xf32, #tpu.memory_space<vmem>>[vector<16xi32>], vector<16xf32>,
        %parallel_loop3A_182 = arith.mulf %parallel_loop3A_180, %parallel_loop3A_181 : vector<16xf32>
        tpu.vector_store_idx %arg15[%parallel_loop3A_162], %parallel_loop3A_182 {add = true} : memref<10016xf32, #tpu.memory_space<vmem>>[vector<16xi32>], vector<16xf32>,
        %parallel_loop3A_183 = tpu.vector_load_idx %arg12[%parallel_loop3A_168] : memref<10000xf32, #tpu.memory_space<vmem>>[vector<16xi32>], vector<16xf32>,
        %parallel_loop3A_184 = arith.mulf %parallel_loop3A_180, %parallel_loop3A_183 : vector<16xf32>
        tpu.vector_store_idx %arg16[%parallel_loop3A_162], %parallel_loop3A_184 {add = true} : memref<10016xf32, #tpu.memory_space<vmem>>[vector<16xi32>], vector<16xf32>,
        %parallel_loop3A_185 = tpu.vector_load_idx %arg13[%parallel_loop3A_168] : memref<10000xf32, #tpu.memory_space<vmem>>[vector<16xi32>], vector<16xf32>,
        %parallel_loop3A_186 = arith.mulf %parallel_loop3A_180, %parallel_loop3A_185 : vector<16xf32>
        tpu.vector_store_idx %arg17[%parallel_loop3A_162], %parallel_loop3A_186 {add = true} : memref<10016xf32, #tpu.memory_space<vmem>>[vector<16xi32>], vector<16xf32>,
        %parallel_loop3A_187 = tpu.vector_load_idx %arg14[%parallel_loop3A_168] : memref<10000xf32, #tpu.memory_space<vmem>>[vector<16xi32>], vector<16xf32>,
        %parallel_loop3A_188 = arith.mulf %parallel_loop3A_180, %parallel_loop3A_187 : vector<16xf32>
        tpu.vector_store_idx %arg18[%parallel_loop3A_162], %parallel_loop3A_188 {add = true} : memref<10016xf32, #tpu.memory_space<vmem>>[vector<16xi32>], vector<16xf32>,
        tpu.vector_store_idx %arg19[%parallel_loop3A_162], %parallel_loop3A_180 masked %eq3A_68 {add = true} : memref<10016xf32, #tpu.memory_space<vmem>>[vector<16xi32>], vector<16xf32>, vector<16xi1>
      } {sc.loop_unroll_factor = 16 : i64, sc.parallel_access}
      %add3A_148 = arith.constant 1 : i32
      %add3A_149 = arith.addi %mul3A_123, %add3A_148 : i32
      %add3A_150 = arith.constant 2 : i32
      %add3A_151 = arith.addi %add3A_149, %add3A_150 : i32
      %mul3A_152 = arith.constant 2 : i32
      %mul3A_153 = arith.muli %add3A_151, %mul3A_152 : i32
      %mul3A_154 = arith.constant 4096 : i32
      %mul3A_155 = arith.muli %mul3A_153, %mul3A_154 : i32
      %dma_start3A_156 = tpu.memref_slice %arg2[%mul3A_155] : memref<688128xi32, #tpu.memory_space<hbm>> -> memref<8192xi32, #tpu.memory_space<hbm>>
      %dma_start3A_157 = tpu.memref_slice %arg2[%mul3A_155] : memref<688128xi32, #tpu.memory_space<hbm>> -> memref<8192xi32, #tpu.memory_space<hbm>>
      tpu.enqueue_dma source(%dma_start3A_157 : memref<8192xi32, #tpu.memory_space<hbm>>) target(%arg21 : memref<8192xi32, #tpu.memory_space<vmem>>) target_semaphore(%arg23 : memref<!tpu.dma_semaphore, #tpu.memory_space<semaphore_mem>>)
    }
    %scan3A_96 = arith.constant 41 : i32
    %dma_wait3A = arith.constant 0 : i32
    %dma_wait3A_97 = tpu.memref_slice %arg2[%dma_wait3A] : memref<688128xi32, #tpu.memory_space<hbm>> -> memref<8192xi32, #tpu.memory_space<hbm>>
    %dma_wait3A_98 = arith.constant 0 : i32
    %dma_wait3A_99 = tpu.memref_slice %arg2[%dma_wait3A_98] : memref<688128xi32, #tpu.memory_space<hbm>> -> memref<8192xi32, #tpu.memory_space<hbm>>
    tpu.wait_dma2 semaphore(%arg22 : memref<!tpu.dma_semaphore, #tpu.memory_space<semaphore_mem>>) src(%dma_wait3A_99 : memref<8192xi32, #tpu.memory_space<hbm>>) dst(%arg20 : memref<8192xi32, #tpu.memory_space<vmem>>)
    %dma_wait3A_100 = arith.constant 0 : i32
    %dma_wait3A_101 = tpu.memref_slice %arg2[%dma_wait3A_100] : memref<688128xi32, #tpu.memory_space<hbm>> -> memref<8192xi32, #tpu.memory_space<hbm>>
    %dma_wait3A_102 = arith.constant 0 : i32
    %dma_wait3A_103 = tpu.memref_slice %arg2[%dma_wait3A_102] : memref<688128xi32, #tpu.memory_space<hbm>> -> memref<8192xi32, #tpu.memory_space<hbm>>
    tpu.wait_dma2 semaphore(%arg23 : memref<!tpu.dma_semaphore, #tpu.memory_space<semaphore_mem>>) src(%dma_wait3A_103 : memref<8192xi32, #tpu.memory_space<hbm>>) dst(%arg21 : memref<8192xi32, #tpu.memory_space<vmem>>)
    %mul3A_104 = arith.constant 4 : i32
    %mul3A_105 = arith.muli %add3A, %mul3A_104 : i32
    %add3A_106 = arith.constant 0 : i32
    %add3A_107 = arith.addi %mul3A_105, %add3A_106 : i32
    "tpu.region"() ({
      %run_scoped3A = tpu.sem_alloc : memref<!tpu.dma_semaphore, #tpu.memory_space<semaphore_mem>>
      %dma_start3A_121 = arith.constant 0 : i32
      %dma_start3A_122 = tpu.memref_slice %arg7[%add3A_107, %dma_start3A_121] : memref<128x10016xf32, #tpu.memory_space<hbm>> -> memref<1x10016xf32, #tpu.memory_space<hbm>>
      %dma_start3A_123 = tpu.memref_squeeze %dma_start3A_122 : memref<1x10016xf32, #tpu.memory_space<hbm>> -> memref<10016xf32, #tpu.memory_space<hbm>>
      %dma_start3A_124 = arith.constant 0 : i32
      %dma_start3A_125 = tpu.memref_slice %arg7[%add3A_107, %dma_start3A_124] : memref<128x10016xf32, #tpu.memory_space<hbm>> -> memref<1x10016xf32, #tpu.memory_space<hbm>>
      %dma_start3A_126 = tpu.memref_squeeze %dma_start3A_125 : memref<1x10016xf32, #tpu.memory_space<hbm>> -> memref<10016xf32, #tpu.memory_space<hbm>>
      tpu.enqueue_dma source(%arg15 : memref<10016xf32, #tpu.memory_space<vmem>>) target(%dma_start3A_126 : memref<10016xf32, #tpu.memory_space<hbm>>) target_semaphore(%run_scoped3A : memref<!tpu.dma_semaphore, #tpu.memory_space<semaphore_mem>>)
      %dma_wait3A_127 = arith.constant 0 : i32
      %dma_wait3A_128 = tpu.memref_slice %arg7[%add3A_107, %dma_wait3A_127] : memref<128x10016xf32, #tpu.memory_space<hbm>> -> memref<1x10016xf32, #tpu.memory_space<hbm>>
      %dma_wait3A_129 = tpu.memref_squeeze %dma_wait3A_128 : memref<1x10016xf32, #tpu.memory_space<hbm>> -> memref<10016xf32, #tpu.memory_space<hbm>>
      %dma_wait3A_130 = arith.constant 0 : i32
      %dma_wait3A_131 = tpu.memref_slice %arg7[%add3A_107, %dma_wait3A_130] : memref<128x10016xf32, #tpu.memory_space<hbm>> -> memref<1x10016xf32, #tpu.memory_space<hbm>>
      %dma_wait3A_132 = tpu.memref_squeeze %dma_wait3A_131 : memref<1x10016xf32, #tpu.memory_space<hbm>> -> memref<10016xf32, #tpu.memory_space<hbm>>
      tpu.wait_dma2 semaphore(%run_scoped3A : memref<!tpu.dma_semaphore, #tpu.memory_space<semaphore_mem>>) src(%arg15 : memref<10016xf32, #tpu.memory_space<vmem>>) dst(%dma_wait3A_132 : memref<10016xf32, #tpu.memory_space<hbm>>)
      tpu.yield
    }) : () -> ()
    %mul3A_108 = arith.constant 4 : i32
    %mul3A_109 = arith.muli %add3A, %mul3A_108 : i32
    %add3A_110 = arith.constant 1 : i32
    %add3A_111 = arith.addi %mul3A_109, %add3A_110 : i32
    "tpu.region"() ({
      %run_scoped3A = tpu.sem_alloc : memref<!tpu.dma_semaphore, #tpu.memory_space<semaphore_mem>>
      %dma_start3A_121 = arith.constant 0 : i32
      %dma_start3A_122 = tpu.memref_slice %arg7[%add3A_111, %dma_start3A_121] : memref<128x10016xf32, #tpu.memory_space<hbm>> -> memref<1x10016xf32, #tpu.memory_space<hbm>>
      %dma_start3A_123 = tpu.memref_squeeze %dma_start3A_122 : memref<1x10016xf32, #tpu.memory_space<hbm>> -> memref<10016xf32, #tpu.memory_space<hbm>>
      %dma_start3A_124 = arith.constant 0 : i32
      %dma_start3A_125 = tpu.memref_slice %arg7[%add3A_111, %dma_start3A_124] : memref<128x10016xf32, #tpu.memory_space<hbm>> -> memref<1x10016xf32, #tpu.memory_space<hbm>>
      %dma_start3A_126 = tpu.memref_squeeze %dma_start3A_125 : memref<1x10016xf32, #tpu.memory_space<hbm>> -> memref<10016xf32, #tpu.memory_space<hbm>>
      tpu.enqueue_dma source(%arg16 : memref<10016xf32, #tpu.memory_space<vmem>>) target(%dma_start3A_126 : memref<10016xf32, #tpu.memory_space<hbm>>) target_semaphore(%run_scoped3A : memref<!tpu.dma_semaphore, #tpu.memory_space<semaphore_mem>>)
      %dma_wait3A_127 = arith.constant 0 : i32
      %dma_wait3A_128 = tpu.memref_slice %arg7[%add3A_111, %dma_wait3A_127] : memref<128x10016xf32, #tpu.memory_space<hbm>> -> memref<1x10016xf32, #tpu.memory_space<hbm>>
      %dma_wait3A_129 = tpu.memref_squeeze %dma_wait3A_128 : memref<1x10016xf32, #tpu.memory_space<hbm>> -> memref<10016xf32, #tpu.memory_space<hbm>>
      %dma_wait3A_130 = arith.constant 0 : i32
      %dma_wait3A_131 = tpu.memref_slice %arg7[%add3A_111, %dma_wait3A_130] : memref<128x10016xf32, #tpu.memory_space<hbm>> -> memref<1x10016xf32, #tpu.memory_space<hbm>>
      %dma_wait3A_132 = tpu.memref_squeeze %dma_wait3A_131 : memref<1x10016xf32, #tpu.memory_space<hbm>> -> memref<10016xf32, #tpu.memory_space<hbm>>
      tpu.wait_dma2 semaphore(%run_scoped3A : memref<!tpu.dma_semaphore, #tpu.memory_space<semaphore_mem>>) src(%arg16 : memref<10016xf32, #tpu.memory_space<vmem>>) dst(%dma_wait3A_132 : memref<10016xf32, #tpu.memory_space<hbm>>)
      tpu.yield
    }) : () -> ()
    %mul3A_112 = arith.constant 4 : i32
    %mul3A_113 = arith.muli %add3A, %mul3A_112 : i32
    %add3A_114 = arith.constant 2 : i32
    %add3A_115 = arith.addi %mul3A_113, %add3A_114 : i32
    "tpu.region"() ({
      %run_scoped3A = tpu.sem_alloc : memref<!tpu.dma_semaphore, #tpu.memory_space<semaphore_mem>>
      %dma_start3A_121 = arith.constant 0 : i32
      %dma_start3A_122 = tpu.memref_slice %arg7[%add3A_115, %dma_start3A_121] : memref<128x10016xf32, #tpu.memory_space<hbm>> -> memref<1x10016xf32, #tpu.memory_space<hbm>>
      %dma_start3A_123 = tpu.memref_squeeze %dma_start3A_122 : memref<1x10016xf32, #tpu.memory_space<hbm>> -> memref<10016xf32, #tpu.memory_space<hbm>>
      %dma_start3A_124 = arith.constant 0 : i32
      %dma_start3A_125 = tpu.memref_slice %arg7[%add3A_115, %dma_start3A_124] : memref<128x10016xf32, #tpu.memory_space<hbm>> -> memref<1x10016xf32, #tpu.memory_space<hbm>>
      %dma_start3A_126 = tpu.memref_squeeze %dma_start3A_125 : memref<1x10016xf32, #tpu.memory_space<hbm>> -> memref<10016xf32, #tpu.memory_space<hbm>>
      tpu.enqueue_dma source(%arg17 : memref<10016xf32, #tpu.memory_space<vmem>>) target(%dma_start3A_126 : memref<10016xf32, #tpu.memory_space<hbm>>) target_semaphore(%run_scoped3A : memref<!tpu.dma_semaphore, #tpu.memory_space<semaphore_mem>>)
      %dma_wait3A_127 = arith.constant 0 : i32
      %dma_wait3A_128 = tpu.memref_slice %arg7[%add3A_115, %dma_wait3A_127] : memref<128x10016xf32, #tpu.memory_space<hbm>> -> memref<1x10016xf32, #tpu.memory_space<hbm>>
      %dma_wait3A_129 = tpu.memref_squeeze %dma_wait3A_128 : memref<1x10016xf32, #tpu.memory_space<hbm>> -> memref<10016xf32, #tpu.memory_space<hbm>>
      %dma_wait3A_130 = arith.constant 0 : i32
      %dma_wait3A_131 = tpu.memref_slice %arg7[%add3A_115, %dma_wait3A_130] : memref<128x10016xf32, #tpu.memory_space<hbm>> -> memref<1x10016xf32, #tpu.memory_space<hbm>>
      %dma_wait3A_132 = tpu.memref_squeeze %dma_wait3A_131 : memref<1x10016xf32, #tpu.memory_space<hbm>> -> memref<10016xf32, #tpu.memory_space<hbm>>
      tpu.wait_dma2 semaphore(%run_scoped3A : memref<!tpu.dma_semaphore, #tpu.memory_space<semaphore_mem>>) src(%arg17 : memref<10016xf32, #tpu.memory_space<vmem>>) dst(%dma_wait3A_132 : memref<10016xf32, #tpu.memory_space<hbm>>)
      tpu.yield
    }) : () -> ()
    %mul3A_116 = arith.constant 4 : i32
    %mul3A_117 = arith.muli %add3A, %mul3A_116 : i32
    %add3A_118 = arith.constant 3 : i32
    %add3A_119 = arith.addi %mul3A_117, %add3A_118 : i32
    "tpu.region"() ({
      %run_scoped3A = tpu.sem_alloc : memref<!tpu.dma_semaphore, #tpu.memory_space<semaphore_mem>>
      %dma_start3A_121 = arith.constant 0 : i32
      %dma_start3A_122 = tpu.memref_slice %arg7[%add3A_119, %dma_start3A_121] : memref<128x10016xf32, #tpu.memory_space<hbm>> -> memref<1x10016xf32, #tpu.memory_space<hbm>>
      %dma_start3A_123 = tpu.memref_squeeze %dma_start3A_122 : memref<1x10016xf32, #tpu.memory_space<hbm>> -> memref<10016xf32, #tpu.memory_space<hbm>>
      %dma_start3A_124 = arith.constant 0 : i32
      %dma_start3A_125 = tpu.memref_slice %arg7[%add3A_119, %dma_start3A_124] : memref<128x10016xf32, #tpu.memory_space<hbm>> -> memref<1x10016xf32, #tpu.memory_space<hbm>>
      %dma_start3A_126 = tpu.memref_squeeze %dma_start3A_125 : memref<1x10016xf32, #tpu.memory_space<hbm>> -> memref<10016xf32, #tpu.memory_space<hbm>>
      tpu.enqueue_dma source(%arg18 : memref<10016xf32, #tpu.memory_space<vmem>>) target(%dma_start3A_126 : memref<10016xf32, #tpu.memory_space<hbm>>) target_semaphore(%run_scoped3A : memref<!tpu.dma_semaphore, #tpu.memory_space<semaphore_mem>>)
      %dma_wait3A_127 = arith.constant 0 : i32
      %dma_wait3A_128 = tpu.memref_slice %arg7[%add3A_119, %dma_wait3A_127] : memref<128x10016xf32, #tpu.memory_space<hbm>> -> memref<1x10016xf32, #tpu.memory_space<hbm>>
      %dma_wait3A_129 = tpu.memref_squeeze %dma_wait3A_128 : memref<1x10016xf32, #tpu.memory_space<hbm>> -> memref<10016xf32, #tpu.memory_space<hbm>>
      %dma_wait3A_130 = arith.constant 0 : i32
      %dma_wait3A_131 = tpu.memref_slice %arg7[%add3A_119, %dma_wait3A_130] : memref<128x10016xf32, #tpu.memory_space<hbm>> -> memref<1x10016xf32, #tpu.memory_space<hbm>>
      %dma_wait3A_132 = tpu.memref_squeeze %dma_wait3A_131 : memref<1x10016xf32, #tpu.memory_space<hbm>> -> memref<10016xf32, #tpu.memory_space<hbm>>
      tpu.wait_dma2 semaphore(%run_scoped3A : memref<!tpu.dma_semaphore, #tpu.memory_space<semaphore_mem>>) src(%arg18 : memref<10016xf32, #tpu.memory_space<vmem>>) dst(%dma_wait3A_132 : memref<10016xf32, #tpu.memory_space<hbm>>)
      tpu.yield
    }) : () -> ()
    %convert_element_type3A = arith.extui %eq3A_32 : i1 to i32
    %cond3A = arith.constant 0 : i32
    %cond3A_120 = arith.cmpi ne, %convert_element_type3A, %cond3A : i32
    scf.if %cond3A_120 {
      "tpu.region"() ({
        %run_scoped3A = tpu.sem_alloc : memref<!tpu.dma_semaphore, #tpu.memory_space<semaphore_mem>>
        %dma_start3A_121 = arith.constant 0 : i32
        %dma_start3A_122 = tpu.memref_slice %arg8[%select_n3A, %dma_start3A_121] : memref<1x10016xf32, #tpu.memory_space<hbm>> -> memref<1x10016xf32, #tpu.memory_space<hbm>>
        %dma_start3A_123 = tpu.memref_squeeze %dma_start3A_122 : memref<1x10016xf32, #tpu.memory_space<hbm>> -> memref<10016xf32, #tpu.memory_space<hbm>>
        %dma_start3A_124 = arith.constant 0 : i32
        %dma_start3A_125 = tpu.memref_slice %arg8[%select_n3A, %dma_start3A_124] : memref<1x10016xf32, #tpu.memory_space<hbm>> -> memref<1x10016xf32, #tpu.memory_space<hbm>>
        %dma_start3A_126 = tpu.memref_squeeze %dma_start3A_125 : memref<1x10016xf32, #tpu.memory_space<hbm>> -> memref<10016xf32, #tpu.memory_space<hbm>>
        tpu.enqueue_dma source(%arg19 : memref<10016xf32, #tpu.memory_space<vmem>>) target(%dma_start3A_126 : memref<10016xf32, #tpu.memory_space<hbm>>) target_semaphore(%run_scoped3A : memref<!tpu.dma_semaphore, #tpu.memory_space<semaphore_mem>>)
        %dma_wait3A_127 = arith.constant 0 : i32
        %dma_wait3A_128 = tpu.memref_slice %arg8[%select_n3A, %dma_wait3A_127] : memref<1x10016xf32, #tpu.memory_space<hbm>> -> memref<1x10016xf32, #tpu.memory_space<hbm>>
        %dma_wait3A_129 = tpu.memref_squeeze %dma_wait3A_128 : memref<1x10016xf32, #tpu.memory_space<hbm>> -> memref<10016xf32, #tpu.memory_space<hbm>>
        %dma_wait3A_130 = arith.constant 0 : i32
        %dma_wait3A_131 = tpu.memref_slice %arg8[%select_n3A, %dma_wait3A_130] : memref<1x10016xf32, #tpu.memory_space<hbm>> -> memref<1x10016xf32, #tpu.memory_space<hbm>>
        %dma_wait3A_132 = tpu.memref_squeeze %dma_wait3A_131 : memref<1x10016xf32, #tpu.memory_space<hbm>> -> memref<10016xf32, #tpu.memory_space<hbm>>
        tpu.wait_dma2 semaphore(%run_scoped3A : memref<!tpu.dma_semaphore, #tpu.memory_space<semaphore_mem>>) src(%arg19 : memref<10016xf32, #tpu.memory_space<vmem>>) dst(%dma_wait3A_132 : memref<10016xf32, #tpu.memory_space<hbm>>)
        tpu.yield
      }) : () -> ()
    } else {
    }
    return
  }
}

module attributes {stable_mosaic.version = 14 : i64} {
  func.func @_tc_in_body(%arg0: memref<10000x128xf32, #tpu.memory_space<vmem>>, %arg1: memref<128x128xf32, #tpu.memory_space<vmem>>, %arg2: memref<128x8xf32, #tpu.memory_space<vmem>>, %arg3: memref<1x8xf32, #tpu.memory_space<vmem>>, %arg4: memref<10000x128xf32, #tpu.memory_space<vmem>>, %arg5: memref<10000x8xf32, #tpu.memory_space<vmem>>, %arg6: memref<1x8xf32, #tpu.memory_space<vmem>>) attributes {dimension_semantics = [], scalar_prefetch = 0 : i64, scratch_operands = 0 : i64, tpu.core_type = #tpu.core_type<tc>} {
    %get3A = arith.constant 0 : index
    %get3A_0 = arith.constant 0 : index
    %get3A_1 = vector.load %arg0[%get3A, %get3A_0] : memref<10000x128xf32, #tpu.memory_space<vmem>>, vector<10000x128xf32>
    %get3A_2 = arith.constant 0 : index
    %get3A_3 = arith.constant 0 : index
    %get3A_4 = vector.load %arg1[%get3A_2, %get3A_3] : memref<128x128xf32, #tpu.memory_space<vmem>>, vector<128x128xf32>
    %dot_general3A = arith.constant dense<0.000000e+00> : vector<10000x128xf32>
    %dot_general3A_5 = tpu.matmul %get3A_1, %get3A_4, %dot_general3A {dimension_numbers = #tpu.dot_dimension_numbers<[1], [1], [0], [0], [0, 0, 1, 0], [], []>, transpose_lhs_hint = false} : vector<10000x128xf32>, vector<128x128xf32>, vector<10000x128xf32> -> vector<10000x128xf32>
    %swap3A = arith.constant 0 : index
    %swap3A_6 = arith.constant 0 : index
    %swap3A_7 = vector.load %arg4[%swap3A, %swap3A_6] : memref<10000x128xf32, #tpu.memory_space<vmem>>, vector<10000x128xf32>
    tpu.vector_store %arg4[%swap3A, %swap3A_6], %dot_general3A_5 {strides = array<i32>} : memref<10000x128xf32, #tpu.memory_space<vmem>>, vector<10000x128xf32>,
    %get3A_8 = arith.constant 0 : index
    %get3A_9 = arith.constant 0 : index
    %get3A_10 = vector.load %arg2[%get3A_8, %get3A_9] : memref<128x8xf32, #tpu.memory_space<vmem>>, vector<128x8xf32>
    %dot_general3A_11 = arith.constant dense<0.000000e+00> : vector<10000x8xf32>
    %dot_general3A_12 = tpu.matmul %dot_general3A_5, %get3A_10, %dot_general3A_11 {dimension_numbers = #tpu.dot_dimension_numbers<[1], [0], [0], [1], [0, 0, 1, 1], [], []>, transpose_lhs_hint = false} : vector<10000x128xf32>, vector<128x8xf32>, vector<10000x8xf32> -> vector<10000x8xf32>
    %get3A_13 = arith.constant 0 : index
    %get3A_14 = arith.constant 0 : index
    %get3A_15 = vector.load %arg3[%get3A_13, %get3A_14] : memref<1x8xf32, #tpu.memory_space<vmem>>, vector<1x8xf32>
    %add3A = vector.broadcast %get3A_15 : vector<1x8xf32> to vector<10000x8xf32>
    %add3A_16 = arith.addf %dot_general3A_12, %add3A : vector<10000x8xf32>
    %swap3A_17 = arith.constant 0 : index
    %swap3A_18 = arith.constant 0 : index
    %swap3A_19 = vector.load %arg5[%swap3A_17, %swap3A_18] : memref<10000x8xf32, #tpu.memory_space<vmem>>, vector<10000x8xf32>
    tpu.vector_store %arg5[%swap3A_17, %swap3A_18], %add3A_16 {strides = array<i32>} : memref<10000x8xf32, #tpu.memory_space<vmem>>, vector<10000x8xf32>,
    %reduce_max3A = arith.constant dense<0xFF800000> : vector<8xf32>
    %reduce_max3A_20 = vector.multi_reduction <maximumf>, %add3A_16, %reduce_max3A [0] : vector<10000x8xf32> to vector<8xf32>
    %broadcast_in_dim3A = vector.shape_cast %reduce_max3A_20 : vector<8xf32> to vector<1x8xf32>
    %swap3A_21 = arith.constant 0 : index
    %swap3A_22 = arith.constant 0 : index
    %swap3A_23 = vector.load %arg6[%swap3A_21, %swap3A_22] : memref<1x8xf32, #tpu.memory_space<vmem>>, vector<1x8xf32>
    tpu.vector_store %arg6[%swap3A_21, %swap3A_22], %broadcast_in_dim3A {strides = array<i32>} : memref<1x8xf32, #tpu.memory_space<vmem>>, vector<1x8xf32>,
    return
  }
}

module attributes {stable_mosaic.version = 14 : i64} {
  func.func @_tc_mid_body(%arg0: memref<10000x128xf32, #tpu.memory_space<vmem>>, %arg1: memref<10000x128xf32, #tpu.memory_space<vmem>>, %arg2: memref<128x128xf32, #tpu.memory_space<vmem>>, %arg3: memref<128x2xf32, #tpu.memory_space<vmem>>, %arg4: memref<1x2xf32, #tpu.memory_space<vmem>>, %arg5: memref<10000x128xf32, #tpu.memory_space<vmem>>, %arg6: memref<10000x2xf32, #tpu.memory_space<vmem>>, %arg7: memref<1x2xf32, #tpu.memory_space<vmem>>) attributes {dimension_semantics = [], scalar_prefetch = 0 : i64, scratch_operands = 0 : i64, tpu.core_type = #tpu.core_type<tc>} {
    %get3A = arith.constant 0 : index
    %get3A_0 = arith.constant 0 : index
    %get3A_1 = vector.load %arg0[%get3A, %get3A_0] : memref<10000x128xf32, #tpu.memory_space<vmem>>, vector<10000x128xf32>
    %get3A_2 = arith.constant 0 : index
    %get3A_3 = arith.constant 0 : index
    %get3A_4 = vector.load %arg1[%get3A_2, %get3A_3] : memref<10000x128xf32, #tpu.memory_space<vmem>>, vector<10000x128xf32>
    %add3A = arith.constant 1.000000e-16 : f32
    %add3A_5 = vector.broadcast %add3A : f32 to vector<10000x128xf32>
    %add3A_6 = arith.addf %get3A_4, %add3A_5 : vector<10000x128xf32>
    %div3A = arith.divf %get3A_1, %add3A_6 : vector<10000x128xf32>
    %gt3A = arith.constant 0.000000e+00 : f32
    %gt3A_7 = vector.broadcast %gt3A : f32 to vector<10000x128xf32>
    %gt3A_8 = arith.cmpf ogt, %div3A, %gt3A_7 : vector<10000x128xf32>
    %exp3A = math.exp %div3A : vector<10000x128xf32>
    %sub3A = arith.constant 1.000000e+00 : f32
    %sub3A_9 = vector.broadcast %sub3A : f32 to vector<10000x128xf32>
    %sub3A_10 = arith.subf %exp3A, %sub3A_9 : vector<10000x128xf32>
    %select_n3A = arith.select %gt3A_8, %div3A, %sub3A_10 : vector<10000x128xi1>, vector<10000x128xf32>
    %get3A_11 = arith.constant 0 : index
    %get3A_12 = arith.constant 0 : index
    %get3A_13 = vector.load %arg2[%get3A_11, %get3A_12] : memref<128x128xf32, #tpu.memory_space<vmem>>, vector<128x128xf32>
    %dot_general3A = arith.constant dense<0.000000e+00> : vector<10000x128xf32>
    %dot_general3A_14 = tpu.matmul %select_n3A, %get3A_13, %dot_general3A {dimension_numbers = #tpu.dot_dimension_numbers<[1], [1], [0], [0], [0, 0, 1, 0], [], []>, transpose_lhs_hint = false} : vector<10000x128xf32>, vector<128x128xf32>, vector<10000x128xf32> -> vector<10000x128xf32>
    %swap3A = arith.constant 0 : index
    %swap3A_15 = arith.constant 0 : index
    %swap3A_16 = vector.load %arg5[%swap3A, %swap3A_15] : memref<10000x128xf32, #tpu.memory_space<vmem>>, vector<10000x128xf32>
    tpu.vector_store %arg5[%swap3A, %swap3A_15], %dot_general3A_14 {strides = array<i32>} : memref<10000x128xf32, #tpu.memory_space<vmem>>, vector<10000x128xf32>,
    %get3A_17 = arith.constant 0 : index
    %get3A_18 = arith.constant 0 : index
    %get3A_19 = vector.load %arg3[%get3A_17, %get3A_18] : memref<128x2xf32, #tpu.memory_space<vmem>>, vector<128x2xf32>
    %dot_general3A_20 = arith.constant dense<0.000000e+00> : vector<10000x2xf32>
    %dot_general3A_21 = tpu.matmul %dot_general3A_14, %get3A_19, %dot_general3A_20 {dimension_numbers = #tpu.dot_dimension_numbers<[1], [0], [0], [1], [0, 0, 1, 1], [], []>, transpose_lhs_hint = false} : vector<10000x128xf32>, vector<128x2xf32>, vector<10000x2xf32> -> vector<10000x2xf32>
    %get3A_22 = arith.constant 0 : index
    %get3A_23 = arith.constant 0 : index
    %get3A_24 = vector.load %arg4[%get3A_22, %get3A_23] : memref<1x2xf32, #tpu.memory_space<vmem>>, vector<1x2xf32>
    %add3A_25 = vector.broadcast %get3A_24 : vector<1x2xf32> to vector<10000x2xf32>
    %add3A_26 = arith.addf %dot_general3A_21, %add3A_25 : vector<10000x2xf32>
    %swap3A_27 = arith.constant 0 : index
    %swap3A_28 = arith.constant 0 : index
    %swap3A_29 = vector.load %arg6[%swap3A_27, %swap3A_28] : memref<10000x2xf32, #tpu.memory_space<vmem>>, vector<10000x2xf32>
    tpu.vector_store %arg6[%swap3A_27, %swap3A_28], %add3A_26 {strides = array<i32>} : memref<10000x2xf32, #tpu.memory_space<vmem>>, vector<10000x2xf32>,
    %reduce_max3A = arith.constant dense<0xFF800000> : vector<2xf32>
    %reduce_max3A_30 = vector.multi_reduction <maximumf>, %add3A_26, %reduce_max3A [0] : vector<10000x2xf32> to vector<2xf32>
    %broadcast_in_dim3A = vector.shape_cast %reduce_max3A_30 : vector<2xf32> to vector<1x2xf32>
    %swap3A_31 = arith.constant 0 : index
    %swap3A_32 = arith.constant 0 : index
    %swap3A_33 = vector.load %arg7[%swap3A_31, %swap3A_32] : memref<1x2xf32, #tpu.memory_space<vmem>>, vector<1x2xf32>
    tpu.vector_store %arg7[%swap3A_31, %swap3A_32], %broadcast_in_dim3A {strides = array<i32>} : memref<1x2xf32, #tpu.memory_space<vmem>>, vector<1x2xf32>,
    return
  }
}

module attributes {stable_mosaic.version = 14 : i64} {
  func.func @_tc_out_body(%arg0: memref<10000x128xf32, #tpu.memory_space<vmem>>, %arg1: memref<10000x128xf32, #tpu.memory_space<vmem>>, %arg2: memref<10000x128xf32, #tpu.memory_space<vmem>>) attributes {dimension_semantics = [], scalar_prefetch = 0 : i64, scratch_operands = 0 : i64, tpu.core_type = #tpu.core_type<tc>} {
    %get3A = arith.constant 0 : index
    %get3A_0 = arith.constant 0 : index
    %get3A_1 = vector.load %arg0[%get3A, %get3A_0] : memref<10000x128xf32, #tpu.memory_space<vmem>>, vector<10000x128xf32>
    %get3A_2 = arith.constant 0 : index
    %get3A_3 = arith.constant 0 : index
    %get3A_4 = vector.load %arg1[%get3A_2, %get3A_3] : memref<10000x128xf32, #tpu.memory_space<vmem>>, vector<10000x128xf32>
    %add3A = arith.constant 1.000000e-16 : f32
    %add3A_5 = vector.broadcast %add3A : f32 to vector<10000x128xf32>
    %add3A_6 = arith.addf %get3A_4, %add3A_5 : vector<10000x128xf32>
    %div3A = arith.divf %get3A_1, %add3A_6 : vector<10000x128xf32>
    %reduce_max3A = arith.constant dense<0xFF800000> : vector<10000xf32>
    %reduce_max3A_7 = vector.multi_reduction <maximumf>, %div3A, %reduce_max3A [1] : vector<10000x128xf32> to vector<10000xf32>
    %broadcast_in_dim3A = vector.shape_cast %reduce_max3A_7 : vector<10000xf32> to vector<10000x1xf32>
    %sub3A = vector.broadcast %broadcast_in_dim3A : vector<10000x1xf32> to vector<10000x128xf32>
    %sub3A_8 = arith.subf %div3A, %sub3A : vector<10000x128xf32>
    %exp3A = math.exp %sub3A_8 : vector<10000x128xf32>
    %reduce_sum3A = arith.constant dense<0.000000e+00> : vector<10000xf32>
    %reduce_sum3A_9 = vector.multi_reduction <add>, %exp3A, %reduce_sum3A [1] : vector<10000x128xf32> to vector<10000xf32>
    %broadcast_in_dim3A_10 = vector.shape_cast %reduce_sum3A_9 : vector<10000xf32> to vector<10000x1xf32>
    %log3A = math.log %broadcast_in_dim3A_10 : vector<10000x1xf32>
    %add3A_11 = arith.addf %log3A, %broadcast_in_dim3A : vector<10000x1xf32>
    %sub3A_12 = vector.broadcast %add3A_11 : vector<10000x1xf32> to vector<10000x128xf32>
    %sub3A_13 = arith.subf %div3A, %sub3A_12 : vector<10000x128xf32>
    %swap3A = arith.constant 0 : index
    %swap3A_14 = arith.constant 0 : index
    %swap3A_15 = vector.load %arg2[%swap3A, %swap3A_14] : memref<10000x128xf32, #tpu.memory_space<vmem>>, vector<10000x128xf32>
    tpu.vector_store %arg2[%swap3A, %swap3A_14], %sub3A_13 {strides = array<i32>} : memref<10000x128xf32, #tpu.memory_space<vmem>>, vector<10000x128xf32>,
    return
  }
}

</mosaic_0001>

<sc_bundles>
// kernel: kernel.10.cloned.1.call-start
scs
__scs_entry_jumppad:
0x0: {  	(pc) =	sbr.rel $0x88, $3  }
0x1: {  	(tag) =	ssettag $0x0;
	lr =	simm.s32 $0x1  }
0x2: {  	[smem:$0x3F99] =	sst lr;
	_ =	strace $0xD0000000  }
0x3: {  	_ = 	snop  }
0x4: {  	_ = 	snop  }
0x5: {  	_ = 	snop  }
0x6: {  	_ = 	snop  }
0x7: {  	_ = 	snop  }
__scs_overlays_trampoline_lowered:
0x8: {  	[smem:$0x3FA8] =	sst s0  }
0x9: {  	[smem:$0x3FA9] =	sst s1  }
0xa: {  	[smem:$0x3FAA] =	sst s2  }
0xb: {  	[smem:$0x3FAB] =	sst s3  }
0xc: {  	[smem:$0x3FAC] =	sst s4  }
0xd: {  	[smem:$0x3FAD] =	sst s5  }
0xe: {  	[smem:$0x3FAE] =	sst s6  }
0xf: {  	[smem:$0x3FAF] =	sst s7  }
0x10: {  	[smem:$0x3FB0] =	sst s8  }
0x11: {  	[smem:$0x3FB1] =	sst s9;
	s0 =	simm.s32 @!p0 $0x0  }
0x12: {  	s1 =	sld [smem:$0x3F97];
	s0 =	simm.s32 @p0 $0x1  }
0x13: {  	[smem:$0x3FB2] =	sst s0;
	s0 =	simm.s32 @!p1 $0x0  }
0x14: {  	s2 =	sld [smem:$0x3F96];
	s0 =	simm.s32 @p1 $0x1  }
0x15: {  	[smem:$0x3FB3] =	sst s0;
	s0 =	simm.s32 @!p2 $0x0  }
0x16: {  	s3 =	sld [smem:$0x3FDB];
	s0 =	simm.s32 @p2 $0x1  }
0x17: {  	s4 =	simm.s32 $0x1BF5;
	[smem:$0x3FB5] =	sst s0  }
0x18: {  	s0 =	sld [smem:$0x3F98];
	_ =	swait.ge [sflag:s4], $0x0  }
0x19: {  	s7 =	sld [smem:$0x3F99]  }
0x1a: {  	s8 =	sadd.s32 $0xFFFFE003, lr  }
0x1b: {  	s9 =	sadd.s32 $0xFFFFFEF7, lr;
	s5 =	simm.s32 $0xFFFFFFFF;
	p2 =	slt.u32 s8, $0xFFFFF086  }
0x1c: {  	p1 =	slt.u32 s9, $0xF7A;
	s5 =	simm.s32 @!p2 $0x0  }
0x1d: {  	s5 =	simm.s32 @p1 $0x1;
	p0 =	seq.s32 s7, s2  }
0x1e: {  	s7 =	smul.u32 @!p0 $0xF7A, s2;
	p2 =	seq.s32 @!p0 s5, $0x0  }
0x1f: {  	s9 =	smul.u32 $0xF7A, s1;
	s8 =	simm.s32 @!p0 $0x1BF5;
	p2 =	por !p2, p0  }
0x20: {  	[sflag:s8] =	ssyncset.s32 @!p0 $0xFFFFF086;
	s6 =	sadd.s32 @!p0 s3, s7;
	s7 =	simm.s32 @!p0 $0x108  }
0x21: {  	s3 =	sadd.s32 s3, s9;
	s6 =	sadd.s32 @!p0 $0x88, s6;
	s7 =	simm.s32 @p2 $0x1082  }
0x22: {  	[simem:s7], [sflag:s8] =	dma.local @!p0 [hbm:s6], $0xF7A  }
0x23: {  	s9 =	sor.u32 $0xD0000000, s2;
	s6 =	simm.s32 $0x108;
	_ =	swait.ge @!p0 [sflag:s8], $0x0  }
0x24: {  	s3 =	sadd.s32 $0x88, s3;
	s6 =	simm.s32 @!p1 $0x1082;
	[sflag:s4] =	ssyncset.s32 $0xFFFFF086  }
0x25: {  	[simem:s6], [sflag:s4] =	dma.local [hbm:s3], $0xF7A  }
0x26: {  	[smem:$0x3F99] =	sst s1;
	(tag) =	ssettag s2;
	_ =	strace s9  }
0x27: {  	s1 =	sld [smem:$0x3FA9]  }
0x28: {  	s2 =	sld [smem:$0x3FAA]  }
0x29: {  	s4 =	sld [smem:$0x3FAC]  }
0x2a: {  	p0 =	seq.s32 s5, $0x0;
	s5 =	sld [smem:$0x3FAD]  }
0x2b: {  	s6 =	sld [smem:$0x3FAE]  }
0x2c: {  	s7 =	sld [smem:$0x3FAF]  }
0x2d: {  	s3 =	simm.s32 $0x108;
	s8 =	sld [smem:$0x3FB0]  }
0x2e: {  	s3 =	simm.s32 @!p0 $0x1082;
	s9 =	sld [smem:$0x3FB1]  }
0x2f: {  	lr =	sadd.s32 s0, s3;
	s0 =	sld [smem:$0x3FA8]  }
0x30: {  	s3 =	sld [smem:$0x3FAB]  }
0x31: {  	[smem:$0x3FB4] =	sst s10  }
0x32: {  	s10 =	sld [smem:$0x3FB2];
	_ =	sdelay $0x3  }
0x33: {  	p0 =	seq.s32 s10, $0x1;
	s10 =	sld [smem:$0x3FB4];
	_ =	sdelay $0x3  }
0x34: {  	[smem:$0x3FB4] =	sst s10  }
0x35: {  	s10 =	sld [smem:$0x3FB3];
	_ =	sdelay $0x3  }
0x36: {  	p1 =	seq.s32 s10, $0x1;
	s10 =	sld [smem:$0x3FB4];
	_ =	sdelay $0x3  }
0x37: {  	[smem:$0x3FB4] =	sst s10  }
0x38: {  	s10 =	sld [smem:$0x3FB5]  }
0x39: {  	_ = 	snop;
	(pc) =	sbr.ind lr, $3  }
0x3a: {  	_ = 	snop  }
0x3b: {  	_ = 	snop  }
0x3c: {  	p2 =	seq.s32 s10, $0x1;
	s10 =	sld [smem:$0x3FB4]  }
0x3d: {  	_ =	shalt  }
0x3e: {  	_ =	shalt  }
0x3f: {  	_ =	shalt  }
0x40: {  	_ =	shalt  }
0x41: {  	_ =	shalt  }
0x42: {  	_ =	shalt  }
0x43: {  	_ =	shalt  }
0x44: {  	_ =	shalt  }
0x45: {  	_ =	shalt  }
0x46: {  	_ =	shalt  }
0x47: {  	_ =	shalt  }
0x48: {  	_ =	shalt  }
0x49: {  	_ =	shalt  }
0x4a: {  	_ =	shalt  }
0x4b: {  	_ =	shalt  }
0x4c: {  	_ =	shalt  }
0x4d: {  	_ =	shalt  }
0x4e: {  	_ =	shalt  }
0x4f: {  	_ =	shalt  }
0x50: {  	_ =	shalt  }
0x51: {  	_ =	shalt  }
0x52: {  	_ =	shalt  }
0x53: {  	_ =	shalt  }
0x54: {  	_ =	shalt  }
0x55: {  	_ =	shalt  }
0x56: {  	_ =	shalt  }
0x57: {  	_ =	shalt  }
0x58: {  	_ =	shalt  }
0x59: {  	_ =	shalt  }
0x5a: {  	_ =	shalt  }
0x5b: {  	_ =	shalt  }
0x5c: {  	_ =	shalt  }
0x5d: {  	_ =	shalt  }
0x5e: {  	_ =	shalt  }
0x5f: {  	_ =	shalt  }
0x60: {  	_ =	shalt  }
0x61: {  	_ =	shalt  }
0x62: {  	_ =	shalt  }
0x63: {  	_ =	shalt  }
0x64: {  	_ =	shalt  }
0x65: {  	_ =	shalt  }
0x66: {  	_ =	shalt  }
0x67: {  	_ =	shalt  }
0x68: {  	_ =	shalt  }
0x69: {  	_ =	shalt  }
0x6a: {  	_ =	shalt  }
0x6b: {  	_ =	shalt  }
0x6c: {  	_ =	shalt  }
0x6d: {  	_ =	shalt  }
0x6e: {  	_ =	shalt  }
0x6f: {  	_ =	shalt  }
0x70: {  	_ =	shalt  }
0x71: {  	_ =	shalt  }
0x72: {  	_ =	shalt  }
0x73: {  	_ =	shalt  }
0x74: {  	_ =	shalt  }
0x75: {  	_ =	shalt  }
0x76: {  	_ =	shalt  }
0x77: {  	_ =	shalt  }
0x78: {  	_ =	shalt  }
0x79: {  	_ =	shalt  }
0x7a: {  	_ =	shalt  }
0x7b: {  	_ =	shalt  }
0x7c: {  	_ =	shalt  }
0x7d: {  	_ =	shalt  }
0x7e: {  	_ =	shalt  }
0x7f: {  	_ =	shalt  }
0x80: {  	_ =	shalt  }
0x81: {  	_ =	shalt  }
0x82: {  	_ =	shalt  }
0x83: {  	_ =	shalt  }
0x84: {  	_ =	shalt  }
0x85: {  	_ =	shalt  }
0x86: {  	_ =	shalt  }
0x87: {  	_ =	shalt  }
.Lfunc_end0:
.L_simem_size_0:
called_computation.1_lowered:
.L_overlay_start_0:
0x88: {  	s2 =	sld [smem:$0x3FD9]  }
0x89: {  	s3 =	sld [smem:$0x3FFE];
	_ =	sdelay $0x1  }
0x8a: {  	s1 =	srdreg.scid  }
0x8b: {  	s0 =	sand.u32 $0x1, s1  }
0x8c: {  	s17 =	sshll.u32 s0, $0xA;
	s2 =	sadd.s32 s3, s2  }
0x8d: {  	s2 =	sadd.s32 s2, s17  }
0x8e: {  	[smem:$0x3FC0] =	sst s2  }
0x8f: {  	_ = 	snop  }
0x90: {  	s2 =	sld [smem:$0x3FD0];
	(tm) =	ssettm $0x1  }
0x91: {  	s18 =	sld [smem:$0x3FFB];
	_ =	sdelay $0x3  }
0x92: {  	_ =	strace s18  }
0x93: {  	s3 =	sld [smem:$0x3FFC];
	_ =	sdelay $0x3  }
0x94: {  	_ =	strace s3  }
0x95: {  	s3 =	sld [smem:$0x3FFD];
	_ =	sdelay $0x3  }
0x96: {  	_ =	strace s3  }
0x97: {  	_ =	strace $0x8FFFFFFF  }
0x98: {  	s19 =	sld [smem:$0x3FDB];
	_ =	sdelay $0x1  }
0x99: {  	s4 =	simm.s32 $_scs_section_size  }
0x9a: {  	s5 =	simm.s32 $_size__tile_overlayer_lowered;
	s6 =	simm.s32 $_tile_overlayer_lowered  }
0x9b: {  	s22 =	simm.s32 $0x1BFF;
	s21 =	sshll.u32 s6, $0x1;
	s3 =	sadd.s32 s4, s19  }
0x9c: {  	s7 =	simm.s32 $0x0;
	s20 =	sshll.u32 s5, $0x1;
	s5 =	sadd.s32 s21, s3  }
0x9d: {  	[timem:s7], [sflag:s22] =	dma.local [hbm:s5], s20  }
0x9e: {  	_ =	swait.ge [sflag:s22], s20  }
0x9f: {  	s4 =	ssub.s32 $0x0, s20;
	[sflag:s22] =	ssyncset.done $0x0  }
0xa0: {  	[sflag:s22] =	ssyncadd.s32 s4;
	_ =	sdelay $0x1  }
0xa1: {  	s23 =	simm.s32 $0x1B8B  }
0xa2: {  	_ =	swait.ge [sflag:s23], $0x1  }
0xa3: {  	[sflag:s23] =	ssyncset.done $0x0  }
0xa4: {  	s25 =	simm.s32 $0x1B8E;
	s24 =	sld [smem:$0x3FFE];
	[sflag:s23] =	ssyncadd.s32 $0xFFFFFFFF  }
0xa5: {  	s26 =	simm.s32 $execute0_lowered;
	[smem:$0x3FD2] =	sst s25  }
0xa6: {  	s5 =	sshll.u32 s26, $0x1;
	_ =	strace $0x80000049;
	[dreg:$0x1] =	wrdreg $0xFFFFFFFF  }
0xa7: {  	s28 =	simm.s32 $_size_execute0_lowered;
	s3 =	sadd.s32 s3, s5;
	[dreg:$0x0] =	wrdreg $0x0  }
0xa8: {  	s5 =	sshll.u32 s28, $0x1;
	[dreg:$0x2] =	wrdreg s3  }
0xa9: {  	[dreg:$0x3] =	wrdreg s5  }
0xaa: {  	[dreg:$0x4] =	wrdreg $0xC0  }
0xab: {  	_ =	task [dreg:s7], $0x5FFFF  }
0xac: {  	[dreg:$0x1] =	wrdreg $0xFFFFFFFF  }
0xad: {  	[dreg:$0x0] =	wrdreg $0x60  }
0xae: {  	[dreg:$0x2] =	wrdreg s2  }
0xaf: {  	[dreg:$0x3] =	wrdreg s24  }
0xb0: {  	[dreg:$0x4] =	wrdreg $0x9  }
0xb1: {  	_ =	task.clear_ibuf [dreg:s7], $0x5FFFF;
	_ =	strace $0x90000049  }
0xb2: {  	s29 =	simm.s32 $0x9;
	_ =	strace $0x8000004B  }
0xb3: {  	_ =	swait.ge [sflag:s29], $0x1  }
0xb4: {  	[sflag:s29] =	ssyncadd.s32 $0xFFFFFFFF  }
0xb5: {  	_ =	strace $0x9000004B  }
0xb6: {  	_ =	sfence  }
0xb7: {  	s30 =	sld [smem:$0x0];
	_ =	sdelay $0x2  }
0xb8: {  	s31 =	sshll.u32 s1, $0xD;
	s1 =	sshrl.u32 s1, $0x2  }
0xb9: {  	s3 =	sand.u32 $0x4000, s31;
	s1 =	sadd.s32 s1, s30  }
0xba: {  	s0 =	sor.u32 s3, s0;
	s1 =	sshll.u32 s1, $0x11  }
0xbb: {  	s0 =	sor.u32 s1, s0  }
0xbc: {  	s0 =	sadd.s32 $0x8F2B, s0  }
0xbd: {  	[sflag:s0] =	ssyncadd.remote.s32 $0x1  }
0xbe: {  	_ =	sfence.sel $0xFFFF  }
0xbf: {  	[dreg:$0x0] =	wrdreg $0xFFFFFFFF;
	(pc) =	sbr.abs _section_cstart, $3  }
0xc0: {  	[dreg:$0x1] =	wrdreg $0xFFFFFFFF  }
0xc1: {  	_ =	task.clear_ibuf [dreg:s7], $0x2FFFF;
	_ =	strace $0x9FFFFFFF  }
0xc2: {  	(tm) =	ssettm $0x7FFFFFFF  }
0xc3: {  	_ =	shalt  }
tec
execute0_lowered:
.L_overlay_start_1:
0x0: {  	(tag) =	ssettag $0x1  }
0x1: {  	s9 =	rddreg [dreg:$0x0]  }
0x2: {  	s0 =	rddreg [dreg:$0x1];
	s2 =	simm.s32 $0x0  }
0x3: {  	s19 =	srdreg.scid;
	s8 =	stileid.u32;
	s28 =	simm.s32 $0xC580  }
0x4: {  	s30 =	simm.s32 $0x1B280;
	s31 =	simm.s32 $0x1D280;
	s29 =	simm.s32 $0x11480  }
0x5: {  	[smem:$0x7FF] =	sst s2;
	s1 =	sadd.s32 $0x2400, s0;
	s17 =	sadd.s32 $0x1800, s0  }
0x6: {  	s18 =	sadd.s32 $0x2A00, s0;
	s3 =	sadd.s32 $0x2000, s0;
	s4 =	sadd.s32 $0x2A200, s0  }
0x7: {  	s5 =	smul.u32 $0x13C00, s8;
	_ =	strace $0x8000004A;
	[dreg:$0x3] =	wrdreg s1  }
0x8: {  	s0 =	sadd.s32 $0x51A00, s0;
	s8 =	sshll.u32 s8, $0x1;
	[dreg:$0x4] =	wrdreg s17  }
0x9: {  	s12 =	sadd.s32 $0x400, s9;
	s13 =	sadd.s32 $0x800, s9;
	[dreg:$0x5] =	wrdreg s3  }
0xa: {  	s14 =	sadd.s32 $0xC00, s9;
	s3 =	sand.u32 $0x1, s19;
	[dreg:$0x6] =	wrdreg s0  }
0xb: {  	s20 =	ssub.s32 $0x2, s3;
	s6 =	sshll.u32 s3, $0x9;
	s3 =	sor.u32 s3, s8  }
0xc: {  	s7 =	sshrl.u32 s20, $0x1;
	s5 =	sor.u32 s6, s5;
	p1 =	seq.s32 s3, $0x0  }
0xd: {  	p0 =	sne.s32 s3, $0x0;
	s3 =	simm.s32 $0x16380;
	s6 =	simm.s32 $0x2  }
0xe: {  	s0 =	ssub.s32 s20, s7;
	s5 =	sshrl.u32 s5, $0x3;
	s20 =	simm.s32 $0x3  }
0xf: {  	s7 =	simm.s32 $0x0;
	s21 =	sadd.s32 s18, s5;
	s22 =	sor.u32 $0x10, s5  }
0x10: {  	s23 =	sor.u32 $0x20, s5;
	s26 =	sor.u32 $0x30, s5;
	s15 =	sadd.s32 s4, s5  }
0x11: {  	s19 =	smax.u32 s0, $0x1;
	s0 =	simm.s32 $0x1;
	s5 =	simm.s32 $0x18B00  }
0x12: {  	[dreg:$0x7] =	wrdreg s21;
	s24 =	sadd.s32 s18, s22;
	s25 =	sadd.s32 s18, s23  }
0x13: {  	s1 =	sadd.s32 s18, s26;
	s16 =	sadd.s32 s4, s22;
	s17 =	sadd.s32 s4, s23  }
0x14: {  	s18 =	sadd.s32 s4, s26;
	s21 =	simm.s32 $0x2780;
	[dreg:$0x8] =	wrdreg s24  }
0x15: {  	s22 =	simm.s32 $0x80;
	s23 =	simm.s32 $0x400;
	[dreg:$0x9] =	wrdreg s25  }
0x16: {  	vm0 =	vmxor vm0, vm0;
	s26 =	simm.s32 $0x9E00;
	s4 =	simm.s32 $0xED00;
	[dreg:$0xa] =	wrdreg s1  }
0x17: {  	v0 =	vimm.f32 $0.0e+00;
	vm0 =	vmneg @p1 vm0;
	s24 =	simm.s32 $0x4F00;
	s25 =	simm.s32 $0x7680;
	s1 =	simm.s32 $0x13C00  }
.LBB2_1:
0x18: {  	s8 =	rddreg [dreg:$0x3]  }
0x19: {  	[tilespmem:s2], [sflag:$0x3] =	stream.linear.gather [hbm4b:s8+s2], $0x2780, $0x38;
	[tilespmem:$0x1F300] =	vst v63  }
0x1a: {  	_ =	swait.ge [sflag:s20], $0x2780  }
0x1b: {  	[sflag:s20] =	ssyncset.done $0x0  }
0x1c: {  	s9 =	rddreg [dreg:$0x4];
	[sflag:s20] =	ssyncadd.s32 $0xFFFFD880  }
0x1d: {  	[tilespmem:s21], [sflag:$0x3] =	stream.linear.gather [hbm4b:s9+s2], $0x2780, $0x38;
	[tilespmem:$0x1F300] =	vst v63  }
0x1e: {  	_ =	swait.ge [sflag:s20], $0x2780  }
0x1f: {  	[sflag:s20] =	ssyncset.done $0x0  }
0x20: {  	s10 =	rddreg [dreg:$0x7];
	[sflag:s20] =	ssyncadd.s32 $0xFFFFD880  }
0x21: {  	[tilespmem:s24], [sflag:$0x3] =	stream.strided.gather [hbm4b:s10+s22], $0x2780, s23, s22, $0x38;
	[tilespmem:$0x1F300] =	vst v63  }
0x22: {  	_ =	swait.ge [sflag:s20], $0x2780  }
0x23: {  	[sflag:s20] =	ssyncset.done $0x0  }
0x24: {  	s11 =	rddreg [dreg:$0x8];
	[sflag:s20] =	ssyncadd.s32 $0xFFFFD880  }
0x25: {  	[tilespmem:s25], [sflag:$0x3] =	stream.strided.gather [hbm4b:s11+s22], $0x2780, s23, s22, $0x38;
	[tilespmem:$0x1F300] =	vst v63  }
0x26: {  	_ =	swait.ge [sflag:s20], $0x2780  }
0x27: {  	[sflag:s20] =	ssyncset.done $0x0  }
0x28: {  	s9 =	rddreg [dreg:$0x9];
	[sflag:s20] =	ssyncadd.s32 $0xFFFFD880  }
0x29: {  	[tilespmem:s26], [sflag:$0x3] =	stream.strided.gather [hbm4b:s9+s22], $0x2780, s23, s22, $0x38;
	[tilespmem:$0x1F300] =	vst v63  }
0x2a: {  	_ =	swait.ge [sflag:s20], $0x2780  }
0x2b: {  	[sflag:s20] =	ssyncset.done $0x0  }
0x2c: {  	s10 =	rddreg [dreg:$0xa];
	[sflag:s20] =	ssyncadd.s32 $0xFFFFD880  }
0x2d: {  	[tilespmem:s28], [sflag:$0x3] =	stream.strided.gather [hbm4b:s10+s22], $0x2780, s23, s22, $0x38;
	[tilespmem:$0x1F300] =	vst v63  }
0x2e: {  	_ =	swait.ge [sflag:s20], $0x2780  }
0x2f: {  	[sflag:s20] =	ssyncset.done $0x0  }
0x30: {  	s9 =	simm.s32 $0x1F280;
	s11 =	rddreg [dreg:$0x5];
	[sflag:s20] =	ssyncadd.s32 $0xFFFFD880  }
0x31: {  	[tilespmem:s9], [sflag:$0x3] =	stream.linear.gather [hbm4b:s11+s2], $0x80, $0x38;
	[tilespmem:$0x1F300] =	vst v63  }
0x32: {  	_ =	swait.ge [sflag:s20], $0x80  }
0x33: {  	[sflag:s20] =	ssyncset.done $0x0  }
0x34: {  	s8 =	simm.s32 $0xED20;
	[sflag:s20] =	ssyncadd.s32 $0xFFFFFF80  }
0x35: {  	v1 =	vld [tilespmem:$0x1F280];
	[tilespmem:s8+$0xFFFFFFE0] =	vst v0  }
0x36: {  	[tilespmem:s8+$0x10] =	vst v0  }
0x37: {  	s9 =	simm.s32 $0x0;
	[tilespmem:s8+$0x0] =	vst v0  }
.LBB2_2:
0x38: {  	s9 =	sadd.s32 $0x4, s9  }
0x39: {  	[tilespmem:s8+$0xFFFFFFF0] =	vst v0;
	s8 =	sadd.s32 $0x40, s8;
	p1 =	slt.u32 s9, $0x26C  }
.Ltmp0:
0x3a: {  	[tilespmem:s8+$0xFFFFFFE0] =	vst v0;
	(pc) =	sbr.rel @p1 .LBB2_2-.Ltmp0, $3  }
0x3b: {  	_ =	sdelay $0x1  }
0x3c: {  	[tilespmem:s8+$0x10] =	vst v0  }
0x3d: {  	[tilespmem:s8+$0x0] =	vst v0  }
0x3e: {  	[tilespmem:s8+$0xFFFFFFF0] =	vst v0;
	s8 =	simm.s32 $0x0  }
.LBB2_4:
0x3f: {  	p1 =	sne.s32 s8, $0x40  }
.Ltmp1:
0x40: {  	_ = 	snop;
	(pc) =	sbr.rel @p1 .LBB2_4-.Ltmp1, $3  }
0x41: {  	_ =	sdelay $0x1  }
0x42: {  	s9 =	sshra.s32 s8, $0x2  }
0x43: {  	s8 =	sadd.s32 $0x40, s8;
	[tilespmem:s9+$0x11400] =	vst v0  }
0x44: {  	s8 =	simm.s32 $0x114A0  }
0x45: {  	[tilespmem:s8+$0xFFFFFFE0] =	vst v0  }
0x46: {  	[tilespmem:s8+$0x10] =	vst v0  }
0x47: {  	s9 =	simm.s32 $0x0;
	[tilespmem:s8+$0x0] =	vst v0  }
.LBB2_6:
0x48: {  	s9 =	sadd.s32 $0x4, s9  }
0x49: {  	[tilespmem:s8+$0xFFFFFFF0] =	vst v0;
	s8 =	sadd.s32 $0x40, s8;
	p1 =	slt.u32 s9, $0x26C  }
.Ltmp2:
0x4a: {  	[tilespmem:s8+$0xFFFFFFE0] =	vst v0;
	(pc) =	sbr.rel @p1 .LBB2_6-.Ltmp2, $3  }
0x4b: {  	_ =	sdelay $0x1  }
0x4c: {  	[tilespmem:s8+$0x10] =	vst v0  }
0x4d: {  	[tilespmem:s8+$0x0] =	vst v0  }
0x4e: {  	[tilespmem:s8+$0xFFFFFFF0] =	vst v0;
	s8 =	simm.s32 $0x0  }
.LBB2_8:
0x4f: {  	p1 =	sne.s32 s8, $0x40  }
.Ltmp3:
0x50: {  	_ = 	snop;
	(pc) =	sbr.rel @p1 .LBB2_8-.Ltmp3, $3  }
0x51: {  	_ =	sdelay $0x1  }
0x52: {  	s9 =	sshra.s32 s8, $0x2  }
0x53: {  	s8 =	sadd.s32 $0x40, s8;
	[tilespmem:s9+$0x13B80] =	vst v0  }
0x54: {  	s8 =	simm.s32 $0x13C20  }
0x55: {  	[tilespmem:s8+$0xFFFFFFE0] =	vst v0  }
0x56: {  	[tilespmem:s8+$0x10] =	vst v0  }
0x57: {  	s9 =	simm.s32 $0x0;
	[tilespmem:s8+$0x0] =	vst v0  }
.LBB2_10:
0x58: {  	s9 =	sadd.s32 $0x4, s9  }
0x59: {  	[tilespmem:s8+$0xFFFFFFF0] =	vst v0;
	s8 =	sadd.s32 $0x40, s8;
	p1 =	slt.u32 s9, $0x26C  }
.Ltmp4:
0x5a: {  	[tilespmem:s8+$0xFFFFFFE0] =	vst v0;
	(pc) =	sbr.rel @p1 .LBB2_10-.Ltmp4, $3  }
0x5b: {  	_ =	sdelay $0x1  }
0x5c: {  	[tilespmem:s8+$0x10] =	vst v0  }
0x5d: {  	[tilespmem:s8+$0x0] =	vst v0  }
0x5e: {  	[tilespmem:s8+$0xFFFFFFF0] =	vst v0;
	s8 =	simm.s32 $0x0  }
.LBB2_12:
0x5f: {  	p1 =	sne.s32 s8, $0x40  }
.Ltmp5:
0x60: {  	_ = 	snop;
	(pc) =	sbr.rel @p1 .LBB2_12-.Ltmp5, $3  }
0x61: {  	_ =	sdelay $0x1  }
0x62: {  	s9 =	sshra.s32 s8, $0x2  }
0x63: {  	s8 =	sadd.s32 $0x40, s8;
	[tilespmem:s9+$0x16300] =	vst v0  }
0x64: {  	s8 =	simm.s32 $0x163A0  }
0x65: {  	[tilespmem:s8+$0xFFFFFFE0] =	vst v0  }
0x66: {  	[tilespmem:s8+$0x10] =	vst v0  }
0x67: {  	s9 =	simm.s32 $0x0;
	[tilespmem:s8+$0x0] =	vst v0  }
.LBB2_14:
0x68: {  	s9 =	sadd.s32 $0x4, s9  }
0x69: {  	[tilespmem:s8+$0xFFFFFFF0] =	vst v0;
	s8 =	sadd.s32 $0x40, s8;
	p1 =	slt.u32 s9, $0x26C  }
.Ltmp6:
0x6a: {  	[tilespmem:s8+$0xFFFFFFE0] =	vst v0;
	(pc) =	sbr.rel @p1 .LBB2_14-.Ltmp6, $3  }
0x6b: {  	_ =	sdelay $0x1  }
0x6c: {  	[tilespmem:s8+$0x10] =	vst v0  }
0x6d: {  	[tilespmem:s8+$0x0] =	vst v0  }
0x6e: {  	[tilespmem:s8+$0xFFFFFFF0] =	vst v0;
	s8 =	simm.s32 $0x0  }
.LBB2_16:
0x6f: {  	p1 =	sne.s32 s8, $0x40  }
.Ltmp7:
0x70: {  	_ = 	snop;
	(pc) =	sbr.rel @p1 .LBB2_16-.Ltmp7, $3  }
0x71: {  	_ =	sdelay $0x1  }
0x72: {  	s9 =	sshra.s32 s8, $0x2  }
0x73: {  	s8 =	sadd.s32 $0x40, s8;
	[tilespmem:s9+$0x18A80] =	vst v0  }
0x74: {  	s8 =	simm.s32 $0x18B20  }
0x75: {  	[tilespmem:s8+$0xFFFFFFE0] =	vst v0  }
0x76: {  	[tilespmem:s8+$0x10] =	vst v0  }
0x77: {  	s9 =	simm.s32 $0x0;
	[tilespmem:s8+$0x0] =	vst v0  }
.LBB2_18:
0x78: {  	s9 =	sadd.s32 $0x4, s9  }
0x79: {  	[tilespmem:s8+$0xFFFFFFF0] =	vst v0;
	s8 =	sadd.s32 $0x40, s8;
	p1 =	slt.u32 s9, $0x26C  }
.Ltmp8:
0x7a: {  	[tilespmem:s8+$0xFFFFFFE0] =	vst v0;
	(pc) =	sbr.rel @p1 .LBB2_18-.Ltmp8, $3  }
0x7b: {  	_ =	sdelay $0x1  }
0x7c: {  	[tilespmem:s8+$0x10] =	vst v0  }
0x7d: {  	[tilespmem:s8+$0x0] =	vst v0  }
0x7e: {  	[tilespmem:s8+$0xFFFFFFF0] =	vst v0;
	s8 =	simm.s32 $0x0  }
.LBB2_20:
0x7f: {  	p1 =	sne.s32 s8, $0x40  }
.Ltmp9:
0x80: {  	_ = 	snop;
	(pc) =	sbr.rel @p1 .LBB2_20-.Ltmp9, $3  }
0x81: {  	_ =	sdelay $0x1  }
0x82: {  	s9 =	sshra.s32 s8, $0x2  }
0x83: {  	s8 =	sadd.s32 $0x40, s8;
	[tilespmem:s9+$0x1B200] =	vst v0  }
0x84: {  	s8 =	simm.s32 $0x0;
	s9 =	rddreg [dreg:$0x0]  }
0x85: {  	[tilespmem:s30], [sflag:$0x1] =	stream.linear.gather [hbm4b:s9+s8], $0x2000, $0x38;
	[tilespmem:$0x1F300] =	vst v63  }
0x86: {  	_ = 	snop  }
0x87: {  	[tilespmem:s31], [sflag:$0x2] =	stream.linear.gather [hbm4b:s12+s8], $0x2000, $0x38;
	[tilespmem:$0x1F300] =	vst v63  }
.LBB2_22:
0x88: {  	_ =	swait.ge [sflag:s0], $0x2000  }
0x89: {  	[sflag:s0] =	ssyncset.done $0x0  }
0x8a: {  	s9 =	simm.s32 $0xFFFFFFF0;
	s10 =	simm.s32 $0x1C280;
	[sflag:s0] =	ssyncadd.s32 $0xFFFFE000  }
.LBB2_23:
0x8b: {  	v2 =	vld [tilespmem:s10+$0xFFFFF000]  }
0x8c: {  	v3 =	vld [tilespmem:s10+$0x0];
	_ =	sdelay $0x6  }
0x8d: {  	v4 =	vld.idx.msk [tilespmem:v2+s2+$0x0], $0xffff  }
0x8e: {  	v5 =	vld.idx.msk [tilespmem:v3+s21+$0x0], $0xffff  }
0x8f: {  	v6 =	vld [tilespmem:s10+$0xFFFFF010]  }
0x90: {  	v7 =	vld [tilespmem:s10+$0x10];
	_ =	sdelay $0x2  }
0x91: {  	v9 =	vld [tilespmem:s10+$0xFFFFF020];
	v4 =	vadd.f32 v5, v4  }
0x92: {  	v8 =	vld [tilespmem:s10+$0x20]  }
0x93: {  	v25 =	vld [tilespmem:s10+$0xFFFFF030];
	v5 =	vmul.f32 $2.000000030e-01, v4  }
0x94: {  	v31 =	vld [tilespmem:s10+$0x30];
	vm1 =	vge.f32 v4, $0.0e+00  }
0x95: {  	v59 =	vld.idx.msk [tilespmem:v6+s2+$0x0], $0xffff;
	v4 =	vsel vm1, v4, v5  }
0x96: {  	v10 =	vld.idx.msk [tilespmem:v7+s21+$0x0], $0xffff;
	v4 =	vsub.f32 v4, v1  }
0x97: {  	v18 =	vld [tilespmem:s10+$0xFFFFF040]  }
0x98: {  	v19 =	vld [tilespmem:s10+$0x40];
	v4 =	vmul.f32 $1.442695020e+00, v4  }
0x99: {  	v61 =	vld.idx.msk [tilespmem:v9+s2+$0x0], $0xffff  }
0x9a: {  	v62 =	vld.idx.msk [tilespmem:v8+s21+$0x0], $0xffff;
	(erf) = vpow2.f32 v4  }
0x9b: {  	v44 =	vld [tilespmem:s10+$0x60];
	v60 =	vadd.f32 v10, v59  }
0x9c: {  	v54 =	vld [tilespmem:s10+$0x70]  }
0x9d: {  	v12 =	vld.idx.msk [tilespmem:v3+s24+$0x0], $0xffff;
	v11 =	vmul.f32 $2.000000030e-01, v60  }
0x9e: {  	v24 =	vld.idx.msk [tilespmem:v7+s24+$0x0], $0xffff;
	vm1 =	vge.f32 v60, $0.0e+00  }
0x9f: {  	v14 =	vld.idx.msk [tilespmem:v8+s24+$0x0], $0xffff;
	v5 =	vadd.f32 v62, v61;
	v4 =	vsel vm1, v60, v11  }
0xa0: {  	v15 =	vld.idx.msk [tilespmem:v25+s2+$0x0], $0xffff;
	v4 =	vsub.f32 v4, v1  }
0xa1: {  	v17 =	vld.idx.msk [tilespmem:v31+s21+$0x0], $0xffff;
	v22 =	vmul.f32 $2.000000030e-01, v5  }
0xa2: {  	v36 =	vld.idx.msk [tilespmem:v18+s2+$0x0], $0xffff;
	vm1 =	vge.f32 v5, $0.0e+00;
	v4 =	vmul.f32 $1.442695020e+00, v4  }
0xa3: {  	v37 =	vld.idx.msk [tilespmem:v19+s21+$0x0], $0xffff;
	v23 =	vsel vm1, v5, v22;
	v63 =	vpop (erf)  }
0xa4: {  	v40 =	vld.idx.msk [tilespmem:v31+s24+$0x0], $0xffff;
	(erf) = vpow2.f32 v4;
	v4 =	vsub.f32 v23, v1;
	v21 =	vmul.f32 v63, v12  }
0xa5: {  	v47 =	vld.idx.msk [tilespmem:v19+s24+$0x0], $0xffff  }
0xa6: {  	v4 =	vmul.f32 $1.442695020e+00, v4;
	[tilespmem:v2+s4+$0x0] =	vst.idx.add.f32.msk $0xffff, v21  }
0xa7: {  	v11 =	vld.idx.msk [tilespmem:v3+s25+$0x0], $0xffff  }
0xa8: {  	v33 =	vadd.f32 v17, v15;
	v15 =	vld [tilespmem:s10+$0xA0];
	(erf) = vpow2.f32 v4  }
0xa9: {  	v50 =	vld.idx.msk [tilespmem:v44+s21+$0x0], $0xffff  }
0xaa: {  	v58 =	vld.idx.msk [tilespmem:v54+s21+$0x0], $0xffff  }
0xab: {  	v21 =	vld [tilespmem:s10+$0x50]  }
0xac: {  	v59 =	vld.idx.msk [tilespmem:v44+s24+$0x0], $0xffff;
	v30 =	vmul.f32 v63, v11  }
0xad: {  	v5 =	vld [tilespmem:s10+$0xFFFFF090]  }
0xae: {  	v13 =	vpop (erf);
	[tilespmem:v2+s29+$0x0] =	vst.idx.add.f32.msk $0xffff, v30  }
0xaf: {  	v12 =	vmul.f32 v13, v24;
	v4 =	vld.idx.msk [tilespmem:v3+s26+$0x0], $0xffff  }
0xb0: {  	v24 =	vld.idx.msk [tilespmem:v15+s21+$0x0], $0xffff  }
0xb1: {  	[tilespmem:v6+s4+$0x0] =	vst.idx.add.f32.msk $0xffff, v12;
	v16 =	vpop (erf)  }
0xb2: {  	v12 =	vld.idx.msk [tilespmem:v7+s25+$0x0], $0xffff;
	v14 =	vmul.f32 v16, v14  }
0xb3: {  	v42 =	vld.idx.msk [tilespmem:v21+s21+$0x0], $0xffff  }
0xb4: {  	[tilespmem:v9+s4+$0x0] =	vst.idx.add.f32.msk $0xffff, v14;
	v4 =	vmul.f32 v63, v4  }
0xb5: {  	v34 =	vmul.f32 $2.000000030e-01, v33;
	v14 =	vld.idx.msk [tilespmem:v8+s25+$0x0], $0xffff  }
0xb6: {  	vm1 =	vge.f32 v33, $0.0e+00;
	[tilespmem:v2+s1+$0x0] =	vst.idx.add.f32.msk $0xffff, v4  }
0xb7: {  	v32 =	vmul.f32 v13, v12;
	v4 =	vsel vm1, v33, v34;
	v3 =	vld.idx.msk [tilespmem:v3+s28+$0x0], $0xffff  }
0xb8: {  	v55 =	vld.idx.msk [tilespmem:v21+s24+$0x0], $0xffff;
	v4 =	vsub.f32 v4, v1  }
0xb9: {  	[tilespmem:v6+s29+$0x0] =	vst.idx.add.f32.msk $0xffff, v32  }
0xba: {  	v35 =	vld.idx.msk [tilespmem:v7+s26+$0x0], $0xffff;
	v4 =	vmul.f32 $1.442695020e+00, v4  }
0xbb: {  	v14 =	vmul.f32 v16, v14;
	v33 =	vld.idx.msk [tilespmem:v54+s24+$0x0], $0xffff  }
0xbc: {  	(erf) = vpow2.f32 v4;
	v20 =	vmul.f32 v3, v63;
	v3 =	vld [tilespmem:s10+$0xFFFFF050]  }
0xbd: {  	[tilespmem:v9+s29+$0x0] =	vst.idx.add.f32.msk $0xffff, v14  }
0xbe: {  	v12 =	vadd.f32 v37, v36;
	v14 =	vld.idx.msk [tilespmem:v8+s26+$0x0], $0xffff  }
0xbf: {  	v38 =	vmul.f32 v13, v35;
	[tilespmem:v2+s3+$0x0] =	vst.idx.add.f32.msk $0xffff, v20  }
0xc0: {  	[tilespmem:v2+s5+$0x0] =	vst.idx.add.f32.msk vm0, v63;
	v2 =	vmul.f32 $2.000000030e-01, v12  }
0xc1: {  	vm1 =	vge.f32 v12, $0.0e+00;
	[tilespmem:v6+s1+$0x0] =	vst.idx.add.f32.msk $0xffff, v38  }
0xc2: {  	v4 =	vld [tilespmem:s10+$0xFFFFF060];
	v2 =	vsel vm1, v12, v2  }
0xc3: {  	v7 =	vld.idx.msk [tilespmem:v7+s28+$0x0], $0xffff;
	v2 =	vsub.f32 v2, v1  }
0xc4: {  	v39 =	vmul.f32 v16, v14;
	v41 =	vld.idx.msk [tilespmem:v3+s2+$0x0], $0xffff  }
0xc5: {  	v14 =	vld [tilespmem:s10+$0x80];
	v2 =	vmul.f32 $1.442695020e+00, v2;
	v43 =	vpop (erf)  }
0xc6: {  	[tilespmem:v9+s1+$0x0] =	vst.idx.add.f32.msk $0xffff, v39;
	v10 =	vmul.f32 v43, v40  }
0xc7: {  	(erf) = vpow2.f32 v2;
	v2 =	vld.idx.msk [tilespmem:v8+s28+$0x0], $0xffff  }
0xc8: {  	[tilespmem:v25+s4+$0x0] =	vst.idx.add.f32.msk $0xffff, v10  }
0xc9: {  	v7 =	vmul.f32 v7, v13;
	v45 =	vld.idx.msk [tilespmem:v31+s25+$0x0], $0xffff;
	v46 =	vadd.f32 v42, v41  }
0xca: {  	v38 =	vld.idx.msk [tilespmem:v5+s2+$0x0], $0xffff  }
0xcb: {  	[tilespmem:v6+s3+$0x0] =	vst.idx.add.f32.msk $0xffff, v7;
	v12 =	vmul.f32 $2.000000030e-01, v46  }
0xcc: {  	v49 =	vld.idx.msk [tilespmem:v4+s2+$0x0], $0xffff;
	vm1 =	vge.f32 v46, $0.0e+00  }
0xcd: {  	[tilespmem:v6+s5+$0x0] =	vst.idx.add.f32.msk vm0, v13;
	v2 =	vmul.f32 v2, v16;
	v48 =	vsel vm1, v46, v12  }
0xce: {  	v30 =	vld.idx.msk [tilespmem:v14+s21+$0x0], $0xffff;
	v8 =	vmul.f32 v43, v45;
	v6 =	vsub.f32 v48, v1  }
0xcf: {  	[tilespmem:v9+s3+$0x0] =	vst.idx.add.f32.msk $0xffff, v2  }
0xd0: {  	v51 =	vpop (erf);
	[tilespmem:v25+s29+$0x0] =	vst.idx.add.f32.msk $0xffff, v8;
	v6 =	vmul.f32 $1.442695020e+00, v6  }
0xd1: {  	v2 =	vmul.f32 v51, v47;
	v52 =	vld.idx.msk [tilespmem:v31+s26+$0x0], $0xffff  }
0xd2: {  	v37 =	vld.idx.msk [tilespmem:v14+s24+$0x0], $0xffff;
	(erf) = vpow2.f32 v6  }
0xd3: {  	[tilespmem:v18+s4+$0x0] =	vst.idx.add.f32.msk $0xffff, v2  }
0xd4: {  	v53 =	vadd.f32 v50, v49;
	v2 =	vld.idx.msk [tilespmem:v19+s25+$0x0], $0xffff  }
0xd5: {  	v8 =	vld [tilespmem:s10+$0xFFFFF070]  }
0xd6: {  	v10 =	vmul.f32 $2.000000030e-01, v53;
	v12 =	vld [tilespmem:s10+$0xFFFFF0C0];
	v7 =	vmul.f32 v43, v52  }
0xd7: {  	vm1 =	vge.f32 v53, $0.0e+00;
	[tilespmem:v9+s5+$0x0] =	vst.idx.add.f32.msk vm0, v16  }
0xd8: {  	v6 =	vsel vm1, v53, v10;
	[tilespmem:v25+s1+$0x0] =	vst.idx.add.f32.msk $0xffff, v7  }
0xd9: {  	v6 =	vsub.f32 v6, v1;
	v2 =	vmul.f32 v51, v2;
	v7 =	vld.idx.msk [tilespmem:v31+s28+$0x0], $0xffff  }
0xda: {  	v53 =	vld.idx.msk [tilespmem:v15+s24+$0x0], $0xffff  }
0xdb: {  	[tilespmem:v18+s29+$0x0] =	vst.idx.add.f32.msk $0xffff, v2;
	v2 =	vmul.f32 $1.442695020e+00, v6;
	v57 =	vpop (erf)  }
0xdc: {  	v56 =	vld.idx.msk [tilespmem:v19+s26+$0x0], $0xffff;
	v9 =	vmul.f32 v57, v55  }
0xdd: {  	(erf) = vpow2.f32 v2;
	v2 =	vld.idx.msk [tilespmem:v8+s2+$0x0], $0xffff  }
0xde: {  	v7 =	vmul.f32 v7, v43;
	[tilespmem:v3+s4+$0x0] =	vst.idx.add.f32.msk $0xffff, v9  }
0xdf: {  	v9 =	vld.idx.msk [tilespmem:v21+s25+$0x0], $0xffff  }
0xe0: {  	[tilespmem:v25+s3+$0x0] =	vst.idx.add.f32.msk $0xffff, v7  }
0xe1: {  	[tilespmem:v25+s5+$0x0] =	vst.idx.add.f32.msk vm0, v43  }
0xe2: {  	v6 =	vmul.f32 v51, v56;
	v25 =	vld [tilespmem:s10+$0xB0];
	v11 =	vadd.f32 v58, v2  }
0xe3: {  	v2 =	vld [tilespmem:s10+$0xFFFFF080]  }
0xe4: {  	[tilespmem:v18+s1+$0x0] =	vst.idx.add.f32.msk $0xffff, v6;
	v61 =	vmul.f32 $2.000000030e-01, v11  }
0xe5: {  	v62 =	vld.idx.msk [tilespmem:v19+s28+$0x0], $0xffff;
	vm1 =	vge.f32 v11, $0.0e+00;
	v60 =	vmul.f32 v57, v9  }
0xe6: {  	v63 =	vpop (erf);
	v27 =	vsel vm1, v11, v61;
	v11 =	vld [tilespmem:s10+$0x90]  }
0xe7: {  	[tilespmem:v3+s29+$0x0] =	vst.idx.add.f32.msk $0xffff, v60;
	v26 =	vmul.f32 v63, v59;
	v7 =	vsub.f32 v27, v1  }
0xe8: {  	v28 =	vld.idx.msk [tilespmem:v21+s26+$0x0], $0xffff  }
0xe9: {  	[tilespmem:v4+s4+$0x0] =	vst.idx.add.f32.msk $0xffff, v26;
	v7 =	vmul.f32 $1.442695020e+00, v7  }
0xea: {  	v6 =	vld.idx.msk [tilespmem:v44+s25+$0x0], $0xffff  }
0xeb: {  	v29 =	vld.idx.msk [tilespmem:v2+s2+$0x0], $0xffff;
	(erf) = vpow2.f32 v7  }
0xec: {  	v16 =	vmul.f32 v62, v51;
	v45 =	vld.idx.msk [tilespmem:v25+s21+$0x0], $0xffff  }
0xed: {  	v60 =	vld.idx.msk [tilespmem:v25+s24+$0x0], $0xffff  }
0xee: {  	[tilespmem:v18+s3+$0x0] =	vst.idx.add.f32.msk $0xffff, v16  }
0xef: {  	[tilespmem:v18+s5+$0x0] =	vst.idx.add.f32.msk vm0, v51  }
0xf0: {  	v32 =	vmul.f32 v63, v6;
	v34 =	vadd.f32 v30, v29;
	v6 =	vld [tilespmem:s10+$0xFFFFF0A0]  }
0xf1: {  	v31 =	vmul.f32 v57, v28;
	v22 =	vld.idx.msk [tilespmem:v11+s21+$0x0], $0xffff  }
0xf2: {  	v51 =	vld.idx.msk [tilespmem:v11+s24+$0x0], $0xffff;
	v7 =	vmul.f32 $2.000000030e-01, v34  }
0xf3: {  	[tilespmem:v3+s1+$0x0] =	vst.idx.add.f32.msk $0xffff, v31;
	vm1 =	vge.f32 v34, $0.0e+00  }
0xf4: {  	v21 =	vld.idx.msk [tilespmem:v21+s28+$0x0], $0xffff;
	v7 =	vsel vm1, v34, v7;
	v35 =	vpop (erf)  }
0xf5: {  	[tilespmem:v4+s29+$0x0] =	vst.idx.add.f32.msk $0xffff, v32;
	v7 =	vsub.f32 v7, v1;
	v9 =	vmul.f32 v35, v33  }
0xf6: {  	v36 =	vld.idx.msk [tilespmem:v44+s26+$0x0], $0xffff  }
0xf7: {  	v7 =	vmul.f32 $1.442695020e+00, v7;
	[tilespmem:v8+s4+$0x0] =	vst.idx.add.f32.msk $0xffff, v9  }
0xf8: {  	v23 =	vld.idx.msk [tilespmem:v6+s2+$0x0], $0xffff  }
0xf9: {  	v9 =	vld.idx.msk [tilespmem:v54+s25+$0x0], $0xffff;
	(erf) = vpow2.f32 v7  }
0xfa: {  	v7 =	vld [tilespmem:s10+$0xFFFFF0B0]  }
0xfb: {  	v32 =	vld.idx.msk [tilespmem:v12+s2+$0x0], $0xffff;
	v20 =	vadd.f32 v22, v38;
	v21 =	vmul.f32 v21, v57  }
0xfc: {  	v33 =	vld [tilespmem:s10+$0xD0]  }
0xfd: {  	v22 =	vmul.f32 $2.000000030e-01, v20;
	v16 =	vmul.f32 v63, v36;
	[tilespmem:v3+s3+$0x0] =	vst.idx.add.f32.msk $0xffff, v21  }
0xfe: {  	vm1 =	vge.f32 v20, $0.0e+00;
	v36 =	vld [tilespmem:s10+$0xE0];
	v40 =	vadd.f32 v24, v23  }
0xff: {  	v20 =	vsel vm1, v20, v22;
	[tilespmem:v4+s1+$0x0] =	vst.idx.add.f32.msk $0xffff, v16;
	v9 =	vmul.f32 v35, v9  }
0x100: {  	v42 =	vsub.f32 v20, v1;
	v16 =	vld.idx.msk [tilespmem:v44+s28+$0x0], $0xffff;
	v43 =	vmul.f32 $2.000000030e-01, v40  }
0x101: {  	vm1 =	vge.f32 v40, $0.0e+00;
	[tilespmem:v8+s29+$0x0] =	vst.idx.add.f32.msk $0xffff, v9  }
0x102: {  	v9 =	vmul.f32 $1.442695020e+00, v42;
	v44 =	vld.idx.msk [tilespmem:v7+s2+$0x0], $0xffff;
	v18 =	vsel vm1, v40, v43;
	v17 =	vpop (erf)  }
0x103: {  	v41 =	vld.idx.msk [tilespmem:v54+s26+$0x0], $0xffff;
	v18 =	vsub.f32 v18, v1;
	v39 =	vmul.f32 v17, v37  }
0x104: {  	[tilespmem:v3+s5+$0x0] =	vst.idx.add.f32.msk vm0, v57;
	(erf) = vpow2.f32 v9  }
0x105: {  	v3 =	vmul.f32 $1.442695020e+00, v18;
	[tilespmem:v2+s4+$0x0] =	vst.idx.add.f32.msk $0xffff, v39  }
0x106: {  	v46 =	vld.idx.msk [tilespmem:v14+s25+$0x0], $0xffff  }
0x107: {  	v38 =	vld [tilespmem:s10+$0xF0];
	(erf) = vpow2.f32 v3;
	v3 =	vadd.f32 v45, v44  }
0x108: {  	v28 =	vld.idx.msk [tilespmem:v33+s21+$0x0], $0xffff;
	v47 =	vmul.f32 v35, v41  }
0x109: {  	v40 =	vld.idx.msk [tilespmem:v36+s21+$0x0], $0xffff;
	v52 =	vmul.f32 $2.000000030e-01, v3  }
0x10a: {  	v48 =	vmul.f32 v16, v63;
	[tilespmem:v8+s1+$0x0] =	vst.idx.add.f32.msk $0xffff, v47;
	vm1 =	vge.f32 v3, $0.0e+00  }
0x10b: {  	v49 =	vld.idx.msk [tilespmem:v54+s28+$0x0], $0xffff;
	v3 =	vsel vm1, v3, v52;
	v50 =	vmul.f32 v17, v46  }
0x10c: {  	[tilespmem:v4+s3+$0x0] =	vst.idx.add.f32.msk $0xffff, v48;
	v3 =	vsub.f32 v3, v1  }
0x10d: {  	v54 =	vpop (erf);
	[tilespmem:v2+s29+$0x0] =	vst.idx.add.f32.msk $0xffff, v50  }
0x10e: {  	v55 =	vmul.f32 v54, v51;
	v3 =	vmul.f32 $1.442695020e+00, v3;
	v9 =	vld.idx.msk [tilespmem:v14+s26+$0x0], $0xffff  }
0x10f: {  	v18 =	vld [tilespmem:s10+$0xFFFFF0D0]  }
0x110: {  	v10 =	vmul.f32 v49, v35;
	[tilespmem:v5+s4+$0x0] =	vst.idx.add.f32.msk $0xffff, v55;
	v57 =	vpop (erf);
	(erf) = vpow2.f32 v3  }
0x111: {  	v3 =	vld.idx.msk [tilespmem:v11+s25+$0x0], $0xffff;
	v58 =	vmul.f32 v57, v53  }
0x112: {  	[tilespmem:v8+s3+$0x0] =	vst.idx.add.f32.msk $0xffff, v10  }
0x113: {  	[tilespmem:v6+s4+$0x0] =	vst.idx.add.f32.msk $0xffff, v58;
	v56 =	vmul.f32 v17, v9  }
0x114: {  	v59 =	vld.idx.msk [tilespmem:v15+s25+$0x0], $0xffff  }
0x115: {  	[tilespmem:v2+s1+$0x0] =	vst.idx.add.f32.msk $0xffff, v56  }
0x116: {  	v61 =	vld.idx.msk [tilespmem:v14+s28+$0x0], $0xffff  }
0x117: {  	v3 =	vmul.f32 v54, v3;
	v14 =	vld [tilespmem:s10+$0xC0]  }
0x118: {  	[tilespmem:v8+s5+$0x0] =	vst.idx.add.f32.msk vm0, v35  }
0x119: {  	[tilespmem:v5+s29+$0x0] =	vst.idx.add.f32.msk $0xffff, v3;
	v3 =	vmul.f32 v57, v59;
	v62 =	vpop (erf)  }
0x11a: {  	v35 =	vld [tilespmem:s10+$0xFFFFF0E0];
	v10 =	vmul.f32 v62, v60  }
0x11b: {  	[tilespmem:v6+s29+$0x0] =	vst.idx.add.f32.msk $0xffff, v3  }
0x11c: {  	[tilespmem:v7+s4+$0x0] =	vst.idx.add.f32.msk $0xffff, v10  }
0x11d: {  	v3 =	vld.idx.msk [tilespmem:v25+s25+$0x0], $0xffff  }
0x11e: {  	v37 =	vld [tilespmem:s10+$0xFFFFF0F0]  }
0x11f: {  	v34 =	vld.idx.msk [tilespmem:v14+s21+$0x0], $0xffff  }
0x120: {  	[tilespmem:v4+s5+$0x0] =	vst.idx.add.f32.msk vm0, v63  }
0x121: {  	v27 =	vld.idx.msk [tilespmem:v18+s2+$0x0], $0xffff  }
0x122: {  	v63 =	vld.idx.msk [tilespmem:v11+s26+$0x0], $0xffff;
	v3 =	vmul.f32 v62, v3  }
0x123: {  	v26 =	vld.idx.msk [tilespmem:v15+s26+$0x0], $0xffff  }
0x124: {  	[tilespmem:v7+s29+$0x0] =	vst.idx.add.f32.msk $0xffff, v3;
	v3 =	vadd.f32 v34, v32  }
0x125: {  	v39 =	vld.idx.msk [tilespmem:v35+s2+$0x0], $0xffff  }
0x126: {  	v41 =	vld.idx.msk [tilespmem:v38+s21+$0x0], $0xffff;
	v29 =	vmul.f32 $2.000000030e-01, v3  }
0x127: {  	v30 =	vld.idx.msk [tilespmem:v37+s2+$0x0], $0xffff;
	v16 =	vmul.f32 v54, v63;
	vm1 =	vge.f32 v3, $0.0e+00  }
0x128: {  	v27 =	vadd.f32 v28, v27;
	v42 =	vld.idx.msk [tilespmem:v25+s26+$0x0], $0xffff;
	v3 =	vsel vm1, v3, v29  }
0x129: {  	[tilespmem:v5+s1+$0x0] =	vst.idx.add.f32.msk $0xffff, v16;
	v43 =	vmul.f32 v57, v26;
	v3 =	vsub.f32 v3, v1  }
0x12a: {  	v44 =	vmul.f32 $2.000000030e-01, v27;
	v10 =	vadd.f32 v40, v39;
	v11 =	vld.idx.msk [tilespmem:v11+s28+$0x0], $0xffff  }
0x12b: {  	v13 =	vmul.f32 v61, v17;
	[tilespmem:v6+s1+$0x0] =	vst.idx.add.f32.msk $0xffff, v43;
	v3 =	vmul.f32 $1.442695020e+00, v3  }
0x12c: {  	v46 =	vadd.f32 v41, v30;
	v47 =	vmul.f32 $2.000000030e-01, v10;
	v15 =	vld.idx.msk [tilespmem:v15+s28+$0x0], $0xffff;
	vm1 =	vge.f32 v27, $0.0e+00  }
0x12d: {  	[tilespmem:v2+s3+$0x0] =	vst.idx.add.f32.msk $0xffff, v13;
	v45 =	vsel vm1, v27, v44;
	(erf) = vpow2.f32 v3;
	v3 =	vmul.f32 v62, v42  }
0x12e: {  	[tilespmem:v2+s5+$0x0] =	vst.idx.add.f32.msk vm0, v17;
	vm1 =	vge.f32 v10, $0.0e+00;
	v16 =	vsub.f32 v45, v1  }
0x12f: {  	v49 =	vmul.f32 $2.000000030e-01, v46;
	v2 =	vsel vm1, v10, v47;
	[tilespmem:v7+s1+$0x0] =	vst.idx.add.f32.msk $0xffff, v3;
	v3 =	vmul.f32 v11, v54  }
0x130: {  	vm1 =	vge.f32 v46, $0.0e+00;
	v2 =	vsub.f32 v2, v1;
	v48 =	vmul.f32 $1.442695020e+00, v16  }
0x131: {  	v50 =	vsel vm1, v46, v49;
	[tilespmem:v5+s3+$0x0] =	vst.idx.add.f32.msk $0xffff, v3;
	v3 =	vmul.f32 v15, v57  }
0x132: {  	v10 =	vsub.f32 v50, v1;
	v2 =	vmul.f32 $1.442695020e+00, v2;
	(erf) = vpow2.f32 v48;
	v51 =	vld.idx.msk [tilespmem:v25+s28+$0x0], $0xffff  }
0x133: {  	[tilespmem:v6+s3+$0x0] =	vst.idx.add.f32.msk $0xffff, v3  }
0x134: {  	(erf) = vpow2.f32 v2;
	v2 =	vmul.f32 $1.442695020e+00, v10;
	v3 =	vld.idx.msk [tilespmem:v14+s24+$0x0], $0xffff  }
0x135: {  	v56 =	vld.idx.msk [tilespmem:v38+s24+$0x0], $0xffff  }
0x136: {  	(erf) = vpow2.f32 v2;
	v2 =	vld.idx.msk [tilespmem:v33+s24+$0x0], $0xffff  }
0x137: {  	[tilespmem:v5+s5+$0x0] =	vst.idx.add.f32.msk vm0, v54  }
0x138: {  	v54 =	vld.idx.msk [tilespmem:v36+s24+$0x0], $0xffff;
	v52 =	vmul.f32 v51, v62;
	v53 =	vpop (erf)  }
0x139: {  	[tilespmem:v6+s5+$0x0] =	vst.idx.add.f32.msk vm0, v57;
	v3 =	vmul.f32 v53, v3  }
0x13a: {  	[tilespmem:v7+s3+$0x0] =	vst.idx.add.f32.msk $0xffff, v52  }
0x13b: {  	v55 =	vpop (erf);
	[tilespmem:v7+s5+$0x0] =	vst.idx.add.f32.msk vm0, v62  }
0x13c: {  	v2 =	vmul.f32 v55, v2;
	[tilespmem:v12+s4+$0x0] =	vst.idx.add.f32.msk $0xffff, v3  }
0x13d: {  	v57 =	vld.idx.msk [tilespmem:v14+s25+$0x0], $0xffff;
	v3 =	vpop (erf)  }
0x13e: {  	[tilespmem:v18+s4+$0x0] =	vst.idx.add.f32.msk $0xffff, v2;
	v2 =	vmul.f32 v3, v54  }
0x13f: {  	v58 =	vld.idx.msk [tilespmem:v33+s25+$0x0], $0xffff;
	v59 =	vpop (erf)  }
0x140: {  	[tilespmem:v35+s4+$0x0] =	vst.idx.add.f32.msk $0xffff, v2;
	v2 =	vmul.f32 v59, v56  }
0x141: {  	v60 =	vld.idx.msk [tilespmem:v36+s25+$0x0], $0xffff  }
0x142: {  	v8 =	vmul.f32 v53, v57;
	[tilespmem:v37+s4+$0x0] =	vst.idx.add.f32.msk $0xffff, v2  }
0x143: {  	v2 =	vld.idx.msk [tilespmem:v38+s25+$0x0], $0xffff  }
0x144: {  	v5 =	vmul.f32 v55, v58;
	[tilespmem:v12+s29+$0x0] =	vst.idx.add.f32.msk $0xffff, v8  }
0x145: {  	v8 =	vld.idx.msk [tilespmem:v14+s26+$0x0], $0xffff  }
0x146: {  	[tilespmem:v18+s29+$0x0] =	vst.idx.add.f32.msk $0xffff, v5;
	v61 =	vmul.f32 v3, v60  }
0x147: {  	v62 =	vld.idx.msk [tilespmem:v33+s26+$0x0], $0xffff  }
0x148: {  	[tilespmem:v35+s29+$0x0] =	vst.idx.add.f32.msk $0xffff, v61;
	v2 =	vmul.f32 v59, v2  }
0x149: {  	v5 =	vld.idx.msk [tilespmem:v36+s26+$0x0], $0xffff  }
0x14a: {  	v8 =	vmul.f32 v53, v8;
	[tilespmem:v37+s29+$0x0] =	vst.idx.add.f32.msk $0xffff, v2  }
0x14b: {  	v2 =	vld.idx.msk [tilespmem:v38+s26+$0x0], $0xffff  }
0x14c: {  	v7 =	vmul.f32 v55, v62;
	[tilespmem:v12+s1+$0x0] =	vst.idx.add.f32.msk $0xffff, v8  }
0x14d: {  	v8 =	vld.idx.msk [tilespmem:v14+s28+$0x0], $0xffff  }
0x14e: {  	[tilespmem:v18+s1+$0x0] =	vst.idx.add.f32.msk $0xffff, v7;
	v5 =	vmul.f32 v3, v5  }
0x14f: {  	v7 =	vld.idx.msk [tilespmem:v33+s28+$0x0], $0xffff  }
0x150: {  	[tilespmem:v35+s1+$0x0] =	vst.idx.add.f32.msk $0xffff, v5;
	v2 =	vmul.f32 v59, v2  }
0x151: {  	v5 =	vld.idx.msk [tilespmem:v36+s28+$0x0], $0xffff  }
0x152: {  	[tilespmem:v37+s1+$0x0] =	vst.idx.add.f32.msk $0xffff, v2;
	v2 =	vmul.f32 v8, v53  }
0x153: {  	v63 =	vld.idx.msk [tilespmem:v38+s28+$0x0], $0xffff  }
0x154: {  	[tilespmem:v12+s3+$0x0] =	vst.idx.add.f32.msk $0xffff, v2;
	v2 =	vmul.f32 v7, v55  }
0x155: {  	s9 =	sadd.s32 $0x10, s9;
	[tilespmem:v12+s5+$0x0] =	vst.idx.add.f32.msk vm0, v53  }
0x156: {  	p1 =	slt.u32 s9, $0xF0;
	[tilespmem:v18+s3+$0x0] =	vst.idx.add.f32.msk $0xffff, v2;
	v2 =	vmul.f32 v5, v3  }
.Ltmp10:
0x157: {  	[tilespmem:v18+s5+$0x0] =	vst.idx.add.f32.msk vm0, v55;
	(pc) =	sbr.rel @p1 .LBB2_23-.Ltmp10, $4  }
0x158: {  	[tilespmem:v35+s3+$0x0] =	vst.idx.add.f32.msk $0xffff, v2;
	v2 =	vmul.f32 v63, v59  }
0x159: {  	[tilespmem:v35+s5+$0x0] =	vst.idx.add.f32.msk vm0, v3  }
0x15a: {  	[tilespmem:v37+s3+$0x0] =	vst.idx.add.f32.msk $0xffff, v2  }
0x15b: {  	s10 =	sadd.s32 $0x100, s10;
	[tilespmem:v37+s5+$0x0] =	vst.idx.add.f32.msk vm0, v59  }
0x15c: {  	s9 =	sshll.u32 s8, $0xB  }
0x15d: {  	s10 =	sadd.s32 s9, s13  }
0x15e: {  	[tilespmem:s30], [sflag:$0x1] =	stream.linear.gather [hbm4b:s10+s2], $0x2000, $0x38;
	[tilespmem:$0x1F300] =	vst v63  }
0x15f: {  	_ =	swait.ge [sflag:s6], $0x2000  }
0x160: {  	[sflag:s6] =	ssyncset.done $0x0  }
0x161: {  	s11 =	simm.s32 $0x1E280;
	s10 =	simm.s32 $0xFFFFFFF0;
	[sflag:s6] =	ssyncadd.s32 $0xFFFFE000  }
.LBB2_25:
0x162: {  	v2 =	vld [tilespmem:s11+$0xFFFFF000]  }
0x163: {  	v3 =	vld [tilespmem:s11+$0x0];
	_ =	sdelay $0x6  }
0x164: {  	v4 =	vld.idx.msk [tilespmem:v2+s2+$0x0], $0xffff  }
0x165: {  	v5 =	vld.idx.msk [tilespmem:v3+s21+$0x0], $0xffff  }
0x166: {  	v6 =	vld [tilespmem:s11+$0xFFFFF010]  }
0x167: {  	v7 =	vld [tilespmem:s11+$0x10];
	_ =	sdelay $0x2  }
0x168: {  	v9 =	vld [tilespmem:s11+$0xFFFFF020];
	v4 =	vadd.f32 v5, v4  }
0x169: {  	v8 =	vld [tilespmem:s11+$0x20]  }
0x16a: {  	v25 =	vld [tilespmem:s11+$0xFFFFF030];
	v5 =	vmul.f32 $2.000000030e-01, v4  }
0x16b: {  	v31 =	vld [tilespmem:s11+$0x30];
	vm1 =	vge.f32 v4, $0.0e+00  }
0x16c: {  	v59 =	vld.idx.msk [tilespmem:v6+s2+$0x0], $0xffff;
	v4 =	vsel vm1, v4, v5  }
0x16d: {  	v10 =	vld.idx.msk [tilespmem:v7+s21+$0x0], $0xffff;
	v4 =	vsub.f32 v4, v1  }
0x16e: {  	v18 =	vld [tilespmem:s11+$0xFFFFF040]  }
0x16f: {  	v19 =	vld [tilespmem:s11+$0x40];
	v4 =	vmul.f32 $1.442695020e+00, v4  }
0x170: {  	v61 =	vld.idx.msk [tilespmem:v9+s2+$0x0], $0xffff  }
0x171: {  	v62 =	vld.idx.msk [tilespmem:v8+s21+$0x0], $0xffff;
	(erf) = vpow2.f32 v4  }
0x172: {  	v44 =	vld [tilespmem:s11+$0x60];
	v60 =	vadd.f32 v10, v59  }
0x173: {  	v54 =	vld [tilespmem:s11+$0x70]  }
0x174: {  	v12 =	vld.idx.msk [tilespmem:v3+s24+$0x0], $0xffff;
	v11 =	vmul.f32 $2.000000030e-01, v60  }
0x175: {  	v24 =	vld.idx.msk [tilespmem:v7+s24+$0x0], $0xffff;
	vm1 =	vge.f32 v60, $0.0e+00  }
0x176: {  	v14 =	vld.idx.msk [tilespmem:v8+s24+$0x0], $0xffff;
	v5 =	vadd.f32 v62, v61;
	v4 =	vsel vm1, v60, v11  }
0x177: {  	v15 =	vld.idx.msk [tilespmem:v25+s2+$0x0], $0xffff;
	v4 =	vsub.f32 v4, v1  }
0x178: {  	v17 =	vld.idx.msk [tilespmem:v31+s21+$0x0], $0xffff;
	v22 =	vmul.f32 $2.000000030e-01, v5  }
0x179: {  	v36 =	vld.idx.msk [tilespmem:v18+s2+$0x0], $0xffff;
	vm1 =	vge.f32 v5, $0.0e+00;
	v4 =	vmul.f32 $1.442695020e+00, v4  }
0x17a: {  	v37 =	vld.idx.msk [tilespmem:v19+s21+$0x0], $0xffff;
	v23 =	vsel vm1, v5, v22;
	v63 =	vpop (erf)  }
0x17b: {  	v40 =	vld.idx.msk [tilespmem:v31+s24+$0x0], $0xffff;
	(erf) = vpow2.f32 v4;
	v4 =	vsub.f32 v23, v1;
	v21 =	vmul.f32 v63, v12  }
0x17c: {  	v47 =	vld.idx.msk [tilespmem:v19+s24+$0x0], $0xffff  }
0x17d: {  	v4 =	vmul.f32 $1.442695020e+00, v4;
	[tilespmem:v2+s4+$0x0] =	vst.idx.add.f32.msk $0xffff, v21  }
0x17e: {  	v11 =	vld.idx.msk [tilespmem:v3+s25+$0x0], $0xffff  }
0x17f: {  	v33 =	vadd.f32 v17, v15;
	v15 =	vld [tilespmem:s11+$0xA0];
	(erf) = vpow2.f32 v4  }
0x180: {  	v50 =	vld.idx.msk [tilespmem:v44+s21+$0x0], $0xffff  }
0x181: {  	v58 =	vld.idx.msk [tilespmem:v54+s21+$0x0], $0xffff  }
0x182: {  	v21 =	vld [tilespmem:s11+$0x50]  }
0x183: {  	v59 =	vld.idx.msk [tilespmem:v44+s24+$0x0], $0xffff;
	v30 =	vmul.f32 v63, v11  }
0x184: {  	v5 =	vld [tilespmem:s11+$0xFFFFF090]  }
0x185: {  	v13 =	vpop (erf);
	[tilespmem:v2+s29+$0x0] =	vst.idx.add.f32.msk $0xffff, v30  }
0x186: {  	v12 =	vmul.f32 v13, v24;
	v4 =	vld.idx.msk [tilespmem:v3+s26+$0x0], $0xffff  }
0x187: {  	v24 =	vld.idx.msk [tilespmem:v15+s21+$0x0], $0xffff  }
0x188: {  	[tilespmem:v6+s4+$0x0] =	vst.idx.add.f32.msk $0xffff, v12;
	v16 =	vpop (erf)  }
0x189: {  	v12 =	vld.idx.msk [tilespmem:v7+s25+$0x0], $0xffff;
	v14 =	vmul.f32 v16, v14  }
0x18a: {  	v42 =	vld.idx.msk [tilespmem:v21+s21+$0x0], $0xffff  }
0x18b: {  	[tilespmem:v9+s4+$0x0] =	vst.idx.add.f32.msk $0xffff, v14;
	v4 =	vmul.f32 v63, v4  }
0x18c: {  	v34 =	vmul.f32 $2.000000030e-01, v33;
	v14 =	vld.idx.msk [tilespmem:v8+s25+$0x0], $0xffff  }
0x18d: {  	vm1 =	vge.f32 v33, $0.0e+00;
	[tilespmem:v2+s1+$0x0] =	vst.idx.add.f32.msk $0xffff, v4  }
0x18e: {  	v32 =	vmul.f32 v13, v12;
	v4 =	vsel vm1, v33, v34;
	v3 =	vld.idx.msk [tilespmem:v3+s28+$0x0], $0xffff  }
0x18f: {  	v55 =	vld.idx.msk [tilespmem:v21+s24+$0x0], $0xffff;
	v4 =	vsub.f32 v4, v1  }
0x190: {  	[tilespmem:v6+s29+$0x0] =	vst.idx.add.f32.msk $0xffff, v32  }
0x191: {  	v35 =	vld.idx.msk [tilespmem:v7+s26+$0x0], $0xffff;
	v4 =	vmul.f32 $1.442695020e+00, v4  }
0x192: {  	v14 =	vmul.f32 v16, v14;
	v33 =	vld.idx.msk [tilespmem:v54+s24+$0x0], $0xffff  }
0x193: {  	(erf) = vpow2.f32 v4;
	v20 =	vmul.f32 v3, v63;
	v3 =	vld [tilespmem:s11+$0xFFFFF050]  }
0x194: {  	[tilespmem:v9+s29+$0x0] =	vst.idx.add.f32.msk $0xffff, v14  }
0x195: {  	v12 =	vadd.f32 v37, v36;
	v14 =	vld.idx.msk [tilespmem:v8+s26+$0x0], $0xffff  }
0x196: {  	v38 =	vmul.f32 v13, v35;
	[tilespmem:v2+s3+$0x0] =	vst.idx.add.f32.msk $0xffff, v20  }
0x197: {  	[tilespmem:v2+s5+$0x0] =	vst.idx.add.f32.msk vm0, v63;
	v2 =	vmul.f32 $2.000000030e-01, v12  }
0x198: {  	vm1 =	vge.f32 v12, $0.0e+00;
	[tilespmem:v6+s1+$0x0] =	vst.idx.add.f32.msk $0xffff, v38  }
0x199: {  	v4 =	vld [tilespmem:s11+$0xFFFFF060];
	v2 =	vsel vm1, v12, v2  }
0x19a: {  	v7 =	vld.idx.msk [tilespmem:v7+s28+$0x0], $0xffff;
	v2 =	vsub.f32 v2, v1  }
0x19b: {  	v39 =	vmul.f32 v16, v14;
	v41 =	vld.idx.msk [tilespmem:v3+s2+$0x0], $0xffff  }
0x19c: {  	v14 =	vld [tilespmem:s11+$0x80];
	v2 =	vmul.f32 $1.442695020e+00, v2;
	v43 =	vpop (erf)  }
0x19d: {  	[tilespmem:v9+s1+$0x0] =	vst.idx.add.f32.msk $0xffff, v39;
	v10 =	vmul.f32 v43, v40  }
0x19e: {  	(erf) = vpow2.f32 v2;
	v2 =	vld.idx.msk [tilespmem:v8+s28+$0x0], $0xffff  }
0x19f: {  	[tilespmem:v25+s4+$0x0] =	vst.idx.add.f32.msk $0xffff, v10  }
0x1a0: {  	v7 =	vmul.f32 v7, v13;
	v45 =	vld.idx.msk [tilespmem:v31+s25+$0x0], $0xffff;
	v46 =	vadd.f32 v42, v41  }
0x1a1: {  	v38 =	vld.idx.msk [tilespmem:v5+s2+$0x0], $0xffff  }
0x1a2: {  	[tilespmem:v6+s3+$0x0] =	vst.idx.add.f32.msk $0xffff, v7;
	v12 =	vmul.f32 $2.000000030e-01, v46  }
0x1a3: {  	v49 =	vld.idx.msk [tilespmem:v4+s2+$0x0], $0xffff;
	vm1 =	vge.f32 v46, $0.0e+00  }
0x1a4: {  	[tilespmem:v6+s5+$0x0] =	vst.idx.add.f32.msk vm0, v13;
	v2 =	vmul.f32 v2, v16;
	v48 =	vsel vm1, v46, v12  }
0x1a5: {  	v30 =	vld.idx.msk [tilespmem:v14+s21+$0x0], $0xffff;
	v8 =	vmul.f32 v43, v45;
	v6 =	vsub.f32 v48, v1  }
0x1a6: {  	[tilespmem:v9+s3+$0x0] =	vst.idx.add.f32.msk $0xffff, v2  }
0x1a7: {  	v51 =	vpop (erf);
	[tilespmem:v25+s29+$0x0] =	vst.idx.add.f32.msk $0xffff, v8;
	v6 =	vmul.f32 $1.442695020e+00, v6  }
0x1a8: {  	v2 =	vmul.f32 v51, v47;
	v52 =	vld.idx.msk [tilespmem:v31+s26+$0x0], $0xffff  }
0x1a9: {  	v37 =	vld.idx.msk [tilespmem:v14+s24+$0x0], $0xffff;
	(erf) = vpow2.f32 v6  }
0x1aa: {  	[tilespmem:v18+s4+$0x0] =	vst.idx.add.f32.msk $0xffff, v2  }
0x1ab: {  	v53 =	vadd.f32 v50, v49;
	v2 =	vld.idx.msk [tilespmem:v19+s25+$0x0], $0xffff  }
0x1ac: {  	v8 =	vld [tilespmem:s11+$0xFFFFF070]  }
0x1ad: {  	v10 =	vmul.f32 $2.000000030e-01, v53;
	v12 =	vld [tilespmem:s11+$0xFFFFF0C0];
	v7 =	vmul.f32 v43, v52  }
0x1ae: {  	vm1 =	vge.f32 v53, $0.0e+00;
	[tilespmem:v9+s5+$0x0] =	vst.idx.add.f32.msk vm0, v16  }
0x1af: {  	v6 =	vsel vm1, v53, v10;
	[tilespmem:v25+s1+$0x0] =	vst.idx.add.f32.msk $0xffff, v7  }
0x1b0: {  	v6 =	vsub.f32 v6, v1;
	v2 =	vmul.f32 v51, v2;
	v7 =	vld.idx.msk [tilespmem:v31+s28+$0x0], $0xffff  }
0x1b1: {  	v53 =	vld.idx.msk [tilespmem:v15+s24+$0x0], $0xffff  }
0x1b2: {  	[tilespmem:v18+s29+$0x0] =	vst.idx.add.f32.msk $0xffff, v2;
	v2 =	vmul.f32 $1.442695020e+00, v6;
	v57 =	vpop (erf)  }
0x1b3: {  	v56 =	vld.idx.msk [tilespmem:v19+s26+$0x0], $0xffff;
	v9 =	vmul.f32 v57, v55  }
0x1b4: {  	(erf) = vpow2.f32 v2;
	v2 =	vld.idx.msk [tilespmem:v8+s2+$0x0], $0xffff  }
0x1b5: {  	v7 =	vmul.f32 v7, v43;
	[tilespmem:v3+s4+$0x0] =	vst.idx.add.f32.msk $0xffff, v9  }
0x1b6: {  	v9 =	vld.idx.msk [tilespmem:v21+s25+$0x0], $0xffff  }
0x1b7: {  	[tilespmem:v25+s3+$0x0] =	vst.idx.add.f32.msk $0xffff, v7  }
0x1b8: {  	[tilespmem:v25+s5+$0x0] =	vst.idx.add.f32.msk vm0, v43  }
0x1b9: {  	v6 =	vmul.f32 v51, v56;
	v25 =	vld [tilespmem:s11+$0xB0];
	v11 =	vadd.f32 v58, v2  }
0x1ba: {  	v2 =	vld [tilespmem:s11+$0xFFFFF080]  }
0x1bb: {  	[tilespmem:v18+s1+$0x0] =	vst.idx.add.f32.msk $0xffff, v6;
	v61 =	vmul.f32 $2.000000030e-01, v11  }
0x1bc: {  	v62 =	vld.idx.msk [tilespmem:v19+s28+$0x0], $0xffff;
	vm1 =	vge.f32 v11, $0.0e+00;
	v60 =	vmul.f32 v57, v9  }
0x1bd: {  	v63 =	vpop (erf);
	v27 =	vsel vm1, v11, v61;
	v11 =	vld [tilespmem:s11+$0x90]  }
0x1be: {  	[tilespmem:v3+s29+$0x0] =	vst.idx.add.f32.msk $0xffff, v60;
	v26 =	vmul.f32 v63, v59;
	v7 =	vsub.f32 v27, v1  }
0x1bf: {  	v28 =	vld.idx.msk [tilespmem:v21+s26+$0x0], $0xffff  }
0x1c0: {  	[tilespmem:v4+s4+$0x0] =	vst.idx.add.f32.msk $0xffff, v26;
	v7 =	vmul.f32 $1.442695020e+00, v7  }
0x1c1: {  	v6 =	vld.idx.msk [tilespmem:v44+s25+$0x0], $0xffff  }
0x1c2: {  	v29 =	vld.idx.msk [tilespmem:v2+s2+$0x0], $0xffff;
	(erf) = vpow2.f32 v7  }
0x1c3: {  	v16 =	vmul.f32 v62, v51;
	v45 =	vld.idx.msk [tilespmem:v25+s21+$0x0], $0xffff  }
0x1c4: {  	v60 =	vld.idx.msk [tilespmem:v25+s24+$0x0], $0xffff  }
0x1c5: {  	[tilespmem:v18+s3+$0x0] =	vst.idx.add.f32.msk $0xffff, v16  }
0x1c6: {  	[tilespmem:v18+s5+$0x0] =	vst.idx.add.f32.msk vm0, v51  }
0x1c7: {  	v32 =	vmul.f32 v63, v6;
	v34 =	vadd.f32 v30, v29;
	v6 =	vld [tilespmem:s11+$0xFFFFF0A0]  }
0x1c8: {  	v31 =	vmul.f32 v57, v28;
	v22 =	vld.idx.msk [tilespmem:v11+s21+$0x0], $0xffff  }
0x1c9: {  	v51 =	vld.idx.msk [tilespmem:v11+s24+$0x0], $0xffff;
	v7 =	vmul.f32 $2.000000030e-01, v34  }
0x1ca: {  	[tilespmem:v3+s1+$0x0] =	vst.idx.add.f32.msk $0xffff, v31;
	vm1 =	vge.f32 v34, $0.0e+00  }
0x1cb: {  	v21 =	vld.idx.msk [tilespmem:v21+s28+$0x0], $0xffff;
	v7 =	vsel vm1, v34, v7;
	v35 =	vpop (erf)  }
0x1cc: {  	[tilespmem:v4+s29+$0x0] =	vst.idx.add.f32.msk $0xffff, v32;
	v7 =	vsub.f32 v7, v1;
	v9 =	vmul.f32 v35, v33  }
0x1cd: {  	v36 =	vld.idx.msk [tilespmem:v44+s26+$0x0], $0xffff  }
0x1ce: {  	v7 =	vmul.f32 $1.442695020e+00, v7;
	[tilespmem:v8+s4+$0x0] =	vst.idx.add.f32.msk $0xffff, v9  }
0x1cf: {  	v23 =	vld.idx.msk [tilespmem:v6+s2+$0x0], $0xffff  }
0x1d0: {  	v9 =	vld.idx.msk [tilespmem:v54+s25+$0x0], $0xffff;
	(erf) = vpow2.f32 v7  }
0x1d1: {  	v7 =	vld [tilespmem:s11+$0xFFFFF0B0]  }
0x1d2: {  	v32 =	vld.idx.msk [tilespmem:v12+s2+$0x0], $0xffff;
	v20 =	vadd.f32 v22, v38;
	v21 =	vmul.f32 v21, v57  }
0x1d3: {  	v33 =	vld [tilespmem:s11+$0xD0]  }
0x1d4: {  	v22 =	vmul.f32 $2.000000030e-01, v20;
	v16 =	vmul.f32 v63, v36;
	[tilespmem:v3+s3+$0x0] =	vst.idx.add.f32.msk $0xffff, v21  }
0x1d5: {  	vm1 =	vge.f32 v20, $0.0e+00;
	v36 =	vld [tilespmem:s11+$0xE0];
	v40 =	vadd.f32 v24, v23  }
0x1d6: {  	v20 =	vsel vm1, v20, v22;
	[tilespmem:v4+s1+$0x0] =	vst.idx.add.f32.msk $0xffff, v16;
	v9 =	vmul.f32 v35, v9  }
0x1d7: {  	v42 =	vsub.f32 v20, v1;
	v16 =	vld.idx.msk [tilespmem:v44+s28+$0x0], $0xffff;
	v43 =	vmul.f32 $2.000000030e-01, v40  }
0x1d8: {  	vm1 =	vge.f32 v40, $0.0e+00;
	[tilespmem:v8+s29+$0x0] =	vst.idx.add.f32.msk $0xffff, v9  }
0x1d9: {  	v9 =	vmul.f32 $1.442695020e+00, v42;
	v44 =	vld.idx.msk [tilespmem:v7+s2+$0x0], $0xffff;
	v18 =	vsel vm1, v40, v43;
	v17 =	vpop (erf)  }
0x1da: {  	v41 =	vld.idx.msk [tilespmem:v54+s26+$0x0], $0xffff;
	v18 =	vsub.f32 v18, v1;
	v39 =	vmul.f32 v17, v37  }
0x1db: {  	[tilespmem:v3+s5+$0x0] =	vst.idx.add.f32.msk vm0, v57;
	(erf) = vpow2.f32 v9  }
0x1dc: {  	v3 =	vmul.f32 $1.442695020e+00, v18;
	[tilespmem:v2+s4+$0x0] =	vst.idx.add.f32.msk $0xffff, v39  }
0x1dd: {  	v46 =	vld.idx.msk [tilespmem:v14+s25+$0x0], $0xffff  }
0x1de: {  	v38 =	vld [tilespmem:s11+$0xF0];
	(erf) = vpow2.f32 v3;
	v3 =	vadd.f32 v45, v44  }
0x1df: {  	v28 =	vld.idx.msk [tilespmem:v33+s21+$0x0], $0xffff;
	v47 =	vmul.f32 v35, v41  }
0x1e0: {  	v40 =	vld.idx.msk [tilespmem:v36+s21+$0x0], $0xffff;
	v52 =	vmul.f32 $2.000000030e-01, v3  }
0x1e1: {  	v48 =	vmul.f32 v16, v63;
	[tilespmem:v8+s1+$0x0] =	vst.idx.add.f32.msk $0xffff, v47;
	vm1 =	vge.f32 v3, $0.0e+00  }
0x1e2: {  	v49 =	vld.idx.msk [tilespmem:v54+s28+$0x0], $0xffff;
	v3 =	vsel vm1, v3, v52;
	v50 =	vmul.f32 v17, v46  }
0x1e3: {  	[tilespmem:v4+s3+$0x0] =	vst.idx.add.f32.msk $0xffff, v48;
	v3 =	vsub.f32 v3, v1  }
0x1e4: {  	v54 =	vpop (erf);
	[tilespmem:v2+s29+$0x0] =	vst.idx.add.f32.msk $0xffff, v50  }
0x1e5: {  	v55 =	vmul.f32 v54, v51;
	v3 =	vmul.f32 $1.442695020e+00, v3;
	v9 =	vld.idx.msk [tilespmem:v14+s26+$0x0], $0xffff  }
0x1e6: {  	v18 =	vld [tilespmem:s11+$0xFFFFF0D0]  }
0x1e7: {  	v10 =	vmul.f32 v49, v35;
	[tilespmem:v5+s4+$0x0] =	vst.idx.add.f32.msk $0xffff, v55;
	v57 =	vpop (erf);
	(erf) = vpow2.f32 v3  }
0x1e8: {  	v3 =	vld.idx.msk [tilespmem:v11+s25+$0x0], $0xffff;
	v58 =	vmul.f32 v57, v53  }
0x1e9: {  	[tilespmem:v8+s3+$0x0] =	vst.idx.add.f32.msk $0xffff, v10  }
0x1ea: {  	[tilespmem:v6+s4+$0x0] =	vst.idx.add.f32.msk $0xffff, v58;
	v56 =	vmul.f32 v17, v9  }
0x1eb: {  	v59 =	vld.idx.msk [tilespmem:v15+s25+$0x0], $0xffff  }
0x1ec: {  	[tilespmem:v2+s1+$0x0] =	vst.idx.add.f32.msk $0xffff, v56  }
0x1ed: {  	v61 =	vld.idx.msk [tilespmem:v14+s28+$0x0], $0xffff  }
0x1ee: {  	v3 =	vmul.f32 v54, v3;
	v14 =	vld [tilespmem:s11+$0xC0]  }
0x1ef: {  	[tilespmem:v8+s5+$0x0] =	vst.idx.add.f32.msk vm0, v35  }
0x1f0: {  	[tilespmem:v5+s29+$0x0] =	vst.idx.add.f32.msk $0xffff, v3;
	v3 =	vmul.f32 v57, v59;
	v62 =	vpop (erf)  }
0x1f1: {  	v35 =	vld [tilespmem:s11+$0xFFFFF0E0];
	v10 =	vmul.f32 v62, v60  }
0x1f2: {  	[tilespmem:v6+s29+$0x0] =	vst.idx.add.f32.msk $0xffff, v3  }
0x1f3: {  	[tilespmem:v7+s4+$0x0] =	vst.idx.add.f32.msk $0xffff, v10  }
0x1f4: {  	v3 =	vld.idx.msk [tilespmem:v25+s25+$0x0], $0xffff  }
0x1f5: {  	v37 =	vld [tilespmem:s11+$0xFFFFF0F0]  }
0x1f6: {  	v34 =	vld.idx.msk [tilespmem:v14+s21+$0x0], $0xffff  }
0x1f7: {  	[tilespmem:v4+s5+$0x0] =	vst.idx.add.f32.msk vm0, v63  }
0x1f8: {  	v27 =	vld.idx.msk [tilespmem:v18+s2+$0x0], $0xffff  }
0x1f9: {  	v63 =	vld.idx.msk [tilespmem:v11+s26+$0x0], $0xffff;
	v3 =	vmul.f32 v62, v3  }
0x1fa: {  	v26 =	vld.idx.msk [tilespmem:v15+s26+$0x0], $0xffff  }
0x1fb: {  	[tilespmem:v7+s29+$0x0] =	vst.idx.add.f32.msk $0xffff, v3;
	v3 =	vadd.f32 v34, v32  }
0x1fc: {  	v39 =	vld.idx.msk [tilespmem:v35+s2+$0x0], $0xffff  }
0x1fd: {  	v41 =	vld.idx.msk [tilespmem:v38+s21+$0x0], $0xffff;
	v29 =	vmul.f32 $2.000000030e-01, v3  }
0x1fe: {  	v30 =	vld.idx.msk [tilespmem:v37+s2+$0x0], $0xffff;
	v16 =	vmul.f32 v54, v63;
	vm1 =	vge.f32 v3, $0.0e+00  }
0x1ff: {  	v27 =	vadd.f32 v28, v27;
	v42 =	vld.idx.msk [tilespmem:v25+s26+$0x0], $0xffff;
	v3 =	vsel vm1, v3, v29  }
0x200: {  	[tilespmem:v5+s1+$0x0] =	vst.idx.add.f32.msk $0xffff, v16;
	v43 =	vmul.f32 v57, v26;
	v3 =	vsub.f32 v3, v1  }
0x201: {  	v44 =	vmul.f32 $2.000000030e-01, v27;
	v10 =	vadd.f32 v40, v39;
	v11 =	vld.idx.msk [tilespmem:v11+s28+$0x0], $0xffff  }
0x202: {  	v13 =	vmul.f32 v61, v17;
	[tilespmem:v6+s1+$0x0] =	vst.idx.add.f32.msk $0xffff, v43;
	v3 =	vmul.f32 $1.442695020e+00, v3  }
0x203: {  	v46 =	vadd.f32 v41, v30;
	v47 =	vmul.f32 $2.000000030e-01, v10;
	v15 =	vld.idx.msk [tilespmem:v15+s28+$0x0], $0xffff;
	vm1 =	vge.f32 v27, $0.0e+00  }
0x204: {  	[tilespmem:v2+s3+$0x0] =	vst.idx.add.f32.msk $0xffff, v13;
	v45 =	vsel vm1, v27, v44;
	(erf) = vpow2.f32 v3;
	v3 =	vmul.f32 v62, v42  }
0x205: {  	[tilespmem:v2+s5+$0x0] =	vst.idx.add.f32.msk vm0, v17;
	vm1 =	vge.f32 v10, $0.0e+00;
	v16 =	vsub.f32 v45, v1  }
0x206: {  	v49 =	vmul.f32 $2.000000030e-01, v46;
	v2 =	vsel vm1, v10, v47;
	[tilespmem:v7+s1+$0x0] =	vst.idx.add.f32.msk $0xffff, v3;
	v3 =	vmul.f32 v11, v54  }
0x207: {  	vm1 =	vge.f32 v46, $0.0e+00;
	v2 =	vsub.f32 v2, v1;
	v48 =	vmul.f32 $1.442695020e+00, v16  }
0x208: {  	v50 =	vsel vm1, v46, v49;
	[tilespmem:v5+s3+$0x0] =	vst.idx.add.f32.msk $0xffff, v3;
	v3 =	vmul.f32 v15, v57  }
0x209: {  	v10 =	vsub.f32 v50, v1;
	v2 =	vmul.f32 $1.442695020e+00, v2;
	(erf) = vpow2.f32 v48;
	v51 =	vld.idx.msk [tilespmem:v25+s28+$0x0], $0xffff  }
0x20a: {  	[tilespmem:v6+s3+$0x0] =	vst.idx.add.f32.msk $0xffff, v3  }
0x20b: {  	(erf) = vpow2.f32 v2;
	v2 =	vmul.f32 $1.442695020e+00, v10;
	v3 =	vld.idx.msk [tilespmem:v14+s24+$0x0], $0xffff  }
0x20c: {  	v56 =	vld.idx.msk [tilespmem:v38+s24+$0x0], $0xffff  }
0x20d: {  	(erf) = vpow2.f32 v2;
	v2 =	vld.idx.msk [tilespmem:v33+s24+$0x0], $0xffff  }
0x20e: {  	[tilespmem:v5+s5+$0x0] =	vst.idx.add.f32.msk vm0, v54  }
0x20f: {  	v54 =	vld.idx.msk [tilespmem:v36+s24+$0x0], $0xffff;
	v52 =	vmul.f32 v51, v62;
	v53 =	vpop (erf)  }
0x210: {  	[tilespmem:v6+s5+$0x0] =	vst.idx.add.f32.msk vm0, v57;
	v3 =	vmul.f32 v53, v3  }
0x211: {  	[tilespmem:v7+s3+$0x0] =	vst.idx.add.f32.msk $0xffff, v52  }
0x212: {  	v55 =	vpop (erf);
	[tilespmem:v7+s5+$0x0] =	vst.idx.add.f32.msk vm0, v62  }
0x213: {  	v2 =	vmul.f32 v55, v2;
	[tilespmem:v12+s4+$0x0] =	vst.idx.add.f32.msk $0xffff, v3  }
0x214: {  	v57 =	vld.idx.msk [tilespmem:v14+s25+$0x0], $0xffff;
	v3 =	vpop (erf)  }
0x215: {  	[tilespmem:v18+s4+$0x0] =	vst.idx.add.f32.msk $0xffff, v2;
	v2 =	vmul.f32 v3, v54  }
0x216: {  	v58 =	vld.idx.msk [tilespmem:v33+s25+$0x0], $0xffff;
	v59 =	vpop (erf)  }
0x217: {  	[tilespmem:v35+s4+$0x0] =	vst.idx.add.f32.msk $0xffff, v2;
	v2 =	vmul.f32 v59, v56  }
0x218: {  	v60 =	vld.idx.msk [tilespmem:v36+s25+$0x0], $0xffff  }
0x219: {  	v8 =	vmul.f32 v53, v57;
	[tilespmem:v37+s4+$0x0] =	vst.idx.add.f32.msk $0xffff, v2  }
0x21a: {  	v2 =	vld.idx.msk [tilespmem:v38+s25+$0x0], $0xffff  }
0x21b: {  	v5 =	vmul.f32 v55, v58;
	[tilespmem:v12+s29+$0x0] =	vst.idx.add.f32.msk $0xffff, v8  }
0x21c: {  	v8 =	vld.idx.msk [tilespmem:v14+s26+$0x0], $0xffff  }
0x21d: {  	[tilespmem:v18+s29+$0x0] =	vst.idx.add.f32.msk $0xffff, v5;
	v61 =	vmul.f32 v3, v60  }
0x21e: {  	v62 =	vld.idx.msk [tilespmem:v33+s26+$0x0], $0xffff  }
0x21f: {  	[tilespmem:v35+s29+$0x0] =	vst.idx.add.f32.msk $0xffff, v61;
	v2 =	vmul.f32 v59, v2  }
0x220: {  	v5 =	vld.idx.msk [tilespmem:v36+s26+$0x0], $0xffff  }
0x221: {  	v8 =	vmul.f32 v53, v8;
	[tilespmem:v37+s29+$0x0] =	vst.idx.add.f32.msk $0xffff, v2  }
0x222: {  	v2 =	vld.idx.msk [tilespmem:v38+s26+$0x0], $0xffff  }
0x223: {  	v7 =	vmul.f32 v55, v62;
	[tilespmem:v12+s1+$0x0] =	vst.idx.add.f32.msk $0xffff, v8  }
0x224: {  	v8 =	vld.idx.msk [tilespmem:v14+s28+$0x0], $0xffff  }
0x225: {  	[tilespmem:v18+s1+$0x0] =	vst.idx.add.f32.msk $0xffff, v7;
	v5 =	vmul.f32 v3, v5  }
0x226: {  	v7 =	vld.idx.msk [tilespmem:v33+s28+$0x0], $0xffff  }
0x227: {  	[tilespmem:v35+s1+$0x0] =	vst.idx.add.f32.msk $0xffff, v5;
	v2 =	vmul.f32 v59, v2  }
0x228: {  	v5 =	vld.idx.msk [tilespmem:v36+s28+$0x0], $0xffff  }
0x229: {  	[tilespmem:v37+s1+$0x0] =	vst.idx.add.f32.msk $0xffff, v2;
	v2 =	vmul.f32 v8, v53  }
0x22a: {  	v63 =	vld.idx.msk [tilespmem:v38+s28+$0x0], $0xffff  }
0x22b: {  	[tilespmem:v12+s3+$0x0] =	vst.idx.add.f32.msk $0xffff, v2;
	v2 =	vmul.f32 v7, v55  }
0x22c: {  	s10 =	sadd.s32 $0x10, s10;
	[tilespmem:v12+s5+$0x0] =	vst.idx.add.f32.msk vm0, v53  }
0x22d: {  	p1 =	slt.u32 s10, $0xF0;
	[tilespmem:v18+s3+$0x0] =	vst.idx.add.f32.msk $0xffff, v2;
	v2 =	vmul.f32 v5, v3  }
.Ltmp11:
0x22e: {  	[tilespmem:v18+s5+$0x0] =	vst.idx.add.f32.msk vm0, v55;
	(pc) =	sbr.rel @p1 .LBB2_25-.Ltmp11, $4  }
0x22f: {  	[tilespmem:v35+s3+$0x0] =	vst.idx.add.f32.msk $0xffff, v2;
	v2 =	vmul.f32 v63, v59  }
0x230: {  	[tilespmem:v35+s5+$0x0] =	vst.idx.add.f32.msk vm0, v3  }
0x231: {  	[tilespmem:v37+s3+$0x0] =	vst.idx.add.f32.msk $0xffff, v2  }
0x232: {  	s11 =	sadd.s32 $0x100, s11;
	[tilespmem:v37+s5+$0x0] =	vst.idx.add.f32.msk vm0, v59  }
0x233: {  	s8 =	sadd.s32 $0x1, s8  }
0x234: {  	p1 =	sne.s32 s8, $0x29  }
.Ltmp12:
0x235: {  	_ = 	snop;
	(pc) =	sbr.rel @p1 .LBB2_22-.Ltmp12, $3  }
0x236: {  	_ =	sdelay $0x1  }
0x237: {  	s9 =	sadd.s32 s9, s14  }
0x238: {  	[tilespmem:s31], [sflag:$0x2] =	stream.linear.gather [hbm4b:s9+s2], $0x2000, $0x38;
	[tilespmem:$0x1F300] =	vst v63  }
0x239: {  	_ =	swait.ge [sflag:s0], $0x2000  }
0x23a: {  	[sflag:s0] =	ssyncset.done $0x0  }
0x23b: {  	[sflag:s0] =	ssyncadd.s32 $0xFFFFE000  }
0x23c: {  	_ =	swait.ge [sflag:s6], $0x2000  }
0x23d: {  	[sflag:s6] =	ssyncset.done $0x0  }
0x23e: {  	[sflag:s6] =	ssyncadd.s32 $0xFFFFE000  }
0x23f: {  	[hbm4b:s15+s22] =	stream.strided.scatter [tilespmem:s4], [sflag:$0x3], $0x2780, s23, s22, $0x38;
	[tilespmem:$0x1F300] =	vst v63  }
0x240: {  	_ =	swait.ge [sflag:s20], $0x2780  }
0x241: {  	[sflag:s20] =	ssyncset.done $0x0  }
0x242: {  	[sflag:s20] =	ssyncadd.s32 $0xFFFFD880  }
0x243: {  	[hbm4b:s16+s22] =	stream.strided.scatter [tilespmem:s29], [sflag:$0x3], $0x2780, s23, s22, $0x38;
	[tilespmem:$0x1F300] =	vst v63  }
0x244: {  	_ =	swait.ge [sflag:s20], $0x2780  }
0x245: {  	[sflag:s20] =	ssyncset.done $0x0  }
0x246: {  	[sflag:s20] =	ssyncadd.s32 $0xFFFFD880  }
0x247: {  	[hbm4b:s17+s22] =	stream.strided.scatter [tilespmem:s1], [sflag:$0x3], $0x2780, s23, s22, $0x38;
	[tilespmem:$0x1F300] =	vst v63  }
0x248: {  	_ =	swait.ge [sflag:s20], $0x2780  }
0x249: {  	[sflag:s20] =	ssyncset.done $0x0  }
0x24a: {  	[sflag:s20] =	ssyncadd.s32 $0xFFFFD880  }
0x24b: {  	[hbm4b:s18+s22] =	stream.strided.scatter [tilespmem:s3], [sflag:$0x3], $0x2780, s23, s22, $0x38;
	[tilespmem:$0x1F300] =	vst v63  }
0x24c: {  	s8 =	simm.s32 @!p0 $0x0;
	_ =	swait.ge [sflag:s20], $0x2780  }
0x24d: {  	s9 =	simm.s32 @!p0 $0x18B00;
	s7 =	sadd.s32 $0x1, s7;
	[sflag:s20] =	ssyncset.done $0x0  }
0x24e: {  	p1 =	sne.s32 s7, s19;
	s10 =	rddreg [dreg:$0x6];
	[sflag:s20] =	ssyncadd.s32 $0xFFFFD880  }
0x24f: {  	[hbm4b:s10+s8] =	stream.linear.scatter @!p0 [tilespmem:s9], [sflag:$0x3], $0x2780, $0x38;
	[tilespmem:$0x1F300] =	vst v63  }
.Ltmp13:
0x250: {  	_ = 	snop;
	(pc) =	sbr.rel @p1 .LBB2_1-.Ltmp13, $4  }
0x251: {  	s8 =	simm.s32 @!p0 $0x3  }
0x252: {  	_ =	swait.ge @!p0 [sflag:s8], $0x2780  }
0x253: {  	[sflag:s8] =	ssyncset.done @!p0 $0x0  }
0x254: {  	[sflag:s8] =	ssyncadd.s32 @!p0 $0xFFFFD880  }
0x255: {  	_ =	sfence.sel $0x180000  }
0x256: {  	[bflag:$0x0] =	sbarrier.arrive $0xFFFF  }
0x257: {  	_ =	strace $0x9000004A  }
0x258: {  	s0 =	stileid.u32;
	[bflag:$0x2] =	sbarrier.arrive $0xFFFF  }
0x259: {  	p0 =	sne.s32 s0, $0x0;
	s0 =	rddreg [dreg:$0x2]  }
0x25a: {  	s0 =	sadd.s32 @!p0 $0x100000, s0  }
0x25b: {  	[sflag:s0] =	ssyncadd.tile.s32 @!p0 $0x1;
	_ =	shalt  }
.Lfunc_end2:
_tile_overlayer_lowered:
.L_overlay_start_2:
0x25c: {  	(tag) =	ssettag $0x2  }
0x25d: {  	s0 =	rddreg [dreg:$0x0];
	s2 =	stileid.u32  }
0x25e: {  	s1 =	rddreg [dreg:$0x1];
	p0 =	sne.s32 s2, $0x0  }
0x25f: {  	s3 =	rddreg [dreg:$0x2];
	[bflag:$0x3] =	sbarrier.arrive $0xFFFF;
	s2 =	simm.s32 @!p0 $0x1C03  }
0x260: {  	[timem:s3], [sflag:s2] =	dma.local @!p0 [hbm:s0], s1  }
0x261: {  	s0 =	simm.s32 @!p0 $0x3  }
0x262: {  	_ =	swait.ge @!p0 [sflag:s0], s1  }
0x263: {  	s1 =	ssub.s32 @!p0 $0x0, s1;
	[sflag:s0] =	ssyncset.done @!p0 $0x0  }
0x264: {  	[sflag:s0] =	ssyncadd.s32 @!p0 s1  }
0x265: {  	[bflag:$0x3] =	sbarrier.arrive $0xFFFF  }
0x266: {  	_ =	shalt  }

// kernel: kernel.7.cloned.1.call-start
scs
__scs_entry_jumppad:
0x0: {  	(pc) =	sbr.rel $0x88, $3  }
0x1: {  	(tag) =	ssettag $0x0;
	lr =	simm.s32 $0x1  }
0x2: {  	[smem:$0x3F99] =	sst lr;
	_ =	strace $0xD0000000  }
0x3: {  	_ = 	snop  }
0x4: {  	_ = 	snop  }
0x5: {  	_ = 	snop  }
0x6: {  	_ = 	snop  }
0x7: {  	_ = 	snop  }
__scs_overlays_trampoline_lowered:
0x8: {  	[smem:$0x3FA8] =	sst s0  }
0x9: {  	[smem:$0x3FA9] =	sst s1  }
0xa: {  	[smem:$0x3FAA] =	sst s2  }
0xb: {  	[smem:$0x3FAB] =	sst s3  }
0xc: {  	[smem:$0x3FAC] =	sst s4  }
0xd: {  	[smem:$0x3FAD] =	sst s5  }
0xe: {  	[smem:$0x3FAE] =	sst s6  }
0xf: {  	[smem:$0x3FAF] =	sst s7  }
0x10: {  	[smem:$0x3FB0] =	sst s8  }
0x11: {  	[smem:$0x3FB1] =	sst s9;
	s0 =	simm.s32 @!p0 $0x0  }
0x12: {  	s1 =	sld [smem:$0x3F97];
	s0 =	simm.s32 @p0 $0x1  }
0x13: {  	[smem:$0x3FB2] =	sst s0;
	s0 =	simm.s32 @!p1 $0x0  }
0x14: {  	s2 =	sld [smem:$0x3F96];
	s0 =	simm.s32 @p1 $0x1  }
0x15: {  	[smem:$0x3FB3] =	sst s0;
	s0 =	simm.s32 @!p2 $0x0  }
0x16: {  	s3 =	sld [smem:$0x3FDB];
	s0 =	simm.s32 @p2 $0x1  }
0x17: {  	s4 =	simm.s32 $0x1BF5;
	[smem:$0x3FB5] =	sst s0  }
0x18: {  	s0 =	sld [smem:$0x3F98];
	_ =	swait.ge [sflag:s4], $0x0  }
0x19: {  	s7 =	sld [smem:$0x3F99]  }
0x1a: {  	s8 =	sadd.s32 $0xFFFFE003, lr  }
0x1b: {  	s9 =	sadd.s32 $0xFFFFFEF7, lr;
	s5 =	simm.s32 $0xFFFFFFFF;
	p2 =	slt.u32 s8, $0xFFFFF086  }
0x1c: {  	p1 =	slt.u32 s9, $0xF7A;
	s5 =	simm.s32 @!p2 $0x0  }
0x1d: {  	s5 =	simm.s32 @p1 $0x1;
	p0 =	seq.s32 s7, s2  }
0x1e: {  	s7 =	smul.u32 @!p0 $0xF7A, s2;
	p2 =	seq.s32 @!p0 s5, $0x0  }
0x1f: {  	s9 =	smul.u32 $0xF7A, s1;
	s8 =	simm.s32 @!p0 $0x1BF5;
	p2 =	por !p2, p0  }
0x20: {  	[sflag:s8] =	ssyncset.s32 @!p0 $0xFFFFF086;
	s6 =	sadd.s32 @!p0 s3, s7;
	s7 =	simm.s32 @!p0 $0x108  }
0x21: {  	s3 =	sadd.s32 s3, s9;
	s6 =	sadd.s32 @!p0 $0x88, s6;
	s7 =	simm.s32 @p2 $0x1082  }
0x22: {  	[simem:s7], [sflag:s8] =	dma.local @!p0 [hbm:s6], $0xF7A  }
0x23: {  	s9 =	sor.u32 $0xD0000000, s2;
	s6 =	simm.s32 $0x108;
	_ =	swait.ge @!p0 [sflag:s8], $0x0  }
0x24: {  	s3 =	sadd.s32 $0x88, s3;
	s6 =	simm.s32 @!p1 $0x1082;
	[sflag:s4] =	ssyncset.s32 $0xFFFFF086  }
0x25: {  	[simem:s6], [sflag:s4] =	dma.local [hbm:s3], $0xF7A  }
0x26: {  	[smem:$0x3F99] =	sst s1;
	(tag) =	ssettag s2;
	_ =	strace s9  }
0x27: {  	s1 =	sld [smem:$0x3FA9]  }
0x28: {  	s2 =	sld [smem:$0x3FAA]  }
0x29: {  	s4 =	sld [smem:$0x3FAC]  }
0x2a: {  	p0 =	seq.s32 s5, $0x0;
	s5 =	sld [smem:$0x3FAD]  }
0x2b: {  	s6 =	sld [smem:$0x3FAE]  }
0x2c: {  	s7 =	sld [smem:$0x3FAF]  }
0x2d: {  	s3 =	simm.s32 $0x108;
	s8 =	sld [smem:$0x3FB0]  }
0x2e: {  	s3 =	simm.s32 @!p0 $0x1082;
	s9 =	sld [smem:$0x3FB1]  }
0x2f: {  	lr =	sadd.s32 s0, s3;
	s0 =	sld [smem:$0x3FA8]  }
0x30: {  	s3 =	sld [smem:$0x3FAB]  }
0x31: {  	[smem:$0x3FB4] =	sst s10  }
0x32: {  	s10 =	sld [smem:$0x3FB2];
	_ =	sdelay $0x3  }
0x33: {  	p0 =	seq.s32 s10, $0x1;
	s10 =	sld [smem:$0x3FB4];
	_ =	sdelay $0x3  }
0x34: {  	[smem:$0x3FB4] =	sst s10  }
0x35: {  	s10 =	sld [smem:$0x3FB3];
	_ =	sdelay $0x3  }
0x36: {  	p1 =	seq.s32 s10, $0x1;
	s10 =	sld [smem:$0x3FB4];
	_ =	sdelay $0x3  }
0x37: {  	[smem:$0x3FB4] =	sst s10  }
0x38: {  	s10 =	sld [smem:$0x3FB5]  }
0x39: {  	_ = 	snop;
	(pc) =	sbr.ind lr, $3  }
0x3a: {  	_ = 	snop  }
0x3b: {  	_ = 	snop  }
0x3c: {  	p2 =	seq.s32 s10, $0x1;
	s10 =	sld [smem:$0x3FB4]  }
0x3d: {  	_ =	shalt  }
0x3e: {  	_ =	shalt  }
0x3f: {  	_ =	shalt  }
0x40: {  	_ =	shalt  }
0x41: {  	_ =	shalt  }
0x42: {  	_ =	shalt  }
0x43: {  	_ =	shalt  }
0x44: {  	_ =	shalt  }
0x45: {  	_ =	shalt  }
0x46: {  	_ =	shalt  }
0x47: {  	_ =	shalt  }
0x48: {  	_ =	shalt  }
0x49: {  	_ =	shalt  }
0x4a: {  	_ =	shalt  }
0x4b: {  	_ =	shalt  }
0x4c: {  	_ =	shalt  }
0x4d: {  	_ =	shalt  }
0x4e: {  	_ =	shalt  }
0x4f: {  	_ =	shalt  }
0x50: {  	_ =	shalt  }
0x51: {  	_ =	shalt  }
0x52: {  	_ =	shalt  }
0x53: {  	_ =	shalt  }
0x54: {  	_ =	shalt  }
0x55: {  	_ =	shalt  }
0x56: {  	_ =	shalt  }
0x57: {  	_ =	shalt  }
0x58: {  	_ =	shalt  }
0x59: {  	_ =	shalt  }
0x5a: {  	_ =	shalt  }
0x5b: {  	_ =	shalt  }
0x5c: {  	_ =	shalt  }
0x5d: {  	_ =	shalt  }
0x5e: {  	_ =	shalt  }
0x5f: {  	_ =	shalt  }
0x60: {  	_ =	shalt  }
0x61: {  	_ =	shalt  }
0x62: {  	_ =	shalt  }
0x63: {  	_ =	shalt  }
0x64: {  	_ =	shalt  }
0x65: {  	_ =	shalt  }
0x66: {  	_ =	shalt  }
0x67: {  	_ =	shalt  }
0x68: {  	_ =	shalt  }
0x69: {  	_ =	shalt  }
0x6a: {  	_ =	shalt  }
0x6b: {  	_ =	shalt  }
0x6c: {  	_ =	shalt  }
0x6d: {  	_ =	shalt  }
0x6e: {  	_ =	shalt  }
0x6f: {  	_ =	shalt  }
0x70: {  	_ =	shalt  }
0x71: {  	_ =	shalt  }
0x72: {  	_ =	shalt  }
0x73: {  	_ =	shalt  }
0x74: {  	_ =	shalt  }
0x75: {  	_ =	shalt  }
0x76: {  	_ =	shalt  }
0x77: {  	_ =	shalt  }
0x78: {  	_ =	shalt  }
0x79: {  	_ =	shalt  }
0x7a: {  	_ =	shalt  }
0x7b: {  	_ =	shalt  }
0x7c: {  	_ =	shalt  }
0x7d: {  	_ =	shalt  }
0x7e: {  	_ =	shalt  }
0x7f: {  	_ =	shalt  }
0x80: {  	_ =	shalt  }
0x81: {  	_ =	shalt  }
0x82: {  	_ =	shalt  }
0x83: {  	_ =	shalt  }
0x84: {  	_ =	shalt  }
0x85: {  	_ =	shalt  }
0x86: {  	_ =	shalt  }
0x87: {  	_ =	shalt  }
.Lfunc_end0:
.L_simem_size_0:
called_computation_lowered:
.L_overlay_start_0:
0x88: {  	s2 =	sld [smem:$0x3FD9]  }
0x89: {  	s3 =	sld [smem:$0x3FFE];
	_ =	sdelay $0x1  }
0x8a: {  	s1 =	srdreg.scid  }
0x8b: {  	s0 =	sand.u32 $0x1, s1  }
0x8c: {  	s17 =	sshll.u32 s0, $0xA;
	s2 =	sadd.s32 s3, s2  }
0x8d: {  	s2 =	sadd.s32 s2, s17  }
0x8e: {  	[smem:$0x3FC0] =	sst s2  }
0x8f: {  	_ = 	snop  }
0x90: {  	s2 =	sld [smem:$0x3FD0];
	(tm) =	ssettm $0x1  }
0x91: {  	s18 =	sld [smem:$0x3FFB];
	_ =	sdelay $0x3  }
0x92: {  	_ =	strace s18  }
0x93: {  	s3 =	sld [smem:$0x3FFC];
	_ =	sdelay $0x3  }
0x94: {  	_ =	strace s3  }
0x95: {  	s3 =	sld [smem:$0x3FFD];
	_ =	sdelay $0x3  }
0x96: {  	_ =	strace s3  }
0x97: {  	_ =	strace $0x8FFFFFFF  }
0x98: {  	s19 =	sld [smem:$0x3FDB];
	_ =	sdelay $0x1  }
0x99: {  	s4 =	simm.s32 $_scs_section_size  }
0x9a: {  	s5 =	simm.s32 $_size__tile_overlayer_lowered;
	s6 =	simm.s32 $_tile_overlayer_lowered  }
0x9b: {  	s22 =	simm.s32 $0x1BFF;
	s21 =	sshll.u32 s6, $0x1;
	s3 =	sadd.s32 s4, s19  }
0x9c: {  	s7 =	simm.s32 $0x0;
	s20 =	sshll.u32 s5, $0x1;
	s5 =	sadd.s32 s21, s3  }
0x9d: {  	[timem:s7], [sflag:s22] =	dma.local [hbm:s5], s20  }
0x9e: {  	_ =	swait.ge [sflag:s22], s20  }
0x9f: {  	s4 =	ssub.s32 $0x0, s20;
	[sflag:s22] =	ssyncset.done $0x0  }
0xa0: {  	[sflag:s22] =	ssyncadd.s32 s4;
	_ =	sdelay $0x1  }
0xa1: {  	s23 =	simm.s32 $0x1B8B  }
0xa2: {  	_ =	swait.ge [sflag:s23], $0x1  }
0xa3: {  	[sflag:s23] =	ssyncset.done $0x0  }
0xa4: {  	s25 =	simm.s32 $0x1B8E;
	s24 =	sld [smem:$0x3FFE];
	[sflag:s23] =	ssyncadd.s32 $0xFFFFFFFF  }
0xa5: {  	s26 =	simm.s32 $execute0_lowered;
	[smem:$0x3FD2] =	sst s25  }
0xa6: {  	s5 =	sshll.u32 s26, $0x1;
	_ =	strace $0x80000046;
	[dreg:$0x1] =	wrdreg $0xFFFFFFFF  }
0xa7: {  	s28 =	simm.s32 $_size_execute0_lowered;
	s3 =	sadd.s32 s3, s5;
	[dreg:$0x0] =	wrdreg $0x0  }
0xa8: {  	s5 =	sshll.u32 s28, $0x1;
	[dreg:$0x2] =	wrdreg s3  }
0xa9: {  	[dreg:$0x3] =	wrdreg s5  }
0xaa: {  	[dreg:$0x4] =	wrdreg $0xC0  }
0xab: {  	_ =	task [dreg:s7], $0x5FFFF  }
0xac: {  	[dreg:$0x1] =	wrdreg $0xFFFFFFFF  }
0xad: {  	[dreg:$0x0] =	wrdreg $0x60  }
0xae: {  	[dreg:$0x2] =	wrdreg s2  }
0xaf: {  	[dreg:$0x3] =	wrdreg s24  }
0xb0: {  	[dreg:$0x4] =	wrdreg $0x9  }
0xb1: {  	_ =	task.clear_ibuf [dreg:s7], $0x5FFFF;
	_ =	strace $0x90000046  }
0xb2: {  	s29 =	simm.s32 $0x9;
	_ =	strace $0x80000048  }
0xb3: {  	_ =	swait.ge [sflag:s29], $0x1  }
0xb4: {  	[sflag:s29] =	ssyncadd.s32 $0xFFFFFFFF  }
0xb5: {  	_ =	strace $0x90000048  }
0xb6: {  	_ =	sfence  }
0xb7: {  	s30 =	sld [smem:$0x0];
	_ =	sdelay $0x2  }
0xb8: {  	s31 =	sshll.u32 s1, $0xD;
	s1 =	sshrl.u32 s1, $0x2  }
0xb9: {  	s3 =	sand.u32 $0x4000, s31;
	s1 =	sadd.s32 s1, s30  }
0xba: {  	s0 =	sor.u32 s3, s0;
	s1 =	sshll.u32 s1, $0x11  }
0xbb: {  	s0 =	sor.u32 s1, s0  }
0xbc: {  	s0 =	sadd.s32 $0x8F2B, s0  }
0xbd: {  	[sflag:s0] =	ssyncadd.remote.s32 $0x1  }
0xbe: {  	_ =	sfence.sel $0xFFFF  }
0xbf: {  	[dreg:$0x0] =	wrdreg $0xFFFFFFFF;
	(pc) =	sbr.abs _section_cstart, $3  }
0xc0: {  	[dreg:$0x1] =	wrdreg $0xFFFFFFFF  }
0xc1: {  	_ =	task.clear_ibuf [dreg:s7], $0x2FFFF;
	_ =	strace $0x9FFFFFFF  }
0xc2: {  	(tm) =	ssettm $0x7FFFFFFF  }
0xc3: {  	_ =	shalt  }
tec
execute0_lowered:
.L_overlay_start_1:
0x0: {  	(tag) =	ssettag $0x1  }
0x1: {  	s10 =	rddreg [dreg:$0x0]  }
0x2: {  	s0 =	rddreg [dreg:$0x1];
	s3 =	simm.s32 $0x0;
	s7 =	stileid.u32  }
0x3: {  	s4 =	srdreg.scid;
	s28 =	simm.s32 $0x9E00;
	s29 =	simm.s32 $0xC580  }
0x4: {  	s31 =	simm.s32 $0x1B280;
	s30 =	simm.s32 $0xED00;
	[smem:$0x7FF] =	sst s3  }
0x5: {  	s1 =	sshll.u32 s7, $0x2;
	s2 =	sadd.s32 $0x4000, s0;
	s5 =	sadd.s32 $0x2BA00, s0  }
0x6: {  	s15 =	sand.u32 $0x1, s4;
	s6 =	sshll.u32 s7, $0x1;
	s7 =	smul.u32 $0x13C00, s7  }
0x7: {  	s26 =	sadd.s32 $0x400, s10;
	s12 =	sadd.s32 $0x800, s10;
	s13 =	sadd.s32 $0xC00, s10  }
0x8: {  	_ =	strace $0x80000047;
	s1 =	sand.u32 $0x30, s1;
	s4 =	ssub.s32 $0x2, s15  }
0x9: {  	s6 =	sand.u32 $0x6, s6;
	s9 =	sshll.u32 s15, $0x9;
	[dreg:$0xa] =	wrdreg s26  }
0xa: {  	s26 =	simm.s32 $0x7680;
	s0 =	sadd.s32 s1, s0;
	s8 =	sshrl.u32 s4, $0x1  }
0xb: {  	s1 =	sor.u32 s15, s6;
	s16 =	sor.u32 s9, s7;
	s7 =	simm.s32 $0x0  }
0xc: {  	s4 =	ssub.s32 s4, s8;
	s17 =	sadd.s32 $0x2C00, s0;
	s18 =	sadd.s32 $0x1800, s0  }
0xd: {  	s6 =	sshrl.u32 s16, $0x3;
	s25 =	sadd.s32 $0x2B800, s0;
	p1 =	seq.s32 s1, $0x0  }
0xe: {  	p0 =	sne.s32 s1, $0x0;
	s1 =	simm.s32 $0x11480;
	[dreg:$0x3] =	wrdreg s17  }
0xf: {  	[dreg:$0x4] =	wrdreg s18;
	s19 =	sadd.s32 s2, s6;
	s20 =	sor.u32 $0x10, s6  }
0x10: {  	s21 =	sor.u32 $0x20, s6;
	s24 =	sor.u32 $0x30, s6;
	[dreg:$0x9] =	wrdreg s25  }
0x11: {  	s14 =	sadd.s32 s5, s6;
	s18 =	sadd.s32 $0x53200, s0;
	s25 =	simm.s32 $0x4F00  }
0x12: {  	s0 =	simm.s32 $0x1D280;
	s6 =	simm.s32 $0x18B00;
	[dreg:$0x5] =	wrdreg s19  }
0x13: {  	s22 =	sadd.s32 s2, s20;
	s23 =	sadd.s32 s2, s21;
	s2 =	sadd.s32 s2, s24  }
0x14: {  	s15 =	sadd.s32 s5, s20;
	s16 =	sadd.s32 s5, s21;
	s17 =	sadd.s32 s5, s24  }
0x15: {  	s19 =	smax.u32 s4, $0x1;
	s20 =	simm.s32 $0x80;
	[dreg:$0x6] =	wrdreg s22  }
0x16: {  	s24 =	simm.s32 $0x400;
	s4 =	simm.s32 $0x13C00;
	[dreg:$0x7] =	wrdreg s23  }
0x17: {  	vm0 =	vmxor vm0, vm0;
	s5 =	simm.s32 $0x16380;
	s21 =	simm.s32 $0x2;
	[dreg:$0x8] =	wrdreg s2  }
0x18: {  	v0 =	vimm.f32 $0.0e+00;
	vm0 =	vmneg @p1 vm0;
	s22 =	simm.s32 $0x3;
	s23 =	simm.s32 $0x2780;
	s2 =	simm.s32 $0x1  }
.LBB2_1:
0x19: {  	s8 =	rddreg [dreg:$0x3];
	s9 =	simm.s32 $0x200  }
0x1a: {  	[tilespmem:s3], [sflag:$0x3] =	stream.strided.gather [hbm4b:s8+s20], $0x2780, s9, s20, $0x38;
	[tilespmem:$0x1F300] =	vst v63  }
0x1b: {  	_ =	swait.ge [sflag:s22], $0x2780  }
0x1c: {  	[sflag:s22] =	ssyncset.done $0x0  }
0x1d: {  	s11 =	rddreg [dreg:$0x4];
	[sflag:s22] =	ssyncadd.s32 $0xFFFFD880  }
0x1e: {  	[tilespmem:s23], [sflag:$0x3] =	stream.strided.gather [hbm4b:s11+s20], $0x2780, s9, s20, $0x38;
	[tilespmem:$0x1F300] =	vst v63  }
0x1f: {  	_ =	swait.ge [sflag:s22], $0x2780  }
0x20: {  	[sflag:s22] =	ssyncset.done $0x0  }
0x21: {  	s9 =	rddreg [dreg:$0x5];
	[sflag:s22] =	ssyncadd.s32 $0xFFFFD880  }
0x22: {  	[tilespmem:s25], [sflag:$0x3] =	stream.strided.gather [hbm4b:s9+s20], $0x2780, s24, s20, $0x38;
	[tilespmem:$0x1F300] =	vst v63  }
0x23: {  	_ =	swait.ge [sflag:s22], $0x2780  }
0x24: {  	[sflag:s22] =	ssyncset.done $0x0  }
0x25: {  	s10 =	rddreg [dreg:$0x6];
	[sflag:s22] =	ssyncadd.s32 $0xFFFFD880  }
0x26: {  	[tilespmem:s26], [sflag:$0x3] =	stream.strided.gather [hbm4b:s10+s20], $0x2780, s24, s20, $0x38;
	[tilespmem:$0x1F300] =	vst v63  }
0x27: {  	_ =	swait.ge [sflag:s22], $0x2780  }
0x28: {  	[sflag:s22] =	ssyncset.done $0x0  }
0x29: {  	s11 =	rddreg [dreg:$0x7];
	[sflag:s22] =	ssyncadd.s32 $0xFFFFD880  }
0x2a: {  	[tilespmem:s28], [sflag:$0x3] =	stream.strided.gather [hbm4b:s11+s20], $0x2780, s24, s20, $0x38;
	[tilespmem:$0x1F300] =	vst v63  }
0x2b: {  	_ =	swait.ge [sflag:s22], $0x2780  }
0x2c: {  	[sflag:s22] =	ssyncset.done $0x0  }
0x2d: {  	s9 =	rddreg [dreg:$0x8];
	[sflag:s22] =	ssyncadd.s32 $0xFFFFD880  }
0x2e: {  	[tilespmem:s29], [sflag:$0x3] =	stream.strided.gather [hbm4b:s9+s20], $0x2780, s24, s20, $0x38;
	[tilespmem:$0x1F300] =	vst v63  }
0x2f: {  	_ =	swait.ge [sflag:s22], $0x2780  }
0x30: {  	[sflag:s22] =	ssyncset.done $0x0  }
0x31: {  	s11 =	simm.s32 $0x1F280;
	s10 =	rddreg [dreg:$0x9];
	[sflag:s22] =	ssyncadd.s32 $0xFFFFD880  }
0x32: {  	[tilespmem:s11], [sflag:$0x3] =	stream.linear.gather [hbm4b:s10+s3], $0x80, $0x38;
	[tilespmem:$0x1F300] =	vst v63  }
0x33: {  	_ =	swait.ge [sflag:s22], $0x80  }
0x34: {  	[sflag:s22] =	ssyncset.done $0x0  }
0x35: {  	s8 =	simm.s32 $0xED20;
	[sflag:s22] =	ssyncadd.s32 $0xFFFFFF80  }
0x36: {  	v1 =	vld [tilespmem:$0x1F280];
	[tilespmem:s8+$0xFFFFFFE0] =	vst v0  }
0x37: {  	[tilespmem:s8+$0x10] =	vst v0  }
0x38: {  	s9 =	simm.s32 $0x0;
	[tilespmem:s8+$0x0] =	vst v0  }
.LBB2_2:
0x39: {  	s9 =	sadd.s32 $0x4, s9  }
0x3a: {  	[tilespmem:s8+$0xFFFFFFF0] =	vst v0;
	s8 =	sadd.s32 $0x40, s8;
	p1 =	slt.u32 s9, $0x26C  }
.Ltmp0:
0x3b: {  	[tilespmem:s8+$0xFFFFFFE0] =	vst v0;
	(pc) =	sbr.rel @p1 .LBB2_2-.Ltmp0, $3  }
0x3c: {  	_ =	sdelay $0x1  }
0x3d: {  	[tilespmem:s8+$0x10] =	vst v0  }
0x3e: {  	[tilespmem:s8+$0x0] =	vst v0  }
0x3f: {  	[tilespmem:s8+$0xFFFFFFF0] =	vst v0;
	s8 =	simm.s32 $0x0  }
.LBB2_4:
0x40: {  	p1 =	sne.s32 s8, $0x40  }
.Ltmp1:
0x41: {  	_ = 	snop;
	(pc) =	sbr.rel @p1 .LBB2_4-.Ltmp1, $3  }
0x42: {  	_ =	sdelay $0x1  }
0x43: {  	s9 =	sshra.s32 s8, $0x2  }
0x44: {  	s8 =	sadd.s32 $0x40, s8;
	[tilespmem:s9+$0x11400] =	vst v0  }
0x45: {  	s8 =	simm.s32 $0x114A0  }
0x46: {  	[tilespmem:s8+$0xFFFFFFE0] =	vst v0  }
0x47: {  	[tilespmem:s8+$0x10] =	vst v0  }
0x48: {  	s9 =	simm.s32 $0x0;
	[tilespmem:s8+$0x0] =	vst v0  }
.LBB2_6:
0x49: {  	s9 =	sadd.s32 $0x4, s9  }
0x4a: {  	[tilespmem:s8+$0xFFFFFFF0] =	vst v0;
	s8 =	sadd.s32 $0x40, s8;
	p1 =	slt.u32 s9, $0x26C  }
.Ltmp2:
0x4b: {  	[tilespmem:s8+$0xFFFFFFE0] =	vst v0;
	(pc) =	sbr.rel @p1 .LBB2_6-.Ltmp2, $3  }
0x4c: {  	_ =	sdelay $0x1  }
0x4d: {  	[tilespmem:s8+$0x10] =	vst v0  }
0x4e: {  	[tilespmem:s8+$0x0] =	vst v0  }
0x4f: {  	[tilespmem:s8+$0xFFFFFFF0] =	vst v0;
	s8 =	simm.s32 $0x0  }
.LBB2_8:
0x50: {  	p1 =	sne.s32 s8, $0x40  }
.Ltmp3:
0x51: {  	_ = 	snop;
	(pc) =	sbr.rel @p1 .LBB2_8-.Ltmp3, $3  }
0x52: {  	_ =	sdelay $0x1  }
0x53: {  	s9 =	sshra.s32 s8, $0x2  }
0x54: {  	s8 =	sadd.s32 $0x40, s8;
	[tilespmem:s9+$0x13B80] =	vst v0  }
0x55: {  	s8 =	simm.s32 $0x13C20  }
0x56: {  	[tilespmem:s8+$0xFFFFFFE0] =	vst v0  }
0x57: {  	[tilespmem:s8+$0x10] =	vst v0  }
0x58: {  	s9 =	simm.s32 $0x0;
	[tilespmem:s8+$0x0] =	vst v0  }
.LBB2_10:
0x59: {  	s9 =	sadd.s32 $0x4, s9  }
0x5a: {  	[tilespmem:s8+$0xFFFFFFF0] =	vst v0;
	s8 =	sadd.s32 $0x40, s8;
	p1 =	slt.u32 s9, $0x26C  }
.Ltmp4:
0x5b: {  	[tilespmem:s8+$0xFFFFFFE0] =	vst v0;
	(pc) =	sbr.rel @p1 .LBB2_10-.Ltmp4, $3  }
0x5c: {  	_ =	sdelay $0x1  }
0x5d: {  	[tilespmem:s8+$0x10] =	vst v0  }
0x5e: {  	[tilespmem:s8+$0x0] =	vst v0  }
0x5f: {  	[tilespmem:s8+$0xFFFFFFF0] =	vst v0;
	s8 =	simm.s32 $0x0  }
.LBB2_12:
0x60: {  	p1 =	sne.s32 s8, $0x40  }
.Ltmp5:
0x61: {  	_ = 	snop;
	(pc) =	sbr.rel @p1 .LBB2_12-.Ltmp5, $3  }
0x62: {  	_ =	sdelay $0x1  }
0x63: {  	s9 =	sshra.s32 s8, $0x2  }
0x64: {  	s8 =	sadd.s32 $0x40, s8;
	[tilespmem:s9+$0x16300] =	vst v0  }
0x65: {  	s8 =	simm.s32 $0x163A0  }
0x66: {  	[tilespmem:s8+$0xFFFFFFE0] =	vst v0  }
0x67: {  	[tilespmem:s8+$0x10] =	vst v0  }
0x68: {  	s9 =	simm.s32 $0x0;
	[tilespmem:s8+$0x0] =	vst v0  }
.LBB2_14:
0x69: {  	s9 =	sadd.s32 $0x4, s9  }
0x6a: {  	[tilespmem:s8+$0xFFFFFFF0] =	vst v0;
	s8 =	sadd.s32 $0x40, s8;
	p1 =	slt.u32 s9, $0x26C  }
.Ltmp6:
0x6b: {  	[tilespmem:s8+$0xFFFFFFE0] =	vst v0;
	(pc) =	sbr.rel @p1 .LBB2_14-.Ltmp6, $3  }
0x6c: {  	_ =	sdelay $0x1  }
0x6d: {  	[tilespmem:s8+$0x10] =	vst v0  }
0x6e: {  	[tilespmem:s8+$0x0] =	vst v0  }
0x6f: {  	[tilespmem:s8+$0xFFFFFFF0] =	vst v0;
	s8 =	simm.s32 $0x0  }
.LBB2_16:
0x70: {  	p1 =	sne.s32 s8, $0x40  }
.Ltmp7:
0x71: {  	_ = 	snop;
	(pc) =	sbr.rel @p1 .LBB2_16-.Ltmp7, $3  }
0x72: {  	_ =	sdelay $0x1  }
0x73: {  	s9 =	sshra.s32 s8, $0x2  }
0x74: {  	s8 =	sadd.s32 $0x40, s8;
	[tilespmem:s9+$0x18A80] =	vst v0  }
0x75: {  	s8 =	simm.s32 $0x18B20  }
0x76: {  	[tilespmem:s8+$0xFFFFFFE0] =	vst v0  }
0x77: {  	[tilespmem:s8+$0x10] =	vst v0  }
0x78: {  	s9 =	simm.s32 $0x0;
	[tilespmem:s8+$0x0] =	vst v0  }
.LBB2_18:
0x79: {  	s9 =	sadd.s32 $0x4, s9  }
0x7a: {  	[tilespmem:s8+$0xFFFFFFF0] =	vst v0;
	s8 =	sadd.s32 $0x40, s8;
	p1 =	slt.u32 s9, $0x26C  }
.Ltmp8:
0x7b: {  	[tilespmem:s8+$0xFFFFFFE0] =	vst v0;
	(pc) =	sbr.rel @p1 .LBB2_18-.Ltmp8, $3  }
0x7c: {  	_ =	sdelay $0x1  }
0x7d: {  	[tilespmem:s8+$0x10] =	vst v0  }
0x7e: {  	[tilespmem:s8+$0x0] =	vst v0  }
0x7f: {  	[tilespmem:s8+$0xFFFFFFF0] =	vst v0;
	s8 =	simm.s32 $0x0  }
.LBB2_20:
0x80: {  	p1 =	sne.s32 s8, $0x40  }
.Ltmp9:
0x81: {  	_ = 	snop;
	(pc) =	sbr.rel @p1 .LBB2_20-.Ltmp9, $3  }
0x82: {  	_ =	sdelay $0x1  }
0x83: {  	s9 =	sshra.s32 s8, $0x2  }
0x84: {  	s8 =	sadd.s32 $0x40, s8;
	[tilespmem:s9+$0x1B200] =	vst v0  }
0x85: {  	s8 =	simm.s32 $0x0;
	s9 =	rddreg [dreg:$0x0]  }
0x86: {  	[tilespmem:s31], [sflag:$0x1] =	stream.linear.gather [hbm4b:s9+s8], $0x2000, $0x38;
	[tilespmem:$0x1F300] =	vst v63  }
0x87: {  	s11 =	rddreg [dreg:$0xa]  }
0x88: {  	[tilespmem:s0], [sflag:$0x2] =	stream.linear.gather [hbm4b:s11+s8], $0x2000, $0x38;
	[tilespmem:$0x1F300] =	vst v63  }
.LBB2_22:
0x89: {  	_ =	swait.ge [sflag:s2], $0x2000  }
0x8a: {  	[sflag:s2] =	ssyncset.done $0x0  }
0x8b: {  	s9 =	simm.s32 $0xFFFFFFF0;
	s10 =	simm.s32 $0x1C280;
	[sflag:s2] =	ssyncadd.s32 $0xFFFFE000  }
.LBB2_23:
0x8c: {  	v2 =	vld [tilespmem:s10+$0xFFFFF000]  }
0x8d: {  	v3 =	vld [tilespmem:s10+$0x0];
	_ =	sdelay $0x6  }
0x8e: {  	v4 =	vld.idx.msk [tilespmem:v2+s3+$0x0], $0xffff  }
0x8f: {  	v5 =	vld.idx.msk [tilespmem:v3+s23+$0x0], $0xffff  }
0x90: {  	v6 =	vld [tilespmem:s10+$0xFFFFF010]  }
0x91: {  	v7 =	vld [tilespmem:s10+$0x10];
	_ =	sdelay $0x2  }
0x92: {  	v9 =	vld [tilespmem:s10+$0xFFFFF020];
	v4 =	vadd.f32 v5, v4  }
0x93: {  	v8 =	vld [tilespmem:s10+$0x20]  }
0x94: {  	v25 =	vld [tilespmem:s10+$0xFFFFF030];
	v5 =	vmul.f32 $2.000000030e-01, v4  }
0x95: {  	v31 =	vld [tilespmem:s10+$0x30];
	vm1 =	vge.f32 v4, $0.0e+00  }
0x96: {  	v59 =	vld.idx.msk [tilespmem:v6+s3+$0x0], $0xffff;
	v4 =	vsel vm1, v4, v5  }
0x97: {  	v10 =	vld.idx.msk [tilespmem:v7+s23+$0x0], $0xffff;
	v4 =	vsub.f32 v4, v1  }
0x98: {  	v18 =	vld [tilespmem:s10+$0xFFFFF040]  }
0x99: {  	v19 =	vld [tilespmem:s10+$0x40];
	v4 =	vmul.f32 $1.442695020e+00, v4  }
0x9a: {  	v61 =	vld.idx.msk [tilespmem:v9+s3+$0x0], $0xffff  }
0x9b: {  	v62 =	vld.idx.msk [tilespmem:v8+s23+$0x0], $0xffff;
	(erf) = vpow2.f32 v4  }
0x9c: {  	v44 =	vld [tilespmem:s10+$0x60];
	v60 =	vadd.f32 v10, v59  }
0x9d: {  	v54 =	vld [tilespmem:s10+$0x70]  }
0x9e: {  	v12 =	vld.idx.msk [tilespmem:v3+s25+$0x0], $0xffff;
	v11 =	vmul.f32 $2.000000030e-01, v60  }
0x9f: {  	v24 =	vld.idx.msk [tilespmem:v7+s25+$0x0], $0xffff;
	vm1 =	vge.f32 v60, $0.0e+00  }
0xa0: {  	v14 =	vld.idx.msk [tilespmem:v8+s25+$0x0], $0xffff;
	v5 =	vadd.f32 v62, v61;
	v4 =	vsel vm1, v60, v11  }
0xa1: {  	v15 =	vld.idx.msk [tilespmem:v25+s3+$0x0], $0xffff;
	v4 =	vsub.f32 v4, v1  }
0xa2: {  	v17 =	vld.idx.msk [tilespmem:v31+s23+$0x0], $0xffff;
	v22 =	vmul.f32 $2.000000030e-01, v5  }
0xa3: {  	v36 =	vld.idx.msk [tilespmem:v18+s3+$0x0], $0xffff;
	vm1 =	vge.f32 v5, $0.0e+00;
	v4 =	vmul.f32 $1.442695020e+00, v4  }
0xa4: {  	v37 =	vld.idx.msk [tilespmem:v19+s23+$0x0], $0xffff;
	v23 =	vsel vm1, v5, v22;
	v63 =	vpop (erf)  }
0xa5: {  	v40 =	vld.idx.msk [tilespmem:v31+s25+$0x0], $0xffff;
	(erf) = vpow2.f32 v4;
	v4 =	vsub.f32 v23, v1;
	v21 =	vmul.f32 v63, v12  }
0xa6: {  	v47 =	vld.idx.msk [tilespmem:v19+s25+$0x0], $0xffff  }
0xa7: {  	v4 =	vmul.f32 $1.442695020e+00, v4;
	[tilespmem:v2+s30+$0x0] =	vst.idx.add.f32.msk $0xffff, v21  }
0xa8: {  	v11 =	vld.idx.msk [tilespmem:v3+s26+$0x0], $0xffff  }
0xa9: {  	v33 =	vadd.f32 v17, v15;
	v15 =	vld [tilespmem:s10+$0xA0];
	(erf) = vpow2.f32 v4  }
0xaa: {  	v50 =	vld.idx.msk [tilespmem:v44+s23+$0x0], $0xffff  }
0xab: {  	v58 =	vld.idx.msk [tilespmem:v54+s23+$0x0], $0xffff  }
0xac: {  	v21 =	vld [tilespmem:s10+$0x50]  }
0xad: {  	v59 =	vld.idx.msk [tilespmem:v44+s25+$0x0], $0xffff;
	v30 =	vmul.f32 v63, v11  }
0xae: {  	v5 =	vld [tilespmem:s10+$0xFFFFF090]  }
0xaf: {  	v13 =	vpop (erf);
	[tilespmem:v2+s1+$0x0] =	vst.idx.add.f32.msk $0xffff, v30  }
0xb0: {  	v12 =	vmul.f32 v13, v24;
	v4 =	vld.idx.msk [tilespmem:v3+s28+$0x0], $0xffff  }
0xb1: {  	v24 =	vld.idx.msk [tilespmem:v15+s23+$0x0], $0xffff  }
0xb2: {  	[tilespmem:v6+s30+$0x0] =	vst.idx.add.f32.msk $0xffff, v12;
	v16 =	vpop (erf)  }
0xb3: {  	v12 =	vld.idx.msk [tilespmem:v7+s26+$0x0], $0xffff;
	v14 =	vmul.f32 v16, v14  }
0xb4: {  	v42 =	vld.idx.msk [tilespmem:v21+s23+$0x0], $0xffff  }
0xb5: {  	[tilespmem:v9+s30+$0x0] =	vst.idx.add.f32.msk $0xffff, v14;
	v4 =	vmul.f32 v63, v4  }
0xb6: {  	v34 =	vmul.f32 $2.000000030e-01, v33;
	v14 =	vld.idx.msk [tilespmem:v8+s26+$0x0], $0xffff  }
0xb7: {  	vm1 =	vge.f32 v33, $0.0e+00;
	[tilespmem:v2+s4+$0x0] =	vst.idx.add.f32.msk $0xffff, v4  }
0xb8: {  	v32 =	vmul.f32 v13, v12;
	v4 =	vsel vm1, v33, v34;
	v3 =	vld.idx.msk [tilespmem:v3+s29+$0x0], $0xffff  }
0xb9: {  	v55 =	vld.idx.msk [tilespmem:v21+s25+$0x0], $0xffff;
	v4 =	vsub.f32 v4, v1  }
0xba: {  	[tilespmem:v6+s1+$0x0] =	vst.idx.add.f32.msk $0xffff, v32  }
0xbb: {  	v35 =	vld.idx.msk [tilespmem:v7+s28+$0x0], $0xffff;
	v4 =	vmul.f32 $1.442695020e+00, v4  }
0xbc: {  	v14 =	vmul.f32 v16, v14;
	v33 =	vld.idx.msk [tilespmem:v54+s25+$0x0], $0xffff  }
0xbd: {  	(erf) = vpow2.f32 v4;
	v20 =	vmul.f32 v3, v63;
	v3 =	vld [tilespmem:s10+$0xFFFFF050]  }
0xbe: {  	[tilespmem:v9+s1+$0x0] =	vst.idx.add.f32.msk $0xffff, v14  }
0xbf: {  	v12 =	vadd.f32 v37, v36;
	v14 =	vld.idx.msk [tilespmem:v8+s28+$0x0], $0xffff  }
0xc0: {  	v38 =	vmul.f32 v13, v35;
	[tilespmem:v2+s5+$0x0] =	vst.idx.add.f32.msk $0xffff, v20  }
0xc1: {  	[tilespmem:v2+s6+$0x0] =	vst.idx.add.f32.msk vm0, v63;
	v2 =	vmul.f32 $2.000000030e-01, v12  }
0xc2: {  	vm1 =	vge.f32 v12, $0.0e+00;
	[tilespmem:v6+s4+$0x0] =	vst.idx.add.f32.msk $0xffff, v38  }
0xc3: {  	v4 =	vld [tilespmem:s10+$0xFFFFF060];
	v2 =	vsel vm1, v12, v2  }
0xc4: {  	v7 =	vld.idx.msk [tilespmem:v7+s29+$0x0], $0xffff;
	v2 =	vsub.f32 v2, v1  }
0xc5: {  	v39 =	vmul.f32 v16, v14;
	v41 =	vld.idx.msk [tilespmem:v3+s3+$0x0], $0xffff  }
0xc6: {  	v14 =	vld [tilespmem:s10+$0x80];
	v2 =	vmul.f32 $1.442695020e+00, v2;
	v43 =	vpop (erf)  }
0xc7: {  	[tilespmem:v9+s4+$0x0] =	vst.idx.add.f32.msk $0xffff, v39;
	v10 =	vmul.f32 v43, v40  }
0xc8: {  	(erf) = vpow2.f32 v2;
	v2 =	vld.idx.msk [tilespmem:v8+s29+$0x0], $0xffff  }
0xc9: {  	[tilespmem:v25+s30+$0x0] =	vst.idx.add.f32.msk $0xffff, v10  }
0xca: {  	v7 =	vmul.f32 v7, v13;
	v45 =	vld.idx.msk [tilespmem:v31+s26+$0x0], $0xffff;
	v46 =	vadd.f32 v42, v41  }
0xcb: {  	v38 =	vld.idx.msk [tilespmem:v5+s3+$0x0], $0xffff  }
0xcc: {  	[tilespmem:v6+s5+$0x0] =	vst.idx.add.f32.msk $0xffff, v7;
	v12 =	vmul.f32 $2.000000030e-01, v46  }
0xcd: {  	v49 =	vld.idx.msk [tilespmem:v4+s3+$0x0], $0xffff;
	vm1 =	vge.f32 v46, $0.0e+00  }
0xce: {  	[tilespmem:v6+s6+$0x0] =	vst.idx.add.f32.msk vm0, v13;
	v2 =	vmul.f32 v2, v16;
	v48 =	vsel vm1, v46, v12  }
0xcf: {  	v30 =	vld.idx.msk [tilespmem:v14+s23+$0x0], $0xffff;
	v8 =	vmul.f32 v43, v45;
	v6 =	vsub.f32 v48, v1  }
0xd0: {  	[tilespmem:v9+s5+$0x0] =	vst.idx.add.f32.msk $0xffff, v2  }
0xd1: {  	v51 =	vpop (erf);
	[tilespmem:v25+s1+$0x0] =	vst.idx.add.f32.msk $0xffff, v8;
	v6 =	vmul.f32 $1.442695020e+00, v6  }
0xd2: {  	v2 =	vmul.f32 v51, v47;
	v52 =	vld.idx.msk [tilespmem:v31+s28+$0x0], $0xffff  }
0xd3: {  	v37 =	vld.idx.msk [tilespmem:v14+s25+$0x0], $0xffff;
	(erf) = vpow2.f32 v6  }
0xd4: {  	[tilespmem:v18+s30+$0x0] =	vst.idx.add.f32.msk $0xffff, v2  }
0xd5: {  	v53 =	vadd.f32 v50, v49;
	v2 =	vld.idx.msk [tilespmem:v19+s26+$0x0], $0xffff  }
0xd6: {  	v8 =	vld [tilespmem:s10+$0xFFFFF070]  }
0xd7: {  	v10 =	vmul.f32 $2.000000030e-01, v53;
	v12 =	vld [tilespmem:s10+$0xFFFFF0C0];
	v7 =	vmul.f32 v43, v52  }
0xd8: {  	vm1 =	vge.f32 v53, $0.0e+00;
	[tilespmem:v9+s6+$0x0] =	vst.idx.add.f32.msk vm0, v16  }
0xd9: {  	v6 =	vsel vm1, v53, v10;
	[tilespmem:v25+s4+$0x0] =	vst.idx.add.f32.msk $0xffff, v7  }
0xda: {  	v6 =	vsub.f32 v6, v1;
	v2 =	vmul.f32 v51, v2;
	v7 =	vld.idx.msk [tilespmem:v31+s29+$0x0], $0xffff  }
0xdb: {  	v53 =	vld.idx.msk [tilespmem:v15+s25+$0x0], $0xffff  }
0xdc: {  	[tilespmem:v18+s1+$0x0] =	vst.idx.add.f32.msk $0xffff, v2;
	v2 =	vmul.f32 $1.442695020e+00, v6;
	v57 =	vpop (erf)  }
0xdd: {  	v56 =	vld.idx.msk [tilespmem:v19+s28+$0x0], $0xffff;
	v9 =	vmul.f32 v57, v55  }
0xde: {  	(erf) = vpow2.f32 v2;
	v2 =	vld.idx.msk [tilespmem:v8+s3+$0x0], $0xffff  }
0xdf: {  	v7 =	vmul.f32 v7, v43;
	[tilespmem:v3+s30+$0x0] =	vst.idx.add.f32.msk $0xffff, v9  }
0xe0: {  	v9 =	vld.idx.msk [tilespmem:v21+s26+$0x0], $0xffff  }
0xe1: {  	[tilespmem:v25+s5+$0x0] =	vst.idx.add.f32.msk $0xffff, v7  }
0xe2: {  	[tilespmem:v25+s6+$0x0] =	vst.idx.add.f32.msk vm0, v43  }
0xe3: {  	v6 =	vmul.f32 v51, v56;
	v25 =	vld [tilespmem:s10+$0xB0];
	v11 =	vadd.f32 v58, v2  }
0xe4: {  	v2 =	vld [tilespmem:s10+$0xFFFFF080]  }
0xe5: {  	[tilespmem:v18+s4+$0x0] =	vst.idx.add.f32.msk $0xffff, v6;
	v61 =	vmul.f32 $2.000000030e-01, v11  }
0xe6: {  	v62 =	vld.idx.msk [tilespmem:v19+s29+$0x0], $0xffff;
	vm1 =	vge.f32 v11, $0.0e+00;
	v60 =	vmul.f32 v57, v9  }
0xe7: {  	v63 =	vpop (erf);
	v27 =	vsel vm1, v11, v61;
	v11 =	vld [tilespmem:s10+$0x90]  }
0xe8: {  	[tilespmem:v3+s1+$0x0] =	vst.idx.add.f32.msk $0xffff, v60;
	v26 =	vmul.f32 v63, v59;
	v7 =	vsub.f32 v27, v1  }
0xe9: {  	v28 =	vld.idx.msk [tilespmem:v21+s28+$0x0], $0xffff  }
0xea: {  	[tilespmem:v4+s30+$0x0] =	vst.idx.add.f32.msk $0xffff, v26;
	v7 =	vmul.f32 $1.442695020e+00, v7  }
0xeb: {  	v6 =	vld.idx.msk [tilespmem:v44+s26+$0x0], $0xffff  }
0xec: {  	v29 =	vld.idx.msk [tilespmem:v2+s3+$0x0], $0xffff;
	(erf) = vpow2.f32 v7  }
0xed: {  	v16 =	vmul.f32 v62, v51;
	v45 =	vld.idx.msk [tilespmem:v25+s23+$0x0], $0xffff  }
0xee: {  	v60 =	vld.idx.msk [tilespmem:v25+s25+$0x0], $0xffff  }
0xef: {  	[tilespmem:v18+s5+$0x0] =	vst.idx.add.f32.msk $0xffff, v16  }
0xf0: {  	[tilespmem:v18+s6+$0x0] =	vst.idx.add.f32.msk vm0, v51  }
0xf1: {  	v32 =	vmul.f32 v63, v6;
	v34 =	vadd.f32 v30, v29;
	v6 =	vld [tilespmem:s10+$0xFFFFF0A0]  }
0xf2: {  	v31 =	vmul.f32 v57, v28;
	v22 =	vld.idx.msk [tilespmem:v11+s23+$0x0], $0xffff  }
0xf3: {  	v51 =	vld.idx.msk [tilespmem:v11+s25+$0x0], $0xffff;
	v7 =	vmul.f32 $2.000000030e-01, v34  }
0xf4: {  	[tilespmem:v3+s4+$0x0] =	vst.idx.add.f32.msk $0xffff, v31;
	vm1 =	vge.f32 v34, $0.0e+00  }
0xf5: {  	v21 =	vld.idx.msk [tilespmem:v21+s29+$0x0], $0xffff;
	v7 =	vsel vm1, v34, v7;
	v35 =	vpop (erf)  }
0xf6: {  	[tilespmem:v4+s1+$0x0] =	vst.idx.add.f32.msk $0xffff, v32;
	v7 =	vsub.f32 v7, v1;
	v9 =	vmul.f32 v35, v33  }
0xf7: {  	v36 =	vld.idx.msk [tilespmem:v44+s28+$0x0], $0xffff  }
0xf8: {  	v7 =	vmul.f32 $1.442695020e+00, v7;
	[tilespmem:v8+s30+$0x0] =	vst.idx.add.f32.msk $0xffff, v9  }
0xf9: {  	v23 =	vld.idx.msk [tilespmem:v6+s3+$0x0], $0xffff  }
0xfa: {  	v9 =	vld.idx.msk [tilespmem:v54+s26+$0x0], $0xffff;
	(erf) = vpow2.f32 v7  }
0xfb: {  	v7 =	vld [tilespmem:s10+$0xFFFFF0B0]  }
0xfc: {  	v32 =	vld.idx.msk [tilespmem:v12+s3+$0x0], $0xffff;
	v20 =	vadd.f32 v22, v38;
	v21 =	vmul.f32 v21, v57  }
0xfd: {  	v33 =	vld [tilespmem:s10+$0xD0]  }
0xfe: {  	v22 =	vmul.f32 $2.000000030e-01, v20;
	v16 =	vmul.f32 v63, v36;
	[tilespmem:v3+s5+$0x0] =	vst.idx.add.f32.msk $0xffff, v21  }
0xff: {  	vm1 =	vge.f32 v20, $0.0e+00;
	v36 =	vld [tilespmem:s10+$0xE0];
	v40 =	vadd.f32 v24, v23  }
0x100: {  	v20 =	vsel vm1, v20, v22;
	[tilespmem:v4+s4+$0x0] =	vst.idx.add.f32.msk $0xffff, v16;
	v9 =	vmul.f32 v35, v9  }
0x101: {  	v42 =	vsub.f32 v20, v1;
	v16 =	vld.idx.msk [tilespmem:v44+s29+$0x0], $0xffff;
	v43 =	vmul.f32 $2.000000030e-01, v40  }
0x102: {  	vm1 =	vge.f32 v40, $0.0e+00;
	[tilespmem:v8+s1+$0x0] =	vst.idx.add.f32.msk $0xffff, v9  }
0x103: {  	v9 =	vmul.f32 $1.442695020e+00, v42;
	v44 =	vld.idx.msk [tilespmem:v7+s3+$0x0], $0xffff;
	v18 =	vsel vm1, v40, v43;
	v17 =	vpop (erf)  }
0x104: {  	v41 =	vld.idx.msk [tilespmem:v54+s28+$0x0], $0xffff;
	v18 =	vsub.f32 v18, v1;
	v39 =	vmul.f32 v17, v37  }
0x105: {  	[tilespmem:v3+s6+$0x0] =	vst.idx.add.f32.msk vm0, v57;
	(erf) = vpow2.f32 v9  }
0x106: {  	v3 =	vmul.f32 $1.442695020e+00, v18;
	[tilespmem:v2+s30+$0x0] =	vst.idx.add.f32.msk $0xffff, v39  }
0x107: {  	v46 =	vld.idx.msk [tilespmem:v14+s26+$0x0], $0xffff  }
0x108: {  	v38 =	vld [tilespmem:s10+$0xF0];
	(erf) = vpow2.f32 v3;
	v3 =	vadd.f32 v45, v44  }
0x109: {  	v28 =	vld.idx.msk [tilespmem:v33+s23+$0x0], $0xffff;
	v47 =	vmul.f32 v35, v41  }
0x10a: {  	v40 =	vld.idx.msk [tilespmem:v36+s23+$0x0], $0xffff;
	v52 =	vmul.f32 $2.000000030e-01, v3  }
0x10b: {  	v48 =	vmul.f32 v16, v63;
	[tilespmem:v8+s4+$0x0] =	vst.idx.add.f32.msk $0xffff, v47;
	vm1 =	vge.f32 v3, $0.0e+00  }
0x10c: {  	v49 =	vld.idx.msk [tilespmem:v54+s29+$0x0], $0xffff;
	v3 =	vsel vm1, v3, v52;
	v50 =	vmul.f32 v17, v46  }
0x10d: {  	[tilespmem:v4+s5+$0x0] =	vst.idx.add.f32.msk $0xffff, v48;
	v3 =	vsub.f32 v3, v1  }
0x10e: {  	v54 =	vpop (erf);
	[tilespmem:v2+s1+$0x0] =	vst.idx.add.f32.msk $0xffff, v50  }
0x10f: {  	v55 =	vmul.f32 v54, v51;
	v3 =	vmul.f32 $1.442695020e+00, v3;
	v9 =	vld.idx.msk [tilespmem:v14+s28+$0x0], $0xffff  }
0x110: {  	v18 =	vld [tilespmem:s10+$0xFFFFF0D0]  }
0x111: {  	v10 =	vmul.f32 v49, v35;
	[tilespmem:v5+s30+$0x0] =	vst.idx.add.f32.msk $0xffff, v55;
	v57 =	vpop (erf);
	(erf) = vpow2.f32 v3  }
0x112: {  	v3 =	vld.idx.msk [tilespmem:v11+s26+$0x0], $0xffff;
	v58 =	vmul.f32 v57, v53  }
0x113: {  	[tilespmem:v8+s5+$0x0] =	vst.idx.add.f32.msk $0xffff, v10  }
0x114: {  	[tilespmem:v6+s30+$0x0] =	vst.idx.add.f32.msk $0xffff, v58;
	v56 =	vmul.f32 v17, v9  }
0x115: {  	v59 =	vld.idx.msk [tilespmem:v15+s26+$0x0], $0xffff  }
0x116: {  	[tilespmem:v2+s4+$0x0] =	vst.idx.add.f32.msk $0xffff, v56  }
0x117: {  	v61 =	vld.idx.msk [tilespmem:v14+s29+$0x0], $0xffff  }
0x118: {  	v3 =	vmul.f32 v54, v3;
	v14 =	vld [tilespmem:s10+$0xC0]  }
0x119: {  	[tilespmem:v8+s6+$0x0] =	vst.idx.add.f32.msk vm0, v35  }
0x11a: {  	[tilespmem:v5+s1+$0x0] =	vst.idx.add.f32.msk $0xffff, v3;
	v3 =	vmul.f32 v57, v59;
	v62 =	vpop (erf)  }
0x11b: {  	v35 =	vld [tilespmem:s10+$0xFFFFF0E0];
	v10 =	vmul.f32 v62, v60  }
0x11c: {  	[tilespmem:v6+s1+$0x0] =	vst.idx.add.f32.msk $0xffff, v3  }
0x11d: {  	[tilespmem:v7+s30+$0x0] =	vst.idx.add.f32.msk $0xffff, v10  }
0x11e: {  	v3 =	vld.idx.msk [tilespmem:v25+s26+$0x0], $0xffff  }
0x11f: {  	v37 =	vld [tilespmem:s10+$0xFFFFF0F0]  }
0x120: {  	v34 =	vld.idx.msk [tilespmem:v14+s23+$0x0], $0xffff  }
0x121: {  	[tilespmem:v4+s6+$0x0] =	vst.idx.add.f32.msk vm0, v63  }
0x122: {  	v27 =	vld.idx.msk [tilespmem:v18+s3+$0x0], $0xffff  }
0x123: {  	v63 =	vld.idx.msk [tilespmem:v11+s28+$0x0], $0xffff;
	v3 =	vmul.f32 v62, v3  }
0x124: {  	v26 =	vld.idx.msk [tilespmem:v15+s28+$0x0], $0xffff  }
0x125: {  	[tilespmem:v7+s1+$0x0] =	vst.idx.add.f32.msk $0xffff, v3;
	v3 =	vadd.f32 v34, v32  }
0x126: {  	v39 =	vld.idx.msk [tilespmem:v35+s3+$0x0], $0xffff  }
0x127: {  	v41 =	vld.idx.msk [tilespmem:v38+s23+$0x0], $0xffff;
	v29 =	vmul.f32 $2.000000030e-01, v3  }
0x128: {  	v30 =	vld.idx.msk [tilespmem:v37+s3+$0x0], $0xffff;
	v16 =	vmul.f32 v54, v63;
	vm1 =	vge.f32 v3, $0.0e+00  }
0x129: {  	v27 =	vadd.f32 v28, v27;
	v42 =	vld.idx.msk [tilespmem:v25+s28+$0x0], $0xffff;
	v3 =	vsel vm1, v3, v29  }
0x12a: {  	[tilespmem:v5+s4+$0x0] =	vst.idx.add.f32.msk $0xffff, v16;
	v43 =	vmul.f32 v57, v26;
	v3 =	vsub.f32 v3, v1  }
0x12b: {  	v44 =	vmul.f32 $2.000000030e-01, v27;
	v10 =	vadd.f32 v40, v39;
	v11 =	vld.idx.msk [tilespmem:v11+s29+$0x0], $0xffff  }
0x12c: {  	v13 =	vmul.f32 v61, v17;
	[tilespmem:v6+s4+$0x0] =	vst.idx.add.f32.msk $0xffff, v43;
	v3 =	vmul.f32 $1.442695020e+00, v3  }
0x12d: {  	v46 =	vadd.f32 v41, v30;
	v47 =	vmul.f32 $2.000000030e-01, v10;
	v15 =	vld.idx.msk [tilespmem:v15+s29+$0x0], $0xffff;
	vm1 =	vge.f32 v27, $0.0e+00  }
0x12e: {  	[tilespmem:v2+s5+$0x0] =	vst.idx.add.f32.msk $0xffff, v13;
	v45 =	vsel vm1, v27, v44;
	(erf) = vpow2.f32 v3;
	v3 =	vmul.f32 v62, v42  }
0x12f: {  	[tilespmem:v2+s6+$0x0] =	vst.idx.add.f32.msk vm0, v17;
	vm1 =	vge.f32 v10, $0.0e+00;
	v16 =	vsub.f32 v45, v1  }
0x130: {  	v49 =	vmul.f32 $2.000000030e-01, v46;
	v2 =	vsel vm1, v10, v47;
	[tilespmem:v7+s4+$0x0] =	vst.idx.add.f32.msk $0xffff, v3;
	v3 =	vmul.f32 v11, v54  }
0x131: {  	vm1 =	vge.f32 v46, $0.0e+00;
	v2 =	vsub.f32 v2, v1;
	v48 =	vmul.f32 $1.442695020e+00, v16  }
0x132: {  	v50 =	vsel vm1, v46, v49;
	[tilespmem:v5+s5+$0x0] =	vst.idx.add.f32.msk $0xffff, v3;
	v3 =	vmul.f32 v15, v57  }
0x133: {  	v10 =	vsub.f32 v50, v1;
	v2 =	vmul.f32 $1.442695020e+00, v2;
	(erf) = vpow2.f32 v48;
	v51 =	vld.idx.msk [tilespmem:v25+s29+$0x0], $0xffff  }
0x134: {  	[tilespmem:v6+s5+$0x0] =	vst.idx.add.f32.msk $0xffff, v3  }
0x135: {  	(erf) = vpow2.f32 v2;
	v2 =	vmul.f32 $1.442695020e+00, v10;
	v3 =	vld.idx.msk [tilespmem:v14+s25+$0x0], $0xffff  }
0x136: {  	v56 =	vld.idx.msk [tilespmem:v38+s25+$0x0], $0xffff  }
0x137: {  	(erf) = vpow2.f32 v2;
	v2 =	vld.idx.msk [tilespmem:v33+s25+$0x0], $0xffff  }
0x138: {  	[tilespmem:v5+s6+$0x0] =	vst.idx.add.f32.msk vm0, v54  }
0x139: {  	v54 =	vld.idx.msk [tilespmem:v36+s25+$0x0], $0xffff;
	v52 =	vmul.f32 v51, v62;
	v53 =	vpop (erf)  }
0x13a: {  	[tilespmem:v6+s6+$0x0] =	vst.idx.add.f32.msk vm0, v57;
	v3 =	vmul.f32 v53, v3  }
0x13b: {  	[tilespmem:v7+s5+$0x0] =	vst.idx.add.f32.msk $0xffff, v52  }
0x13c: {  	v55 =	vpop (erf);
	[tilespmem:v7+s6+$0x0] =	vst.idx.add.f32.msk vm0, v62  }
0x13d: {  	v2 =	vmul.f32 v55, v2;
	[tilespmem:v12+s30+$0x0] =	vst.idx.add.f32.msk $0xffff, v3  }
0x13e: {  	v57 =	vld.idx.msk [tilespmem:v14+s26+$0x0], $0xffff;
	v3 =	vpop (erf)  }
0x13f: {  	[tilespmem:v18+s30+$0x0] =	vst.idx.add.f32.msk $0xffff, v2;
	v2 =	vmul.f32 v3, v54  }
0x140: {  	v58 =	vld.idx.msk [tilespmem:v33+s26+$0x0], $0xffff;
	v59 =	vpop (erf)  }
0x141: {  	[tilespmem:v35+s30+$0x0] =	vst.idx.add.f32.msk $0xffff, v2;
	v2 =	vmul.f32 v59, v56  }
0x142: {  	v60 =	vld.idx.msk [tilespmem:v36+s26+$0x0], $0xffff  }
0x143: {  	v8 =	vmul.f32 v53, v57;
	[tilespmem:v37+s30+$0x0] =	vst.idx.add.f32.msk $0xffff, v2  }
0x144: {  	v2 =	vld.idx.msk [tilespmem:v38+s26+$0x0], $0xffff  }
0x145: {  	v5 =	vmul.f32 v55, v58;
	[tilespmem:v12+s1+$0x0] =	vst.idx.add.f32.msk $0xffff, v8  }
0x146: {  	v8 =	vld.idx.msk [tilespmem:v14+s28+$0x0], $0xffff  }
0x147: {  	[tilespmem:v18+s1+$0x0] =	vst.idx.add.f32.msk $0xffff, v5;
	v61 =	vmul.f32 v3, v60  }
0x148: {  	v62 =	vld.idx.msk [tilespmem:v33+s28+$0x0], $0xffff  }
0x149: {  	[tilespmem:v35+s1+$0x0] =	vst.idx.add.f32.msk $0xffff, v61;
	v2 =	vmul.f32 v59, v2  }
0x14a: {  	v5 =	vld.idx.msk [tilespmem:v36+s28+$0x0], $0xffff  }
0x14b: {  	v8 =	vmul.f32 v53, v8;
	[tilespmem:v37+s1+$0x0] =	vst.idx.add.f32.msk $0xffff, v2  }
0x14c: {  	v2 =	vld.idx.msk [tilespmem:v38+s28+$0x0], $0xffff  }
0x14d: {  	v7 =	vmul.f32 v55, v62;
	[tilespmem:v12+s4+$0x0] =	vst.idx.add.f32.msk $0xffff, v8  }
0x14e: {  	v8 =	vld.idx.msk [tilespmem:v14+s29+$0x0], $0xffff  }
0x14f: {  	[tilespmem:v18+s4+$0x0] =	vst.idx.add.f32.msk $0xffff, v7;
	v5 =	vmul.f32 v3, v5  }
0x150: {  	v7 =	vld.idx.msk [tilespmem:v33+s29+$0x0], $0xffff  }
0x151: {  	[tilespmem:v35+s4+$0x0] =	vst.idx.add.f32.msk $0xffff, v5;
	v2 =	vmul.f32 v59, v2  }
0x152: {  	v5 =	vld.idx.msk [tilespmem:v36+s29+$0x0], $0xffff  }
0x153: {  	[tilespmem:v37+s4+$0x0] =	vst.idx.add.f32.msk $0xffff, v2;
	v2 =	vmul.f32 v8, v53  }
0x154: {  	v63 =	vld.idx.msk [tilespmem:v38+s29+$0x0], $0xffff  }
0x155: {  	[tilespmem:v12+s5+$0x0] =	vst.idx.add.f32.msk $0xffff, v2;
	v2 =	vmul.f32 v7, v55  }
0x156: {  	s9 =	sadd.s32 $0x10, s9;
	[tilespmem:v12+s6+$0x0] =	vst.idx.add.f32.msk vm0, v53  }
0x157: {  	p1 =	slt.u32 s9, $0xF0;
	[tilespmem:v18+s5+$0x0] =	vst.idx.add.f32.msk $0xffff, v2;
	v2 =	vmul.f32 v5, v3  }
.Ltmp10:
0x158: {  	[tilespmem:v18+s6+$0x0] =	vst.idx.add.f32.msk vm0, v55;
	(pc) =	sbr.rel @p1 .LBB2_23-.Ltmp10, $4  }
0x159: {  	[tilespmem:v35+s5+$0x0] =	vst.idx.add.f32.msk $0xffff, v2;
	v2 =	vmul.f32 v63, v59  }
0x15a: {  	[tilespmem:v35+s6+$0x0] =	vst.idx.add.f32.msk vm0, v3  }
0x15b: {  	[tilespmem:v37+s5+$0x0] =	vst.idx.add.f32.msk $0xffff, v2  }
0x15c: {  	s10 =	sadd.s32 $0x100, s10;
	[tilespmem:v37+s6+$0x0] =	vst.idx.add.f32.msk vm0, v59  }
0x15d: {  	s9 =	sshll.u32 s8, $0xB  }
0x15e: {  	s10 =	sadd.s32 s9, s12  }
0x15f: {  	[tilespmem:s31], [sflag:$0x1] =	stream.linear.gather [hbm4b:s10+s3], $0x2000, $0x38;
	[tilespmem:$0x1F300] =	vst v63  }
0x160: {  	_ =	swait.ge [sflag:s21], $0x2000  }
0x161: {  	[sflag:s21] =	ssyncset.done $0x0  }
0x162: {  	s11 =	simm.s32 $0x1E280;
	s10 =	simm.s32 $0xFFFFFFF0;
	[sflag:s21] =	ssyncadd.s32 $0xFFFFE000  }
.LBB2_25:
0x163: {  	v2 =	vld [tilespmem:s11+$0xFFFFF000]  }
0x164: {  	v3 =	vld [tilespmem:s11+$0x0];
	_ =	sdelay $0x6  }
0x165: {  	v4 =	vld.idx.msk [tilespmem:v2+s3+$0x0], $0xffff  }
0x166: {  	v5 =	vld.idx.msk [tilespmem:v3+s23+$0x0], $0xffff  }
0x167: {  	v6 =	vld [tilespmem:s11+$0xFFFFF010]  }
0x168: {  	v7 =	vld [tilespmem:s11+$0x10];
	_ =	sdelay $0x2  }
0x169: {  	v9 =	vld [tilespmem:s11+$0xFFFFF020];
	v4 =	vadd.f32 v5, v4  }
0x16a: {  	v8 =	vld [tilespmem:s11+$0x20]  }
0x16b: {  	v25 =	vld [tilespmem:s11+$0xFFFFF030];
	v5 =	vmul.f32 $2.000000030e-01, v4  }
0x16c: {  	v31 =	vld [tilespmem:s11+$0x30];
	vm1 =	vge.f32 v4, $0.0e+00  }
0x16d: {  	v59 =	vld.idx.msk [tilespmem:v6+s3+$0x0], $0xffff;
	v4 =	vsel vm1, v4, v5  }
0x16e: {  	v10 =	vld.idx.msk [tilespmem:v7+s23+$0x0], $0xffff;
	v4 =	vsub.f32 v4, v1  }
0x16f: {  	v18 =	vld [tilespmem:s11+$0xFFFFF040]  }
0x170: {  	v19 =	vld [tilespmem:s11+$0x40];
	v4 =	vmul.f32 $1.442695020e+00, v4  }
0x171: {  	v61 =	vld.idx.msk [tilespmem:v9+s3+$0x0], $0xffff  }
0x172: {  	v62 =	vld.idx.msk [tilespmem:v8+s23+$0x0], $0xffff;
	(erf) = vpow2.f32 v4  }
0x173: {  	v44 =	vld [tilespmem:s11+$0x60];
	v60 =	vadd.f32 v10, v59  }
0x174: {  	v54 =	vld [tilespmem:s11+$0x70]  }
0x175: {  	v12 =	vld.idx.msk [tilespmem:v3+s25+$0x0], $0xffff;
	v11 =	vmul.f32 $2.000000030e-01, v60  }
0x176: {  	v24 =	vld.idx.msk [tilespmem:v7+s25+$0x0], $0xffff;
	vm1 =	vge.f32 v60, $0.0e+00  }
0x177: {  	v14 =	vld.idx.msk [tilespmem:v8+s25+$0x0], $0xffff;
	v5 =	vadd.f32 v62, v61;
	v4 =	vsel vm1, v60, v11  }
0x178: {  	v15 =	vld.idx.msk [tilespmem:v25+s3+$0x0], $0xffff;
	v4 =	vsub.f32 v4, v1  }
0x179: {  	v17 =	vld.idx.msk [tilespmem:v31+s23+$0x0], $0xffff;
	v22 =	vmul.f32 $2.000000030e-01, v5  }
0x17a: {  	v36 =	vld.idx.msk [tilespmem:v18+s3+$0x0], $0xffff;
	vm1 =	vge.f32 v5, $0.0e+00;
	v4 =	vmul.f32 $1.442695020e+00, v4  }
0x17b: {  	v37 =	vld.idx.msk [tilespmem:v19+s23+$0x0], $0xffff;
	v23 =	vsel vm1, v5, v22;
	v63 =	vpop (erf)  }
0x17c: {  	v40 =	vld.idx.msk [tilespmem:v31+s25+$0x0], $0xffff;
	(erf) = vpow2.f32 v4;
	v4 =	vsub.f32 v23, v1;
	v21 =	vmul.f32 v63, v12  }
0x17d: {  	v47 =	vld.idx.msk [tilespmem:v19+s25+$0x0], $0xffff  }
0x17e: {  	v4 =	vmul.f32 $1.442695020e+00, v4;
	[tilespmem:v2+s30+$0x0] =	vst.idx.add.f32.msk $0xffff, v21  }
0x17f: {  	v11 =	vld.idx.msk [tilespmem:v3+s26+$0x0], $0xffff  }
0x180: {  	v33 =	vadd.f32 v17, v15;
	v15 =	vld [tilespmem:s11+$0xA0];
	(erf) = vpow2.f32 v4  }
0x181: {  	v50 =	vld.idx.msk [tilespmem:v44+s23+$0x0], $0xffff  }
0x182: {  	v58 =	vld.idx.msk [tilespmem:v54+s23+$0x0], $0xffff  }
0x183: {  	v21 =	vld [tilespmem:s11+$0x50]  }
0x184: {  	v59 =	vld.idx.msk [tilespmem:v44+s25+$0x0], $0xffff;
	v30 =	vmul.f32 v63, v11  }
0x185: {  	v5 =	vld [tilespmem:s11+$0xFFFFF090]  }
0x186: {  	v13 =	vpop (erf);
	[tilespmem:v2+s1+$0x0] =	vst.idx.add.f32.msk $0xffff, v30  }
0x187: {  	v12 =	vmul.f32 v13, v24;
	v4 =	vld.idx.msk [tilespmem:v3+s28+$0x0], $0xffff  }
0x188: {  	v24 =	vld.idx.msk [tilespmem:v15+s23+$0x0], $0xffff  }
0x189: {  	[tilespmem:v6+s30+$0x0] =	vst.idx.add.f32.msk $0xffff, v12;
	v16 =	vpop (erf)  }
0x18a: {  	v12 =	vld.idx.msk [tilespmem:v7+s26+$0x0], $0xffff;
	v14 =	vmul.f32 v16, v14  }
0x18b: {  	v42 =	vld.idx.msk [tilespmem:v21+s23+$0x0], $0xffff  }
0x18c: {  	[tilespmem:v9+s30+$0x0] =	vst.idx.add.f32.msk $0xffff, v14;
	v4 =	vmul.f32 v63, v4  }
0x18d: {  	v34 =	vmul.f32 $2.000000030e-01, v33;
	v14 =	vld.idx.msk [tilespmem:v8+s26+$0x0], $0xffff  }
0x18e: {  	vm1 =	vge.f32 v33, $0.0e+00;
	[tilespmem:v2+s4+$0x0] =	vst.idx.add.f32.msk $0xffff, v4  }
0x18f: {  	v32 =	vmul.f32 v13, v12;
	v4 =	vsel vm1, v33, v34;
	v3 =	vld.idx.msk [tilespmem:v3+s29+$0x0], $0xffff  }
0x190: {  	v55 =	vld.idx.msk [tilespmem:v21+s25+$0x0], $0xffff;
	v4 =	vsub.f32 v4, v1  }
0x191: {  	[tilespmem:v6+s1+$0x0] =	vst.idx.add.f32.msk $0xffff, v32  }
0x192: {  	v35 =	vld.idx.msk [tilespmem:v7+s28+$0x0], $0xffff;
	v4 =	vmul.f32 $1.442695020e+00, v4  }
0x193: {  	v14 =	vmul.f32 v16, v14;
	v33 =	vld.idx.msk [tilespmem:v54+s25+$0x0], $0xffff  }
0x194: {  	(erf) = vpow2.f32 v4;
	v20 =	vmul.f32 v3, v63;
	v3 =	vld [tilespmem:s11+$0xFFFFF050]  }
0x195: {  	[tilespmem:v9+s1+$0x0] =	vst.idx.add.f32.msk $0xffff, v14  }
0x196: {  	v12 =	vadd.f32 v37, v36;
	v14 =	vld.idx.msk [tilespmem:v8+s28+$0x0], $0xffff  }
0x197: {  	v38 =	vmul.f32 v13, v35;
	[tilespmem:v2+s5+$0x0] =	vst.idx.add.f32.msk $0xffff, v20  }
0x198: {  	[tilespmem:v2+s6+$0x0] =	vst.idx.add.f32.msk vm0, v63;
	v2 =	vmul.f32 $2.000000030e-01, v12  }
0x199: {  	vm1 =	vge.f32 v12, $0.0e+00;
	[tilespmem:v6+s4+$0x0] =	vst.idx.add.f32.msk $0xffff, v38  }
0x19a: {  	v4 =	vld [tilespmem:s11+$0xFFFFF060];
	v2 =	vsel vm1, v12, v2  }
0x19b: {  	v7 =	vld.idx.msk [tilespmem:v7+s29+$0x0], $0xffff;
	v2 =	vsub.f32 v2, v1  }
0x19c: {  	v39 =	vmul.f32 v16, v14;
	v41 =	vld.idx.msk [tilespmem:v3+s3+$0x0], $0xffff  }
0x19d: {  	v14 =	vld [tilespmem:s11+$0x80];
	v2 =	vmul.f32 $1.442695020e+00, v2;
	v43 =	vpop (erf)  }
0x19e: {  	[tilespmem:v9+s4+$0x0] =	vst.idx.add.f32.msk $0xffff, v39;
	v10 =	vmul.f32 v43, v40  }
0x19f: {  	(erf) = vpow2.f32 v2;
	v2 =	vld.idx.msk [tilespmem:v8+s29+$0x0], $0xffff  }
0x1a0: {  	[tilespmem:v25+s30+$0x0] =	vst.idx.add.f32.msk $0xffff, v10  }
0x1a1: {  	v7 =	vmul.f32 v7, v13;
	v45 =	vld.idx.msk [tilespmem:v31+s26+$0x0], $0xffff;
	v46 =	vadd.f32 v42, v41  }
0x1a2: {  	v38 =	vld.idx.msk [tilespmem:v5+s3+$0x0], $0xffff  }
0x1a3: {  	[tilespmem:v6+s5+$0x0] =	vst.idx.add.f32.msk $0xffff, v7;
	v12 =	vmul.f32 $2.000000030e-01, v46  }
0x1a4: {  	v49 =	vld.idx.msk [tilespmem:v4+s3+$0x0], $0xffff;
	vm1 =	vge.f32 v46, $0.0e+00  }
0x1a5: {  	[tilespmem:v6+s6+$0x0] =	vst.idx.add.f32.msk vm0, v13;
	v2 =	vmul.f32 v2, v16;
	v48 =	vsel vm1, v46, v12  }
0x1a6: {  	v30 =	vld.idx.msk [tilespmem:v14+s23+$0x0], $0xffff;
	v8 =	vmul.f32 v43, v45;
	v6 =	vsub.f32 v48, v1  }
0x1a7: {  	[tilespmem:v9+s5+$0x0] =	vst.idx.add.f32.msk $0xffff, v2  }
0x1a8: {  	v51 =	vpop (erf);
	[tilespmem:v25+s1+$0x0] =	vst.idx.add.f32.msk $0xffff, v8;
	v6 =	vmul.f32 $1.442695020e+00, v6  }
0x1a9: {  	v2 =	vmul.f32 v51, v47;
	v52 =	vld.idx.msk [tilespmem:v31+s28+$0x0], $0xffff  }
0x1aa: {  	v37 =	vld.idx.msk [tilespmem:v14+s25+$0x0], $0xffff;
	(erf) = vpow2.f32 v6  }
0x1ab: {  	[tilespmem:v18+s30+$0x0] =	vst.idx.add.f32.msk $0xffff, v2  }
0x1ac: {  	v53 =	vadd.f32 v50, v49;
	v2 =	vld.idx.msk [tilespmem:v19+s26+$0x0], $0xffff  }
0x1ad: {  	v8 =	vld [tilespmem:s11+$0xFFFFF070]  }
0x1ae: {  	v10 =	vmul.f32 $2.000000030e-01, v53;
	v12 =	vld [tilespmem:s11+$0xFFFFF0C0];
	v7 =	vmul.f32 v43, v52  }
0x1af: {  	vm1 =	vge.f32 v53, $0.0e+00;
	[tilespmem:v9+s6+$0x0] =	vst.idx.add.f32.msk vm0, v16  }
0x1b0: {  	v6 =	vsel vm1, v53, v10;
	[tilespmem:v25+s4+$0x0] =	vst.idx.add.f32.msk $0xffff, v7  }
0x1b1: {  	v6 =	vsub.f32 v6, v1;
	v2 =	vmul.f32 v51, v2;
	v7 =	vld.idx.msk [tilespmem:v31+s29+$0x0], $0xffff  }
0x1b2: {  	v53 =	vld.idx.msk [tilespmem:v15+s25+$0x0], $0xffff  }
0x1b3: {  	[tilespmem:v18+s1+$0x0] =	vst.idx.add.f32.msk $0xffff, v2;
	v2 =	vmul.f32 $1.442695020e+00, v6;
	v57 =	vpop (erf)  }
0x1b4: {  	v56 =	vld.idx.msk [tilespmem:v19+s28+$0x0], $0xffff;
	v9 =	vmul.f32 v57, v55  }
0x1b5: {  	(erf) = vpow2.f32 v2;
	v2 =	vld.idx.msk [tilespmem:v8+s3+$0x0], $0xffff  }
0x1b6: {  	v7 =	vmul.f32 v7, v43;
	[tilespmem:v3+s30+$0x0] =	vst.idx.add.f32.msk $0xffff, v9  }
0x1b7: {  	v9 =	vld.idx.msk [tilespmem:v21+s26+$0x0], $0xffff  }
0x1b8: {  	[tilespmem:v25+s5+$0x0] =	vst.idx.add.f32.msk $0xffff, v7  }
0x1b9: {  	[tilespmem:v25+s6+$0x0] =	vst.idx.add.f32.msk vm0, v43  }
0x1ba: {  	v6 =	vmul.f32 v51, v56;
	v25 =	vld [tilespmem:s11+$0xB0];
	v11 =	vadd.f32 v58, v2  }
0x1bb: {  	v2 =	vld [tilespmem:s11+$0xFFFFF080]  }
0x1bc: {  	[tilespmem:v18+s4+$0x0] =	vst.idx.add.f32.msk $0xffff, v6;
	v61 =	vmul.f32 $2.000000030e-01, v11  }
0x1bd: {  	v62 =	vld.idx.msk [tilespmem:v19+s29+$0x0], $0xffff;
	vm1 =	vge.f32 v11, $0.0e+00;
	v60 =	vmul.f32 v57, v9  }
0x1be: {  	v63 =	vpop (erf);
	v27 =	vsel vm1, v11, v61;
	v11 =	vld [tilespmem:s11+$0x90]  }
0x1bf: {  	[tilespmem:v3+s1+$0x0] =	vst.idx.add.f32.msk $0xffff, v60;
	v26 =	vmul.f32 v63, v59;
	v7 =	vsub.f32 v27, v1  }
0x1c0: {  	v28 =	vld.idx.msk [tilespmem:v21+s28+$0x0], $0xffff  }
0x1c1: {  	[tilespmem:v4+s30+$0x0] =	vst.idx.add.f32.msk $0xffff, v26;
	v7 =	vmul.f32 $1.442695020e+00, v7  }
0x1c2: {  	v6 =	vld.idx.msk [tilespmem:v44+s26+$0x0], $0xffff  }
0x1c3: {  	v29 =	vld.idx.msk [tilespmem:v2+s3+$0x0], $0xffff;
	(erf) = vpow2.f32 v7  }
0x1c4: {  	v16 =	vmul.f32 v62, v51;
	v45 =	vld.idx.msk [tilespmem:v25+s23+$0x0], $0xffff  }
0x1c5: {  	v60 =	vld.idx.msk [tilespmem:v25+s25+$0x0], $0xffff  }
0x1c6: {  	[tilespmem:v18+s5+$0x0] =	vst.idx.add.f32.msk $0xffff, v16  }
0x1c7: {  	[tilespmem:v18+s6+$0x0] =	vst.idx.add.f32.msk vm0, v51  }
0x1c8: {  	v32 =	vmul.f32 v63, v6;
	v34 =	vadd.f32 v30, v29;
	v6 =	vld [tilespmem:s11+$0xFFFFF0A0]  }
0x1c9: {  	v31 =	vmul.f32 v57, v28;
	v22 =	vld.idx.msk [tilespmem:v11+s23+$0x0], $0xffff  }
0x1ca: {  	v51 =	vld.idx.msk [tilespmem:v11+s25+$0x0], $0xffff;
	v7 =	vmul.f32 $2.000000030e-01, v34  }
0x1cb: {  	[tilespmem:v3+s4+$0x0] =	vst.idx.add.f32.msk $0xffff, v31;
	vm1 =	vge.f32 v34, $0.0e+00  }
0x1cc: {  	v21 =	vld.idx.msk [tilespmem:v21+s29+$0x0], $0xffff;
	v7 =	vsel vm1, v34, v7;
	v35 =	vpop (erf)  }
0x1cd: {  	[tilespmem:v4+s1+$0x0] =	vst.idx.add.f32.msk $0xffff, v32;
	v7 =	vsub.f32 v7, v1;
	v9 =	vmul.f32 v35, v33  }
0x1ce: {  	v36 =	vld.idx.msk [tilespmem:v44+s28+$0x0], $0xffff  }
0x1cf: {  	v7 =	vmul.f32 $1.442695020e+00, v7;
	[tilespmem:v8+s30+$0x0] =	vst.idx.add.f32.msk $0xffff, v9  }
0x1d0: {  	v23 =	vld.idx.msk [tilespmem:v6+s3+$0x0], $0xffff  }
0x1d1: {  	v9 =	vld.idx.msk [tilespmem:v54+s26+$0x0], $0xffff;
	(erf) = vpow2.f32 v7  }
0x1d2: {  	v7 =	vld [tilespmem:s11+$0xFFFFF0B0]  }
0x1d3: {  	v32 =	vld.idx.msk [tilespmem:v12+s3+$0x0], $0xffff;
	v20 =	vadd.f32 v22, v38;
	v21 =	vmul.f32 v21, v57  }
0x1d4: {  	v33 =	vld [tilespmem:s11+$0xD0]  }
0x1d5: {  	v22 =	vmul.f32 $2.000000030e-01, v20;
	v16 =	vmul.f32 v63, v36;
	[tilespmem:v3+s5+$0x0] =	vst.idx.add.f32.msk $0xffff, v21  }
0x1d6: {  	vm1 =	vge.f32 v20, $0.0e+00;
	v36 =	vld [tilespmem:s11+$0xE0];
	v40 =	vadd.f32 v24, v23  }
0x1d7: {  	v20 =	vsel vm1, v20, v22;
	[tilespmem:v4+s4+$0x0] =	vst.idx.add.f32.msk $0xffff, v16;
	v9 =	vmul.f32 v35, v9  }
0x1d8: {  	v42 =	vsub.f32 v20, v1;
	v16 =	vld.idx.msk [tilespmem:v44+s29+$0x0], $0xffff;
	v43 =	vmul.f32 $2.000000030e-01, v40  }
0x1d9: {  	vm1 =	vge.f32 v40, $0.0e+00;
	[tilespmem:v8+s1+$0x0] =	vst.idx.add.f32.msk $0xffff, v9  }
0x1da: {  	v9 =	vmul.f32 $1.442695020e+00, v42;
	v44 =	vld.idx.msk [tilespmem:v7+s3+$0x0], $0xffff;
	v18 =	vsel vm1, v40, v43;
	v17 =	vpop (erf)  }
0x1db: {  	v41 =	vld.idx.msk [tilespmem:v54+s28+$0x0], $0xffff;
	v18 =	vsub.f32 v18, v1;
	v39 =	vmul.f32 v17, v37  }
0x1dc: {  	[tilespmem:v3+s6+$0x0] =	vst.idx.add.f32.msk vm0, v57;
	(erf) = vpow2.f32 v9  }
0x1dd: {  	v3 =	vmul.f32 $1.442695020e+00, v18;
	[tilespmem:v2+s30+$0x0] =	vst.idx.add.f32.msk $0xffff, v39  }
0x1de: {  	v46 =	vld.idx.msk [tilespmem:v14+s26+$0x0], $0xffff  }
0x1df: {  	v38 =	vld [tilespmem:s11+$0xF0];
	(erf) = vpow2.f32 v3;
	v3 =	vadd.f32 v45, v44  }
0x1e0: {  	v28 =	vld.idx.msk [tilespmem:v33+s23+$0x0], $0xffff;
	v47 =	vmul.f32 v35, v41  }
0x1e1: {  	v40 =	vld.idx.msk [tilespmem:v36+s23+$0x0], $0xffff;
	v52 =	vmul.f32 $2.000000030e-01, v3  }
0x1e2: {  	v48 =	vmul.f32 v16, v63;
	[tilespmem:v8+s4+$0x0] =	vst.idx.add.f32.msk $0xffff, v47;
	vm1 =	vge.f32 v3, $0.0e+00  }
0x1e3: {  	v49 =	vld.idx.msk [tilespmem:v54+s29+$0x0], $0xffff;
	v3 =	vsel vm1, v3, v52;
	v50 =	vmul.f32 v17, v46  }
0x1e4: {  	[tilespmem:v4+s5+$0x0] =	vst.idx.add.f32.msk $0xffff, v48;
	v3 =	vsub.f32 v3, v1  }
0x1e5: {  	v54 =	vpop (erf);
	[tilespmem:v2+s1+$0x0] =	vst.idx.add.f32.msk $0xffff, v50  }
0x1e6: {  	v55 =	vmul.f32 v54, v51;
	v3 =	vmul.f32 $1.442695020e+00, v3;
	v9 =	vld.idx.msk [tilespmem:v14+s28+$0x0], $0xffff  }
0x1e7: {  	v18 =	vld [tilespmem:s11+$0xFFFFF0D0]  }
0x1e8: {  	v10 =	vmul.f32 v49, v35;
	[tilespmem:v5+s30+$0x0] =	vst.idx.add.f32.msk $0xffff, v55;
	v57 =	vpop (erf);
	(erf) = vpow2.f32 v3  }
0x1e9: {  	v3 =	vld.idx.msk [tilespmem:v11+s26+$0x0], $0xffff;
	v58 =	vmul.f32 v57, v53  }
0x1ea: {  	[tilespmem:v8+s5+$0x0] =	vst.idx.add.f32.msk $0xffff, v10  }
0x1eb: {  	[tilespmem:v6+s30+$0x0] =	vst.idx.add.f32.msk $0xffff, v58;
	v56 =	vmul.f32 v17, v9  }
0x1ec: {  	v59 =	vld.idx.msk [tilespmem:v15+s26+$0x0], $0xffff  }
0x1ed: {  	[tilespmem:v2+s4+$0x0] =	vst.idx.add.f32.msk $0xffff, v56  }
0x1ee: {  	v61 =	vld.idx.msk [tilespmem:v14+s29+$0x0], $0xffff  }
0x1ef: {  	v3 =	vmul.f32 v54, v3;
	v14 =	vld [tilespmem:s11+$0xC0]  }
0x1f0: {  	[tilespmem:v8+s6+$0x0] =	vst.idx.add.f32.msk vm0, v35  }
0x1f1: {  	[tilespmem:v5+s1+$0x0] =	vst.idx.add.f32.msk $0xffff, v3;
	v3 =	vmul.f32 v57, v59;
	v62 =	vpop (erf)  }
0x1f2: {  	v35 =	vld [tilespmem:s11+$0xFFFFF0E0];
	v10 =	vmul.f32 v62, v60  }
0x1f3: {  	[tilespmem:v6+s1+$0x0] =	vst.idx.add.f32.msk $0xffff, v3  }
0x1f4: {  	[tilespmem:v7+s30+$0x0] =	vst.idx.add.f32.msk $0xffff, v10  }
0x1f5: {  	v3 =	vld.idx.msk [tilespmem:v25+s26+$0x0], $0xffff  }
0x1f6: {  	v37 =	vld [tilespmem:s11+$0xFFFFF0F0]  }
0x1f7: {  	v34 =	vld.idx.msk [tilespmem:v14+s23+$0x0], $0xffff  }
0x1f8: {  	[tilespmem:v4+s6+$0x0] =	vst.idx.add.f32.msk vm0, v63  }
0x1f9: {  	v27 =	vld.idx.msk [tilespmem:v18+s3+$0x0], $0xffff  }
0x1fa: {  	v63 =	vld.idx.msk [tilespmem:v11+s28+$0x0], $0xffff;
	v3 =	vmul.f32 v62, v3  }
0x1fb: {  	v26 =	vld.idx.msk [tilespmem:v15+s28+$0x0], $0xffff  }
0x1fc: {  	[tilespmem:v7+s1+$0x0] =	vst.idx.add.f32.msk $0xffff, v3;
	v3 =	vadd.f32 v34, v32  }
0x1fd: {  	v39 =	vld.idx.msk [tilespmem:v35+s3+$0x0], $0xffff  }
0x1fe: {  	v41 =	vld.idx.msk [tilespmem:v38+s23+$0x0], $0xffff;
	v29 =	vmul.f32 $2.000000030e-01, v3  }
0x1ff: {  	v30 =	vld.idx.msk [tilespmem:v37+s3+$0x0], $0xffff;
	v16 =	vmul.f32 v54, v63;
	vm1 =	vge.f32 v3, $0.0e+00  }
0x200: {  	v27 =	vadd.f32 v28, v27;
	v42 =	vld.idx.msk [tilespmem:v25+s28+$0x0], $0xffff;
	v3 =	vsel vm1, v3, v29  }
0x201: {  	[tilespmem:v5+s4+$0x0] =	vst.idx.add.f32.msk $0xffff, v16;
	v43 =	vmul.f32 v57, v26;
	v3 =	vsub.f32 v3, v1  }
0x202: {  	v44 =	vmul.f32 $2.000000030e-01, v27;
	v10 =	vadd.f32 v40, v39;
	v11 =	vld.idx.msk [tilespmem:v11+s29+$0x0], $0xffff  }
0x203: {  	v13 =	vmul.f32 v61, v17;
	[tilespmem:v6+s4+$0x0] =	vst.idx.add.f32.msk $0xffff, v43;
	v3 =	vmul.f32 $1.442695020e+00, v3  }
0x204: {  	v46 =	vadd.f32 v41, v30;
	v47 =	vmul.f32 $2.000000030e-01, v10;
	v15 =	vld.idx.msk [tilespmem:v15+s29+$0x0], $0xffff;
	vm1 =	vge.f32 v27, $0.0e+00  }
0x205: {  	[tilespmem:v2+s5+$0x0] =	vst.idx.add.f32.msk $0xffff, v13;
	v45 =	vsel vm1, v27, v44;
	(erf) = vpow2.f32 v3;
	v3 =	vmul.f32 v62, v42  }
0x206: {  	[tilespmem:v2+s6+$0x0] =	vst.idx.add.f32.msk vm0, v17;
	vm1 =	vge.f32 v10, $0.0e+00;
	v16 =	vsub.f32 v45, v1  }
0x207: {  	v49 =	vmul.f32 $2.000000030e-01, v46;
	v2 =	vsel vm1, v10, v47;
	[tilespmem:v7+s4+$0x0] =	vst.idx.add.f32.msk $0xffff, v3;
	v3 =	vmul.f32 v11, v54  }
0x208: {  	vm1 =	vge.f32 v46, $0.0e+00;
	v2 =	vsub.f32 v2, v1;
	v48 =	vmul.f32 $1.442695020e+00, v16  }
0x209: {  	v50 =	vsel vm1, v46, v49;
	[tilespmem:v5+s5+$0x0] =	vst.idx.add.f32.msk $0xffff, v3;
	v3 =	vmul.f32 v15, v57  }
0x20a: {  	v10 =	vsub.f32 v50, v1;
	v2 =	vmul.f32 $1.442695020e+00, v2;
	(erf) = vpow2.f32 v48;
	v51 =	vld.idx.msk [tilespmem:v25+s29+$0x0], $0xffff  }
0x20b: {  	[tilespmem:v6+s5+$0x0] =	vst.idx.add.f32.msk $0xffff, v3  }
0x20c: {  	(erf) = vpow2.f32 v2;
	v2 =	vmul.f32 $1.442695020e+00, v10;
	v3 =	vld.idx.msk [tilespmem:v14+s25+$0x0], $0xffff  }
0x20d: {  	v56 =	vld.idx.msk [tilespmem:v38+s25+$0x0], $0xffff  }
0x20e: {  	(erf) = vpow2.f32 v2;
	v2 =	vld.idx.msk [tilespmem:v33+s25+$0x0], $0xffff  }
0x20f: {  	[tilespmem:v5+s6+$0x0] =	vst.idx.add.f32.msk vm0, v54  }
0x210: {  	v54 =	vld.idx.msk [tilespmem:v36+s25+$0x0], $0xffff;
	v52 =	vmul.f32 v51, v62;
	v53 =	vpop (erf)  }
0x211: {  	[tilespmem:v6+s6+$0x0] =	vst.idx.add.f32.msk vm0, v57;
	v3 =	vmul.f32 v53, v3  }
0x212: {  	[tilespmem:v7+s5+$0x0] =	vst.idx.add.f32.msk $0xffff, v52  }
0x213: {  	v55 =	vpop (erf);
	[tilespmem:v7+s6+$0x0] =	vst.idx.add.f32.msk vm0, v62  }
0x214: {  	v2 =	vmul.f32 v55, v2;
	[tilespmem:v12+s30+$0x0] =	vst.idx.add.f32.msk $0xffff, v3  }
0x215: {  	v57 =	vld.idx.msk [tilespmem:v14+s26+$0x0], $0xffff;
	v3 =	vpop (erf)  }
0x216: {  	[tilespmem:v18+s30+$0x0] =	vst.idx.add.f32.msk $0xffff, v2;
	v2 =	vmul.f32 v3, v54  }
0x217: {  	v58 =	vld.idx.msk [tilespmem:v33+s26+$0x0], $0xffff;
	v59 =	vpop (erf)  }
0x218: {  	[tilespmem:v35+s30+$0x0] =	vst.idx.add.f32.msk $0xffff, v2;
	v2 =	vmul.f32 v59, v56  }
0x219: {  	v60 =	vld.idx.msk [tilespmem:v36+s26+$0x0], $0xffff  }
0x21a: {  	v8 =	vmul.f32 v53, v57;
	[tilespmem:v37+s30+$0x0] =	vst.idx.add.f32.msk $0xffff, v2  }
0x21b: {  	v2 =	vld.idx.msk [tilespmem:v38+s26+$0x0], $0xffff  }
0x21c: {  	v5 =	vmul.f32 v55, v58;
	[tilespmem:v12+s1+$0x0] =	vst.idx.add.f32.msk $0xffff, v8  }
0x21d: {  	v8 =	vld.idx.msk [tilespmem:v14+s28+$0x0], $0xffff  }
0x21e: {  	[tilespmem:v18+s1+$0x0] =	vst.idx.add.f32.msk $0xffff, v5;
	v61 =	vmul.f32 v3, v60  }
0x21f: {  	v62 =	vld.idx.msk [tilespmem:v33+s28+$0x0], $0xffff  }
0x220: {  	[tilespmem:v35+s1+$0x0] =	vst.idx.add.f32.msk $0xffff, v61;
	v2 =	vmul.f32 v59, v2  }
0x221: {  	v5 =	vld.idx.msk [tilespmem:v36+s28+$0x0], $0xffff  }
0x222: {  	v8 =	vmul.f32 v53, v8;
	[tilespmem:v37+s1+$0x0] =	vst.idx.add.f32.msk $0xffff, v2  }
0x223: {  	v2 =	vld.idx.msk [tilespmem:v38+s28+$0x0], $0xffff  }
0x224: {  	v7 =	vmul.f32 v55, v62;
	[tilespmem:v12+s4+$0x0] =	vst.idx.add.f32.msk $0xffff, v8  }
0x225: {  	v8 =	vld.idx.msk [tilespmem:v14+s29+$0x0], $0xffff  }
0x226: {  	[tilespmem:v18+s4+$0x0] =	vst.idx.add.f32.msk $0xffff, v7;
	v5 =	vmul.f32 v3, v5  }
0x227: {  	v7 =	vld.idx.msk [tilespmem:v33+s29+$0x0], $0xffff  }
0x228: {  	[tilespmem:v35+s4+$0x0] =	vst.idx.add.f32.msk $0xffff, v5;
	v2 =	vmul.f32 v59, v2  }
0x229: {  	v5 =	vld.idx.msk [tilespmem:v36+s29+$0x0], $0xffff  }
0x22a: {  	[tilespmem:v37+s4+$0x0] =	vst.idx.add.f32.msk $0xffff, v2;
	v2 =	vmul.f32 v8, v53  }
0x22b: {  	v63 =	vld.idx.msk [tilespmem:v38+s29+$0x0], $0xffff  }
0x22c: {  	[tilespmem:v12+s5+$0x0] =	vst.idx.add.f32.msk $0xffff, v2;
	v2 =	vmul.f32 v7, v55  }
0x22d: {  	s10 =	sadd.s32 $0x10, s10;
	[tilespmem:v12+s6+$0x0] =	vst.idx.add.f32.msk vm0, v53  }
0x22e: {  	p1 =	slt.u32 s10, $0xF0;
	[tilespmem:v18+s5+$0x0] =	vst.idx.add.f32.msk $0xffff, v2;
	v2 =	vmul.f32 v5, v3  }
.Ltmp11:
0x22f: {  	[tilespmem:v18+s6+$0x0] =	vst.idx.add.f32.msk vm0, v55;
	(pc) =	sbr.rel @p1 .LBB2_25-.Ltmp11, $4  }
0x230: {  	[tilespmem:v35+s5+$0x0] =	vst.idx.add.f32.msk $0xffff, v2;
	v2 =	vmul.f32 v63, v59  }
0x231: {  	[tilespmem:v35+s6+$0x0] =	vst.idx.add.f32.msk vm0, v3  }
0x232: {  	[tilespmem:v37+s5+$0x0] =	vst.idx.add.f32.msk $0xffff, v2  }
0x233: {  	s11 =	sadd.s32 $0x100, s11;
	[tilespmem:v37+s6+$0x0] =	vst.idx.add.f32.msk vm0, v59  }
0x234: {  	s8 =	sadd.s32 $0x1, s8  }
0x235: {  	p1 =	sne.s32 s8, $0x29  }
.Ltmp12:
0x236: {  	_ = 	snop;
	(pc) =	sbr.rel @p1 .LBB2_22-.Ltmp12, $3  }
0x237: {  	_ =	sdelay $0x1  }
0x238: {  	s9 =	sadd.s32 s9, s13  }
0x239: {  	[tilespmem:s0], [sflag:$0x2] =	stream.linear.gather [hbm4b:s9+s3], $0x2000, $0x38;
	[tilespmem:$0x1F300] =	vst v63  }
0x23a: {  	_ =	swait.ge [sflag:s2], $0x2000  }
0x23b: {  	[sflag:s2] =	ssyncset.done $0x0  }
0x23c: {  	[sflag:s2] =	ssyncadd.s32 $0xFFFFE000  }
0x23d: {  	_ =	swait.ge [sflag:s21], $0x2000  }
0x23e: {  	[sflag:s21] =	ssyncset.done $0x0  }
0x23f: {  	[sflag:s21] =	ssyncadd.s32 $0xFFFFE000  }
0x240: {  	[hbm4b:s14+s20] =	stream.strided.scatter [tilespmem:s30], [sflag:$0x3], $0x2780, s24, s20, $0x38;
	[tilespmem:$0x1F300] =	vst v63  }
0x241: {  	_ =	swait.ge [sflag:s22], $0x2780  }
0x242: {  	[sflag:s22] =	ssyncset.done $0x0  }
0x243: {  	[sflag:s22] =	ssyncadd.s32 $0xFFFFD880  }
0x244: {  	[hbm4b:s15+s20] =	stream.strided.scatter [tilespmem:s1], [sflag:$0x3], $0x2780, s24, s20, $0x38;
	[tilespmem:$0x1F300] =	vst v63  }
0x245: {  	_ =	swait.ge [sflag:s22], $0x2780  }
0x246: {  	[sflag:s22] =	ssyncset.done $0x0  }
0x247: {  	[sflag:s22] =	ssyncadd.s32 $0xFFFFD880  }
0x248: {  	[hbm4b:s16+s20] =	stream.strided.scatter [tilespmem:s4], [sflag:$0x3], $0x2780, s24, s20, $0x38;
	[tilespmem:$0x1F300] =	vst v63  }
0x249: {  	_ =	swait.ge [sflag:s22], $0x2780  }
0x24a: {  	[sflag:s22] =	ssyncset.done $0x0  }
0x24b: {  	[sflag:s22] =	ssyncadd.s32 $0xFFFFD880  }
0x24c: {  	[hbm4b:s17+s20] =	stream.strided.scatter [tilespmem:s5], [sflag:$0x3], $0x2780, s24, s20, $0x38;
	[tilespmem:$0x1F300] =	vst v63  }
0x24d: {  	s8 =	simm.s32 @!p0 $0x80;
	_ =	swait.ge [sflag:s22], $0x2780  }
0x24e: {  	s9 =	simm.s32 @!p0 $0x200;
	s7 =	sadd.s32 $0x1, s7;
	[sflag:s22] =	ssyncset.done $0x0  }
0x24f: {  	s10 =	simm.s32 @!p0 $0x18B00;
	p1 =	sne.s32 s7, s19;
	[sflag:s22] =	ssyncadd.s32 $0xFFFFD880  }
0x250: {  	[hbm4b:s18+s8] =	stream.strided.scatter @!p0 [tilespmem:s10], [sflag:$0x3], $0x2780, s9, s8, $0x38;
	[tilespmem:$0x1F300] =	vst v63  }
.Ltmp13:
0x251: {  	_ = 	snop;
	(pc) =	sbr.rel @p1 .LBB2_1-.Ltmp13, $4  }
0x252: {  	s8 =	simm.s32 @!p0 $0x3  }
0x253: {  	_ =	swait.ge @!p0 [sflag:s8], $0x2780  }
0x254: {  	[sflag:s8] =	ssyncset.done @!p0 $0x0  }
0x255: {  	[sflag:s8] =	ssyncadd.s32 @!p0 $0xFFFFD880  }
0x256: {  	_ =	sfence.sel $0x180000  }
0x257: {  	[bflag:$0x0] =	sbarrier.arrive $0xFFFF  }
0x258: {  	_ =	strace $0x90000047  }
0x259: {  	s0 =	stileid.u32;
	[bflag:$0x2] =	sbarrier.arrive $0xFFFF  }
0x25a: {  	p0 =	sne.s32 s0, $0x0;
	s0 =	rddreg [dreg:$0x2]  }
0x25b: {  	s0 =	sadd.s32 @!p0 $0x100000, s0  }
0x25c: {  	[sflag:s0] =	ssyncadd.tile.s32 @!p0 $0x1;
	_ =	shalt  }
.Lfunc_end2:
_tile_overlayer_lowered:
.L_overlay_start_2:
0x25d: {  	(tag) =	ssettag $0x2  }
0x25e: {  	s0 =	rddreg [dreg:$0x0];
	s2 =	stileid.u32  }
0x25f: {  	s1 =	rddreg [dreg:$0x1];
	p0 =	sne.s32 s2, $0x0  }
0x260: {  	s3 =	rddreg [dreg:$0x2];
	[bflag:$0x3] =	sbarrier.arrive $0xFFFF;
	s2 =	simm.s32 @!p0 $0x1C03  }
0x261: {  	[timem:s3], [sflag:s2] =	dma.local @!p0 [hbm:s0], s1  }
0x262: {  	s0 =	simm.s32 @!p0 $0x3  }
0x263: {  	_ =	swait.ge @!p0 [sflag:s0], s1  }
0x264: {  	s1 =	ssub.s32 @!p0 $0x0, s1;
	[sflag:s0] =	ssyncset.done @!p0 $0x0  }
0x265: {  	[sflag:s0] =	ssyncadd.s32 @!p0 s1  }
0x266: {  	[bflag:$0x3] =	sbarrier.arrive $0xFFFF  }
0x267: {  	_ =	shalt  }

</sc_bundles>
